<compile_context>
chip_gen: v7x
topology: tpu7x:2x2x1
jax: 0.10.2.dev20260603
libtpu: 0.0.44.dev20260713+nightly
codegen_flags: <defaults>
</compile_context>

<pallas_src>
import functools

import jax
import jax.numpy as jnp
from jax import lax
from jax.experimental import pallas as pl
from jax.experimental.pallas import tpu as pltpu
from jax.experimental.pallas import tpu_sc as plsc

N = 10000
E = 320000
F = 128
C = 10
CP = 16
NC, NS = 2, 16
NW = NC * NS
BK = 128
NB = 80
EPT = NB * BK
E_PAD = NW * EPT
R = 10240
RT = R // NS
TRASH = N + 16
BR = 1000
GRID = N // BR
F2 = F // NC


def _mesh():
    return plsc.VectorSubcoreMesh(
        core_axis_name="c", subcore_axis_name="s", num_cores=NC, num_subcores=NS)


def _sc_deg():
    @functools.partial(
        pl.kernel,
        out_type=jax.ShapeDtypeStruct((NC, R, CP), jnp.float32),
        mesh=_mesh(),
        scratch_types=[
            pltpu.VMEM((NB, BK), jnp.int32),
            pltpu.VMEM((BK, CP), jnp.float32),
            pltpu.SemaphoreType.DMA,
            pltpu.VMEM_SHARED((R, CP), jnp.float32),
        ],
        compiler_params=pltpu.CompilerParams(use_tc_tiling_on_sc=False),
        name="gcn_deg",
    )
    def deg(dst_hbm, ones_hbm, zeros_hbm, degp_hbm, dst_v, ones_v, sem, acc_sh):
        cid = lax.axis_index("c")
        sid = lax.axis_index("s")
        w = cid * NS + sid
        pltpu.sync_copy(dst_hbm.at[w], dst_v)
        pltpu.sync_copy(ones_hbm, ones_v)
        pltpu.sync_copy(zeros_hbm.at[pl.ds(sid * RT, RT)],
                        acc_sh.at[pl.ds(sid * RT, RT)])
        plsc.subcore_barrier()

        K = 8

        def step(i, carry):
            for b in range(K):
                pltpu.async_copy(
                    ones_v, acc_sh.at[dst_v.at[i * K + b]], sem, add=True)
            for b in range(K):
                pltpu.make_async_copy(
                    ones_v, acc_sh.at[dst_v.at[i * K + b]], sem).wait()
            return carry

        lax.fori_loop(0, NB // K, step, 0)
        plsc.subcore_barrier()
        pltpu.sync_copy(acc_sh.at[pl.ds(sid * RT, RT)],
                        degp_hbm.at[cid, pl.ds(sid * RT, RT)])

    return deg


def _sc_prop_sp(D, col_split, NBUF, HALVES, name):
    PD = NBUF // 2
    TPB = (E_PAD // NS // BK) if col_split else NB
    HB = TPB // HALVES

    @functools.partial(
        pl.kernel,
        out_type=jax.ShapeDtypeStruct((NC, R, D), jnp.float32),
        mesh=_mesh(),
        scratch_types=[
            pltpu.VMEM((HB, BK), jnp.int32),
            pltpu.VMEM((HB, BK), jnp.int32),
            pltpu.VMEM((NBUF, BK, D), jnp.float32),
            pltpu.SemaphoreType.DMA((NBUF,)),
            pltpu.SemaphoreType.DMA((NBUF,)),
            pltpu.VMEM_SHARED((R, D), jnp.float32),
            pltpu.VMEM_SHARED((R, D), jnp.float32),
        ],
        compiler_params=pltpu.CompilerParams(use_tc_tiling_on_sc=False),
        name=name,
    )
    def prop(y_hbm, src_hbm, dst_hbm, zeros_hbm, p_hbm, src_v, dst_v, buf,
             gsem, ssem, table_sh, acc_sh):
        cid = lax.axis_index("c")
        sid = lax.axis_index("s")
        rows = pl.ds(sid * RT, RT)
        if col_split:
            pltpu.sync_copy(y_hbm.at[cid, rows], table_sh.at[rows])
        else:
            pltpu.sync_copy(y_hbm.at[rows], table_sh.at[rows])
        pltpu.sync_copy(zeros_hbm.at[rows], acc_sh.at[rows])
        plsc.subcore_barrier()

        def gather(j, b):
            pltpu.async_copy(table_sh.at[src_v.at[j]], buf.at[b], gsem.at[b])

        def gather_wait(j, b):
            pltpu.make_async_copy(
                table_sh.at[src_v.at[j]], buf.at[b], gsem.at[b]).wait()

        def scatter(j, b):
            pltpu.async_copy(
                buf.at[b], acc_sh.at[dst_v.at[j]], ssem.at[b], add=True)

        def scatter_wait(j, b):
            pltpu.make_async_copy(
                buf.at[b], acc_sh.at[dst_v.at[j]], ssem.at[b]).wait()

        w = sid if col_split else cid * NS + sid
        for h in range(HALVES):
            pltpu.sync_copy(src_hbm.at[w, pl.ds(h * HB, HB)], src_v)
            pltpu.sync_copy(dst_hbm.at[w, pl.ds(h * HB, HB)], dst_v)

            for j0 in range(PD):
                gather(j0, j0)

            def step(i, carry):
                for b in range(NBUF):
                    j = NBUF * i + b
                    bw = (b + PD) % NBUF
                    if b < PD:
                        @pl.when(i > 0)
                        def _():
                            scatter_wait(j - PD, bw)
                    else:
                        scatter_wait(j - PD, bw)
                    if b < PD:
                        gather(j + PD, bw)
                    else:
                        @pl.when(i < HB // NBUF - 1)
                        def _():
                            gather(j + PD, bw)
                    gather_wait(j, b)
                    scatter(j, b)
                return carry

            lax.fori_loop(0, HB // NBUF, step, 0)
            for j0 in range(PD):
                scatter_wait(HB - PD + j0, (HB - PD + j0) % NBUF)

        plsc.subcore_barrier()
        pltpu.sync_copy(acc_sh.at[rows], p_hbm.at[cid, rows])

    return prop


def _dinv(degp_ref):
    deg = degp_ref[0, :, 0:1] + degp_ref[1, :, 0:1] + 1.0
    return lax.rsqrt(deg)


def _tc_scale_in(x, W1, degp):
    def body(x_ref, w_ref, degp_ref, y_ref):
        dinv = _dinv(degp_ref)
        xw = jnp.dot(x_ref[...], w_ref[...], preferred_element_type=jnp.float32)
        y = xw * dinv
        y_ref[0] = y[:, :F2]
        y_ref[1] = y[:, F2:]

    return pl.pallas_call(
        body,
        grid=(GRID,),
        in_specs=[
            pl.BlockSpec((BR, F), lambda i: (i, 0)),
            pl.BlockSpec((F, F), lambda i: (0, 0)),
            pl.BlockSpec((NC, BR, CP), lambda i: (0, i, 0)),
        ],
        out_specs=pl.BlockSpec((NC, BR, F2), lambda i: (0, i, 0)),
        out_shape=jax.ShapeDtypeStruct((NC, R, F2), jnp.float32),
    )(x, W1, degp)


def _tc_mid(p, degp, y1, b1r, W2p):
    def body(p_ref, degp_ref, y1_ref, b1_ref, w2_ref, y2_ref):
        dinv = _dinv(degp_ref)
        acc = jnp.concatenate(
            [p_ref[0] + y1_ref[0], p_ref[1] + y1_ref[1]], axis=1)
        h = jnp.maximum(acc * dinv + b1_ref[...], 0.0)
        hw = jnp.dot(h, w2_ref[...], preferred_element_type=jnp.float32)
        y2_ref[...] = hw * dinv

    return pl.pallas_call(
        body,
        grid=(GRID,),
        in_specs=[
            pl.BlockSpec((NC, BR, F2), lambda i: (0, i, 0)),
            pl.BlockSpec((NC, BR, CP), lambda i: (0, i, 0)),
            pl.BlockSpec((NC, BR, F2), lambda i: (0, i, 0)),
            pl.BlockSpec((1, F), lambda i: (0, 0)),
            pl.BlockSpec((F, CP), lambda i: (0, 0)),
        ],
        out_specs=pl.BlockSpec((BR, CP), lambda i: (i, 0)),
        out_shape=jax.ShapeDtypeStruct((R, CP), jnp.float32),
    )(p, degp, y1, b1r, W2p)


def _tc_out(q, degp, y2, b2r):
    def body(q_ref, degp_ref, y2_ref, b2_ref, o_ref):
        dinv = _dinv(degp_ref)
        logits = (q_ref[0] + q_ref[1] + y2_ref[...]) * dinv + b2_ref[...]
        col = lax.broadcasted_iota(jnp.int32, (BR, CP), 1)
        logits = jnp.where(col < C, logits, -1e30)
        m = jnp.max(logits, axis=1, keepdims=True)
        s = jnp.sum(jnp.exp(logits - m), axis=1, keepdims=True)
        o_ref[...] = logits - m - jnp.log(s)

    return pl.pallas_call(
        body,
        grid=(GRID,),
        in_specs=[
            pl.BlockSpec((NC, BR, CP), lambda i: (0, i, 0)),
            pl.BlockSpec((NC, BR, CP), lambda i: (0, i, 0)),
            pl.BlockSpec((BR, CP), lambda i: (i, 0)),
            pl.BlockSpec((1, CP), lambda i: (0, 0)),
        ],
        out_specs=pl.BlockSpec((BR, CP), lambda i: (i, 0)),
        out_shape=jax.ShapeDtypeStruct((N, CP), jnp.float32),
    )(q, degp, y2, b2r)


def kernel(x, edge_index, W1, b1, W2, b2):
    src = edge_index[0].astype(jnp.int32)
    dst = edge_index[1].astype(jnp.int32)
    src_p = jnp.pad(src, (0, E_PAD - E)).reshape(NW, NB, BK)
    dst_p = jnp.pad(dst, (0, E_PAD - E), constant_values=TRASH).reshape(NW, NB, BK)
    zeros_h = jnp.zeros((R, F2), jnp.float32)
    zeros_c = jnp.zeros((R, CP), jnp.float32)
    ones_rows = jnp.ones((BK, CP), jnp.float32)
    b1r = jnp.reshape(b1, (1, F))
    W2p = jnp.pad(W2, ((0, 0), (0, CP - C)))
    b2r = jnp.reshape(jnp.pad(b2, (0, CP - C)), (1, CP))

    src16 = src_p.reshape(NS, NB * NC, BK)
    dst16 = dst_p.reshape(NS, NB * NC, BK)

    degp = _sc_deg()(dst_p, ones_rows, zeros_c)
    y1 = _tc_scale_in(x, W1, degp)
    p = _sc_prop_sp(F2, True, 2, 2, "gcn_prop128")(y1, src16, dst16, zeros_h)
    y2 = _tc_mid(p, degp, y1, b1r, W2p)
    q = _sc_prop_sp(CP, False, 2, 1, "gcn_prop16")(y2, src_p, dst_p, zeros_c)
    out16 = _tc_out(q, degp, y2, b2r)
    return out16[:, :C]

# --- scband reference (transcript-rebuilt; emitter-appended) ---
"""Pipeline reference for scband-gcn-66692252172820 (READ-ONLY COPY).

The authoritative reference and input builder live on the scoring server;
editing this copy changes nothing except your own understanding.
"""

import jax, jax.numpy as jnp
import numpy as np

N_NODES = 10000
N_EDGES = 320000
NFEAT = 128
NHID = 128
NCLASS = 10


def setup_inputs(seed: int = 0) -> dict:
    key = jax.random.key(seed)
    k1, k2, k3, k4, k5, k6 = jax.random.split(key, 6)
    x = jax.random.normal(k1, (N_NODES, NFEAT), dtype=jnp.float32)
    edge_index = jax.random.randint(k2, (2, N_EDGES), 0, N_NODES, dtype=jnp.int64)
    s1 = (1.0 / np.sqrt(NFEAT)).astype(np.float32) if isinstance(np.sqrt(NFEAT), np.ndarray) else np.float32(1.0 / np.sqrt(NFEAT))
    s2 = np.float32(1.0 / np.sqrt(NHID))
    W1 = jax.random.uniform(k3, (NFEAT, NHID), dtype=jnp.float32, minval=-s1, maxval=s1)
    b1 = jnp.zeros((NHID,), dtype=jnp.float32)
    W2 = jax.random.uniform(k4, (NHID, NCLASS), dtype=jnp.float32, minval=-s2, maxval=s2)
    b2 = jnp.zeros((NCLASS,), dtype=jnp.float32)
    return {"x": x, "edge_index": edge_index, "W1": W1, "b1": b1, "W2": W2, "b2": b2}


def _gcn_conv(x, src, dst, W, b, num_nodes):
    # PyG GCNConv with add_self_loops=True, edge_weight=None
    loop = jnp.arange(num_nodes, dtype=src.dtype)
    src_f = jnp.concatenate([src, loop])
    dst_f = jnp.concatenate([dst, loop])
    ew = jnp.ones(src_f.shape[0], dtype=x.dtype)
    deg = jnp.zeros((num_nodes,), dtype=x.dtype).at[dst_f].add(ew)
    deg_inv_sqrt = jnp.where(deg > 0, deg ** -0.5, 0.0)
    norm = deg_inv_sqrt[src_f] * ew * deg_inv_sqrt[dst_f]
    xw = x @ W
    msg = xw[src_f] * norm[:, None]
    out = jnp.zeros((num_nodes, W.shape[1]), dtype=x.dtype).at[dst_f].add(msg)
    return out + b


def reference(x, edge_index, W1, b1, W2, b2):
    # eval mode: dropout is identity; layer_norm_first=False, use_ln=False
    src, dst = edge_index[0], edge_index[1]
    h = _gcn_conv(x, src, dst, W1, b1, N_NODES)
    h = jax.nn.relu(h)
    logits = _gcn_conv(h, src, dst, W2, b2, N_NODES)
    return jax.nn.log_softmax(logits, axis=1)

if __name__ == "__main__":
    import jax
    _d = setup_inputs()
    print(jax.jit(kernel)(*tuple(_d.values())))

</pallas_src>

<mosaic_0001>
#map = affine_map<(d0, d1) -> (0, 0, 0)>
#map1 = affine_map<(d0, d1) -> (0, 0)>
module attributes {stable_mosaic.version = 14 : i64} {
  func.func @gcn_deg(%arg0: i32, %arg1: i32, %arg2: memref<32x80x128xi32, #tpu.memory_space<hbm>>, %arg3: memref<128x16xf32, #tpu.memory_space<hbm>>, %arg4: memref<10240x16xf32, #tpu.memory_space<hbm>>, %arg5: memref<2x10240x16xf32, #tpu.memory_space<hbm>>, %arg6: memref<80x128xi32, #tpu.memory_space<vmem>>, %arg7: memref<128x16xf32, #tpu.memory_space<vmem>>, %arg8: memref<!tpu.dma_semaphore, #tpu.memory_space<semaphore_mem>>, %arg9: memref<10240x16xf32, #tpu.memory_space<vmem_shared>>) attributes {dimension_semantics = [#tpu.dimension_semantics<core_parallel>, #tpu.dimension_semantics<subcore_parallel>], iteration_bounds = array<i64: 2, 16>, scalar_prefetch = 0 : i64, scratch_operands = 4 : i64, tpu.core_type = #tpu.core_type<sc_vector_subcore>, window_params = [{transform_indices = #map}, {transform_indices = #map1}, {transform_indices = #map1}, {transform_indices = #map}]} {
    %mul3A = arith.constant 16 : i32
    %mul3A_0 = arith.muli %arg0, %mul3A : i32
    %add3A = arith.addi %mul3A_0, %arg1 : i32
    "tpu.region"() ({
      %run_scoped3A = tpu.sem_alloc : memref<!tpu.dma_semaphore, #tpu.memory_space<semaphore_mem>>
      %dma_start3A = arith.constant 0 : i32
      %dma_start3A_15 = arith.constant 0 : i32
      %dma_start3A_16 = tpu.memref_slice %arg2[%add3A, %dma_start3A, %dma_start3A_15] : memref<32x80x128xi32, #tpu.memory_space<hbm>> -> memref<1x80x128xi32, #tpu.memory_space<hbm>>
      %dma_start3A_17 = tpu.memref_squeeze %dma_start3A_16 : memref<1x80x128xi32, #tpu.memory_space<hbm>> -> memref<80x128xi32, #tpu.memory_space<hbm>>
      %dma_start3A_18 = arith.constant 0 : i32
      %dma_start3A_19 = arith.constant 0 : i32
      %dma_start3A_20 = tpu.memref_slice %arg2[%add3A, %dma_start3A_18, %dma_start3A_19] : memref<32x80x128xi32, #tpu.memory_space<hbm>> -> memref<1x80x128xi32, #tpu.memory_space<hbm>>
      %dma_start3A_21 = tpu.memref_squeeze %dma_start3A_20 : memref<1x80x128xi32, #tpu.memory_space<hbm>> -> memref<80x128xi32, #tpu.memory_space<hbm>>
      tpu.enqueue_dma source(%dma_start3A_21 : memref<80x128xi32, #tpu.memory_space<hbm>>) target(%arg6 : memref<80x128xi32, #tpu.memory_space<vmem>>) target_semaphore(%run_scoped3A : memref<!tpu.dma_semaphore, #tpu.memory_space<semaphore_mem>>)
      %dma_wait3A = arith.constant 0 : i32
      %dma_wait3A_22 = arith.constant 0 : i32
      %dma_wait3A_23 = tpu.memref_slice %arg2[%add3A, %dma_wait3A, %dma_wait3A_22] : memref<32x80x128xi32, #tpu.memory_space<hbm>> -> memref<1x80x128xi32, #tpu.memory_space<hbm>>
      %dma_wait3A_24 = tpu.memref_squeeze %dma_wait3A_23 : memref<1x80x128xi32, #tpu.memory_space<hbm>> -> memref<80x128xi32, #tpu.memory_space<hbm>>
      %dma_wait3A_25 = arith.constant 0 : i32
      %dma_wait3A_26 = arith.constant 0 : i32
      %dma_wait3A_27 = tpu.memref_slice %arg2[%add3A, %dma_wait3A_25, %dma_wait3A_26] : memref<32x80x128xi32, #tpu.memory_space<hbm>> -> memref<1x80x128xi32, #tpu.memory_space<hbm>>
      %dma_wait3A_28 = tpu.memref_squeeze %dma_wait3A_27 : memref<1x80x128xi32, #tpu.memory_space<hbm>> -> memref<80x128xi32, #tpu.memory_space<hbm>>
      tpu.wait_dma2 semaphore(%run_scoped3A : memref<!tpu.dma_semaphore, #tpu.memory_space<semaphore_mem>>) src(%dma_wait3A_28 : memref<80x128xi32, #tpu.memory_space<hbm>>) dst(%arg6 : memref<80x128xi32, #tpu.memory_space<vmem>>)
      tpu.yield
    }) : () -> ()
    "tpu.region"() ({
      %run_scoped3A = tpu.sem_alloc : memref<!tpu.dma_semaphore, #tpu.memory_space<semaphore_mem>>
      tpu.enqueue_dma source(%arg3 : memref<128x16xf32, #tpu.memory_space<hbm>>) target(%arg7 : memref<128x16xf32, #tpu.memory_space<vmem>>) target_semaphore(%run_scoped3A : memref<!tpu.dma_semaphore, #tpu.memory_space<semaphore_mem>>)
      tpu.wait_dma2 semaphore(%run_scoped3A : memref<!tpu.dma_semaphore, #tpu.memory_space<semaphore_mem>>) src(%arg3 : memref<128x16xf32, #tpu.memory_space<hbm>>) dst(%arg7 : memref<128x16xf32, #tpu.memory_space<vmem>>)
      tpu.yield
    }) : () -> ()
    %mul3A_1 = arith.constant 640 : i32
    %mul3A_2 = arith.muli %arg1, %mul3A_1 : i32
    %mul3A_3 = arith.constant 640 : i32
    %mul3A_4 = arith.muli %arg1, %mul3A_3 : i32
    "tpu.region"() ({
      %run_scoped3A = tpu.sem_alloc : memref<!tpu.dma_semaphore, #tpu.memory_space<semaphore_mem>>
      %dma_start3A = arith.constant 0 : i32
      %dma_start3A_15 = tpu.memref_slice %arg9[%mul3A_4, %dma_start3A] : memref<10240x16xf32, #tpu.memory_space<vmem_shared>> -> memref<640x16xf32, #tpu.memory_space<vmem_shared>>
      %dma_start3A_16 = arith.constant 0 : i32
      %dma_start3A_17 = tpu.memref_slice %arg4[%mul3A_2, %dma_start3A_16] : memref<10240x16xf32, #tpu.memory_space<hbm>> -> memref<640x16xf32, #tpu.memory_space<hbm>>
      tpu.enqueue_dma source(%dma_start3A_17 : memref<640x16xf32, #tpu.memory_space<hbm>>) target(%dma_start3A_15 : memref<640x16xf32, #tpu.memory_space<vmem_shared>>) target_semaphore(%run_scoped3A : memref<!tpu.dma_semaphore, #tpu.memory_space<semaphore_mem>>)
      %dma_wait3A = arith.constant 0 : i32
      %dma_wait3A_18 = tpu.memref_slice %arg9[%mul3A_4, %dma_wait3A] : memref<10240x16xf32, #tpu.memory_space<vmem_shared>> -> memref<640x16xf32, #tpu.memory_space<vmem_shared>>
      %dma_wait3A_19 = arith.constant 0 : i32
      %dma_wait3A_20 = tpu.memref_slice %arg4[%mul3A_2, %dma_wait3A_19] : memref<10240x16xf32, #tpu.memory_space<hbm>> -> memref<640x16xf32, #tpu.memory_space<hbm>>
      tpu.wait_dma2 semaphore(%run_scoped3A : memref<!tpu.dma_semaphore, #tpu.memory_space<semaphore_mem>>) src(%dma_wait3A_20 : memref<640x16xf32, #tpu.memory_space<hbm>>) dst(%dma_wait3A_18 : memref<640x16xf32, #tpu.memory_space<vmem_shared>>)
      tpu.yield
    }) : () -> ()
    %barrier3A = arith.constant 0 : index
    tpu.barrier barrier_id(%barrier3A)
    %scan3A = arith.constant 0 : i32
    %scan3A_5 = arith.constant 0 : i32
    %scan3A_6 = arith.constant 10 : i32
    %scan3A_7 = arith.addi %scan3A_5, %scan3A_6 : i32
    %scan3A_8 = arith.constant 1 : i32
    scf.for %scan3A_15 = %scan3A_5 to %scan3A_7 step %scan3A_8  : i32 {
      %mul3A_16 = arith.constant 8 : i32
      %mul3A_17 = arith.muli %scan3A_15, %mul3A_16 : i32
      %add3A_18 = arith.constant 0 : i32
      %add3A_19 = arith.addi %mul3A_17, %add3A_18 : i32
      %dma_start3A = arith.constant 0 : i32
      %dma_start3A_20 = tpu.memref_slice %arg6[%add3A_19, %dma_start3A] : memref<80x128xi32, #tpu.memory_space<vmem>> -> memref<1x128xi32, #tpu.memory_space<vmem>>
      %dma_start3A_21 = tpu.memref_squeeze %dma_start3A_20 : memref<1x128xi32, #tpu.memory_space<vmem>> -> memref<128xi32, #tpu.memory_space<vmem>>
      %dma_start3A_22 = arith.constant 0 : i32
      %dma_start3A_23 = arith.constant 0 : i32
      %dma_start3A_24 = tpu.memref_slice %arg9[%dma_start3A_22, %dma_start3A_23] : memref<10240x16xf32, #tpu.memory_space<vmem_shared>> -> memref<10240x16xf32, #tpu.memory_space<vmem_shared>>
      tpu.enqueue_indirect_dma source(%arg7 : memref<128x16xf32, #tpu.memory_space<vmem>>) target(%dma_start3A_24 : memref<10240x16xf32, #tpu.memory_space<vmem_shared>>) offsets(%dma_start3A_21 : memref<128xi32, #tpu.memory_space<vmem>>) semaphore(%arg8 : memref<!tpu.dma_semaphore, #tpu.memory_space<semaphore_mem>>) {add = true}
      %mul3A_25 = arith.constant 8 : i32
      %mul3A_26 = arith.muli %scan3A_15, %mul3A_25 : i32
      %add3A_27 = arith.constant 1 : i32
      %add3A_28 = arith.addi %mul3A_26, %add3A_27 : i32
      %dma_start3A_29 = arith.constant 0 : i32
      %dma_start3A_30 = tpu.memref_slice %arg6[%add3A_28, %dma_start3A_29] : memref<80x128xi32, #tpu.memory_space<vmem>> -> memref<1x128xi32, #tpu.memory_space<vmem>>
      %dma_start3A_31 = tpu.memref_squeeze %dma_start3A_30 : memref<1x128xi32, #tpu.memory_space<vmem>> -> memref<128xi32, #tpu.memory_space<vmem>>
      %dma_start3A_32 = arith.constant 0 : i32
      %dma_start3A_33 = arith.constant 0 : i32
      %dma_start3A_34 = tpu.memref_slice %arg9[%dma_start3A_32, %dma_start3A_33] : memref<10240x16xf32, #tpu.memory_space<vmem_shared>> -> memref<10240x16xf32, #tpu.memory_space<vmem_shared>>
      tpu.enqueue_indirect_dma source(%arg7 : memref<128x16xf32, #tpu.memory_space<vmem>>) target(%dma_start3A_34 : memref<10240x16xf32, #tpu.memory_space<vmem_shared>>) offsets(%dma_start3A_31 : memref<128xi32, #tpu.memory_space<vmem>>) semaphore(%arg8 : memref<!tpu.dma_semaphore, #tpu.memory_space<semaphore_mem>>) {add = true}
      %mul3A_35 = arith.constant 8 : i32
      %mul3A_36 = arith.muli %scan3A_15, %mul3A_35 : i32
      %add3A_37 = arith.constant 2 : i32
      %add3A_38 = arith.addi %mul3A_36, %add3A_37 : i32
      %dma_start3A_39 = arith.constant 0 : i32
      %dma_start3A_40 = tpu.memref_slice %arg6[%add3A_38, %dma_start3A_39] : memref<80x128xi32, #tpu.memory_space<vmem>> -> memref<1x128xi32, #tpu.memory_space<vmem>>
      %dma_start3A_41 = tpu.memref_squeeze %dma_start3A_40 : memref<1x128xi32, #tpu.memory_space<vmem>> -> memref<128xi32, #tpu.memory_space<vmem>>
      %dma_start3A_42 = arith.constant 0 : i32
      %dma_start3A_43 = arith.constant 0 : i32
      %dma_start3A_44 = tpu.memref_slice %arg9[%dma_start3A_42, %dma_start3A_43] : memref<10240x16xf32, #tpu.memory_space<vmem_shared>> -> memref<10240x16xf32, #tpu.memory_space<vmem_shared>>
      tpu.enqueue_indirect_dma source(%arg7 : memref<128x16xf32, #tpu.memory_space<vmem>>) target(%dma_start3A_44 : memref<10240x16xf32, #tpu.memory_space<vmem_shared>>) offsets(%dma_start3A_41 : memref<128xi32, #tpu.memory_space<vmem>>) semaphore(%arg8 : memref<!tpu.dma_semaphore, #tpu.memory_space<semaphore_mem>>) {add = true}
      %mul3A_45 = arith.constant 8 : i32
      %mul3A_46 = arith.muli %scan3A_15, %mul3A_45 : i32
      %add3A_47 = arith.constant 3 : i32
      %add3A_48 = arith.addi %mul3A_46, %add3A_47 : i32
      %dma_start3A_49 = arith.constant 0 : i32
      %dma_start3A_50 = tpu.memref_slice %arg6[%add3A_48, %dma_start3A_49] : memref<80x128xi32, #tpu.memory_space<vmem>> -> memref<1x128xi32, #tpu.memory_space<vmem>>
      %dma_start3A_51 = tpu.memref_squeeze %dma_start3A_50 : memref<1x128xi32, #tpu.memory_space<vmem>> -> memref<128xi32, #tpu.memory_space<vmem>>
      %dma_start3A_52 = arith.constant 0 : i32
      %dma_start3A_53 = arith.constant 0 : i32
      %dma_start3A_54 = tpu.memref_slice %arg9[%dma_start3A_52, %dma_start3A_53] : memref<10240x16xf32, #tpu.memory_space<vmem_shared>> -> memref<10240x16xf32, #tpu.memory_space<vmem_shared>>
      tpu.enqueue_indirect_dma source(%arg7 : memref<128x16xf32, #tpu.memory_space<vmem>>) target(%dma_start3A_54 : memref<10240x16xf32, #tpu.memory_space<vmem_shared>>) offsets(%dma_start3A_51 : memref<128xi32, #tpu.memory_space<vmem>>) semaphore(%arg8 : memref<!tpu.dma_semaphore, #tpu.memory_space<semaphore_mem>>) {add = true}
      %mul3A_55 = arith.constant 8 : i32
      %mul3A_56 = arith.muli %scan3A_15, %mul3A_55 : i32
      %add3A_57 = arith.constant 4 : i32
      %add3A_58 = arith.addi %mul3A_56, %add3A_57 : i32
      %dma_start3A_59 = arith.constant 0 : i32
      %dma_start3A_60 = tpu.memref_slice %arg6[%add3A_58, %dma_start3A_59] : memref<80x128xi32, #tpu.memory_space<vmem>> -> memref<1x128xi32, #tpu.memory_space<vmem>>
      %dma_start3A_61 = tpu.memref_squeeze %dma_start3A_60 : memref<1x128xi32, #tpu.memory_space<vmem>> -> memref<128xi32, #tpu.memory_space<vmem>>
      %dma_start3A_62 = arith.constant 0 : i32
      %dma_start3A_63 = arith.constant 0 : i32
      %dma_start3A_64 = tpu.memref_slice %arg9[%dma_start3A_62, %dma_start3A_63] : memref<10240x16xf32, #tpu.memory_space<vmem_shared>> -> memref<10240x16xf32, #tpu.memory_space<vmem_shared>>
      tpu.enqueue_indirect_dma source(%arg7 : memref<128x16xf32, #tpu.memory_space<vmem>>) target(%dma_start3A_64 : memref<10240x16xf32, #tpu.memory_space<vmem_shared>>) offsets(%dma_start3A_61 : memref<128xi32, #tpu.memory_space<vmem>>) semaphore(%arg8 : memref<!tpu.dma_semaphore, #tpu.memory_space<semaphore_mem>>) {add = true}
      %mul3A_65 = arith.constant 8 : i32
      %mul3A_66 = arith.muli %scan3A_15, %mul3A_65 : i32
      %add3A_67 = arith.constant 5 : i32
      %add3A_68 = arith.addi %mul3A_66, %add3A_67 : i32
      %dma_start3A_69 = arith.constant 0 : i32
      %dma_start3A_70 = tpu.memref_slice %arg6[%add3A_68, %dma_start3A_69] : memref<80x128xi32, #tpu.memory_space<vmem>> -> memref<1x128xi32, #tpu.memory_space<vmem>>
      %dma_start3A_71 = tpu.memref_squeeze %dma_start3A_70 : memref<1x128xi32, #tpu.memory_space<vmem>> -> memref<128xi32, #tpu.memory_space<vmem>>
      %dma_start3A_72 = arith.constant 0 : i32
      %dma_start3A_73 = arith.constant 0 : i32
      %dma_start3A_74 = tpu.memref_slice %arg9[%dma_start3A_72, %dma_start3A_73] : memref<10240x16xf32, #tpu.memory_space<vmem_shared>> -> memref<10240x16xf32, #tpu.memory_space<vmem_shared>>
      tpu.enqueue_indirect_dma source(%arg7 : memref<128x16xf32, #tpu.memory_space<vmem>>) target(%dma_start3A_74 : memref<10240x16xf32, #tpu.memory_space<vmem_shared>>) offsets(%dma_start3A_71 : memref<128xi32, #tpu.memory_space<vmem>>) semaphore(%arg8 : memref<!tpu.dma_semaphore, #tpu.memory_space<semaphore_mem>>) {add = true}
      %mul3A_75 = arith.constant 8 : i32
      %mul3A_76 = arith.muli %scan3A_15, %mul3A_75 : i32
      %add3A_77 = arith.constant 6 : i32
      %add3A_78 = arith.addi %mul3A_76, %add3A_77 : i32
      %dma_start3A_79 = arith.constant 0 : i32
      %dma_start3A_80 = tpu.memref_slice %arg6[%add3A_78, %dma_start3A_79] : memref<80x128xi32, #tpu.memory_space<vmem>> -> memref<1x128xi32, #tpu.memory_space<vmem>>
      %dma_start3A_81 = tpu.memref_squeeze %dma_start3A_80 : memref<1x128xi32, #tpu.memory_space<vmem>> -> memref<128xi32, #tpu.memory_space<vmem>>
      %dma_start3A_82 = arith.constant 0 : i32
      %dma_start3A_83 = arith.constant 0 : i32
      %dma_start3A_84 = tpu.memref_slice %arg9[%dma_start3A_82, %dma_start3A_83] : memref<10240x16xf32, #tpu.memory_space<vmem_shared>> -> memref<10240x16xf32, #tpu.memory_space<vmem_shared>>
      tpu.enqueue_indirect_dma source(%arg7 : memref<128x16xf32, #tpu.memory_space<vmem>>) target(%dma_start3A_84 : memref<10240x16xf32, #tpu.memory_space<vmem_shared>>) offsets(%dma_start3A_81 : memref<128xi32, #tpu.memory_space<vmem>>) semaphore(%arg8 : memref<!tpu.dma_semaphore, #tpu.memory_space<semaphore_mem>>) {add = true}
      %mul3A_85 = arith.constant 8 : i32
      %mul3A_86 = arith.muli %scan3A_15, %mul3A_85 : i32
      %add3A_87 = arith.constant 7 : i32
      %add3A_88 = arith.addi %mul3A_86, %add3A_87 : i32
      %dma_start3A_89 = arith.constant 0 : i32
      %dma_start3A_90 = tpu.memref_slice %arg6[%add3A_88, %dma_start3A_89] : memref<80x128xi32, #tpu.memory_space<vmem>> -> memref<1x128xi32, #tpu.memory_space<vmem>>
      %dma_start3A_91 = tpu.memref_squeeze %dma_start3A_90 : memref<1x128xi32, #tpu.memory_space<vmem>> -> memref<128xi32, #tpu.memory_space<vmem>>
      %dma_start3A_92 = arith.constant 0 : i32
      %dma_start3A_93 = arith.constant 0 : i32
      %dma_start3A_94 = tpu.memref_slice %arg9[%dma_start3A_92, %dma_start3A_93] : memref<10240x16xf32, #tpu.memory_space<vmem_shared>> -> memref<10240x16xf32, #tpu.memory_space<vmem_shared>>
      tpu.enqueue_indirect_dma source(%arg7 : memref<128x16xf32, #tpu.memory_space<vmem>>) target(%dma_start3A_94 : memref<10240x16xf32, #tpu.memory_space<vmem_shared>>) offsets(%dma_start3A_91 : memref<128xi32, #tpu.memory_space<vmem>>) semaphore(%arg8 : memref<!tpu.dma_semaphore, #tpu.memory_space<semaphore_mem>>) {add = true}
      %mul3A_95 = arith.constant 8 : i32
      %mul3A_96 = arith.muli %scan3A_15, %mul3A_95 : i32
      %add3A_97 = arith.constant 0 : i32
      %add3A_98 = arith.addi %mul3A_96, %add3A_97 : i32
      %dma_wait3A = arith.constant 0 : i32
      %dma_wait3A_99 = tpu.memref_slice %arg6[%add3A_98, %dma_wait3A] : memref<80x128xi32, #tpu.memory_space<vmem>> -> memref<1x128xi32, #tpu.memory_space<vmem>>
      %dma_wait3A_100 = tpu.memref_squeeze %dma_wait3A_99 : memref<1x128xi32, #tpu.memory_space<vmem>> -> memref<128xi32, #tpu.memory_space<vmem>>
      %dma_wait3A_101 = arith.constant 0 : i32
      %dma_wait3A_102 = arith.constant 0 : i32
      %dma_wait3A_103 = tpu.memref_slice %arg9[%dma_wait3A_101, %dma_wait3A_102] : memref<10240x16xf32, #tpu.memory_space<vmem_shared>> -> memref<10240x16xf32, #tpu.memory_space<vmem_shared>>
      tpu.wait_indirect_dma semaphore(%arg8 : memref<!tpu.dma_semaphore, #tpu.memory_space<semaphore_mem>>) src(%arg7 : memref<128x16xf32, #tpu.memory_space<vmem>>) dst(%dma_wait3A_103 : memref<10240x16xf32, #tpu.memory_space<vmem_shared>>)
      %mul3A_104 = arith.constant 8 : i32
      %mul3A_105 = arith.muli %scan3A_15, %mul3A_104 : i32
      %add3A_106 = arith.constant 1 : i32
      %add3A_107 = arith.addi %mul3A_105, %add3A_106 : i32
      %dma_wait3A_108 = arith.constant 0 : i32
      %dma_wait3A_109 = tpu.memref_slice %arg6[%add3A_107, %dma_wait3A_108] : memref<80x128xi32, #tpu.memory_space<vmem>> -> memref<1x128xi32, #tpu.memory_space<vmem>>
      %dma_wait3A_110 = tpu.memref_squeeze %dma_wait3A_109 : memref<1x128xi32, #tpu.memory_space<vmem>> -> memref<128xi32, #tpu.memory_space<vmem>>
      %dma_wait3A_111 = arith.constant 0 : i32
      %dma_wait3A_112 = arith.constant 0 : i32
      %dma_wait3A_113 = tpu.memref_slice %arg9[%dma_wait3A_111, %dma_wait3A_112] : memref<10240x16xf32, #tpu.memory_space<vmem_shared>> -> memref<10240x16xf32, #tpu.memory_space<vmem_shared>>
      tpu.wait_indirect_dma semaphore(%arg8 : memref<!tpu.dma_semaphore, #tpu.memory_space<semaphore_mem>>) src(%arg7 : memref<128x16xf32, #tpu.memory_space<vmem>>) dst(%dma_wait3A_113 : memref<10240x16xf32, #tpu.memory_space<vmem_shared>>)
      %mul3A_114 = arith.constant 8 : i32
      %mul3A_115 = arith.muli %scan3A_15, %mul3A_114 : i32
      %add3A_116 = arith.constant 2 : i32
      %add3A_117 = arith.addi %mul3A_115, %add3A_116 : i32
      %dma_wait3A_118 = arith.constant 0 : i32
      %dma_wait3A_119 = tpu.memref_slice %arg6[%add3A_117, %dma_wait3A_118] : memref<80x128xi32, #tpu.memory_space<vmem>> -> memref<1x128xi32, #tpu.memory_space<vmem>>
      %dma_wait3A_120 = tpu.memref_squeeze %dma_wait3A_119 : memref<1x128xi32, #tpu.memory_space<vmem>> -> memref<128xi32, #tpu.memory_space<vmem>>
      %dma_wait3A_121 = arith.constant 0 : i32
      %dma_wait3A_122 = arith.constant 0 : i32
      %dma_wait3A_123 = tpu.memref_slice %arg9[%dma_wait3A_121, %dma_wait3A_122] : memref<10240x16xf32, #tpu.memory_space<vmem_shared>> -> memref<10240x16xf32, #tpu.memory_space<vmem_shared>>
      tpu.wait_indirect_dma semaphore(%arg8 : memref<!tpu.dma_semaphore, #tpu.memory_space<semaphore_mem>>) src(%arg7 : memref<128x16xf32, #tpu.memory_space<vmem>>) dst(%dma_wait3A_123 : memref<10240x16xf32, #tpu.memory_space<vmem_shared>>)
      %mul3A_124 = arith.constant 8 : i32
      %mul3A_125 = arith.muli %scan3A_15, %mul3A_124 : i32
      %add3A_126 = arith.constant 3 : i32
      %add3A_127 = arith.addi %mul3A_125, %add3A_126 : i32
      %dma_wait3A_128 = arith.constant 0 : i32
      %dma_wait3A_129 = tpu.memref_slice %arg6[%add3A_127, %dma_wait3A_128] : memref<80x128xi32, #tpu.memory_space<vmem>> -> memref<1x128xi32, #tpu.memory_space<vmem>>
      %dma_wait3A_130 = tpu.memref_squeeze %dma_wait3A_129 : memref<1x128xi32, #tpu.memory_space<vmem>> -> memref<128xi32, #tpu.memory_space<vmem>>
      %dma_wait3A_131 = arith.constant 0 : i32
      %dma_wait3A_132 = arith.constant 0 : i32
      %dma_wait3A_133 = tpu.memref_slice %arg9[%dma_wait3A_131, %dma_wait3A_132] : memref<10240x16xf32, #tpu.memory_space<vmem_shared>> -> memref<10240x16xf32, #tpu.memory_space<vmem_shared>>
      tpu.wait_indirect_dma semaphore(%arg8 : memref<!tpu.dma_semaphore, #tpu.memory_space<semaphore_mem>>) src(%arg7 : memref<128x16xf32, #tpu.memory_space<vmem>>) dst(%dma_wait3A_133 : memref<10240x16xf32, #tpu.memory_space<vmem_shared>>)
      %mul3A_134 = arith.constant 8 : i32
      %mul3A_135 = arith.muli %scan3A_15, %mul3A_134 : i32
      %add3A_136 = arith.constant 4 : i32
      %add3A_137 = arith.addi %mul3A_135, %add3A_136 : i32
      %dma_wait3A_138 = arith.constant 0 : i32
      %dma_wait3A_139 = tpu.memref_slice %arg6[%add3A_137, %dma_wait3A_138] : memref<80x128xi32, #tpu.memory_space<vmem>> -> memref<1x128xi32, #tpu.memory_space<vmem>>
      %dma_wait3A_140 = tpu.memref_squeeze %dma_wait3A_139 : memref<1x128xi32, #tpu.memory_space<vmem>> -> memref<128xi32, #tpu.memory_space<vmem>>
      %dma_wait3A_141 = arith.constant 0 : i32
      %dma_wait3A_142 = arith.constant 0 : i32
      %dma_wait3A_143 = tpu.memref_slice %arg9[%dma_wait3A_141, %dma_wait3A_142] : memref<10240x16xf32, #tpu.memory_space<vmem_shared>> -> memref<10240x16xf32, #tpu.memory_space<vmem_shared>>
      tpu.wait_indirect_dma semaphore(%arg8 : memref<!tpu.dma_semaphore, #tpu.memory_space<semaphore_mem>>) src(%arg7 : memref<128x16xf32, #tpu.memory_space<vmem>>) dst(%dma_wait3A_143 : memref<10240x16xf32, #tpu.memory_space<vmem_shared>>)
      %mul3A_144 = arith.constant 8 : i32
      %mul3A_145 = arith.muli %scan3A_15, %mul3A_144 : i32
      %add3A_146 = arith.constant 5 : i32
      %add3A_147 = arith.addi %mul3A_145, %add3A_146 : i32
      %dma_wait3A_148 = arith.constant 0 : i32
      %dma_wait3A_149 = tpu.memref_slice %arg6[%add3A_147, %dma_wait3A_148] : memref<80x128xi32, #tpu.memory_space<vmem>> -> memref<1x128xi32, #tpu.memory_space<vmem>>
      %dma_wait3A_150 = tpu.memref_squeeze %dma_wait3A_149 : memref<1x128xi32, #tpu.memory_space<vmem>> -> memref<128xi32, #tpu.memory_space<vmem>>
      %dma_wait3A_151 = arith.constant 0 : i32
      %dma_wait3A_152 = arith.constant 0 : i32
      %dma_wait3A_153 = tpu.memref_slice %arg9[%dma_wait3A_151, %dma_wait3A_152] : memref<10240x16xf32, #tpu.memory_space<vmem_shared>> -> memref<10240x16xf32, #tpu.memory_space<vmem_shared>>
      tpu.wait_indirect_dma semaphore(%arg8 : memref<!tpu.dma_semaphore, #tpu.memory_space<semaphore_mem>>) src(%arg7 : memref<128x16xf32, #tpu.memory_space<vmem>>) dst(%dma_wait3A_153 : memref<10240x16xf32, #tpu.memory_space<vmem_shared>>)
      %mul3A_154 = arith.constant 8 : i32
      %mul3A_155 = arith.muli %scan3A_15, %mul3A_154 : i32
      %add3A_156 = arith.constant 6 : i32
      %add3A_157 = arith.addi %mul3A_155, %add3A_156 : i32
      %dma_wait3A_158 = arith.constant 0 : i32
      %dma_wait3A_159 = tpu.memref_slice %arg6[%add3A_157, %dma_wait3A_158] : memref<80x128xi32, #tpu.memory_space<vmem>> -> memref<1x128xi32, #tpu.memory_space<vmem>>
      %dma_wait3A_160 = tpu.memref_squeeze %dma_wait3A_159 : memref<1x128xi32, #tpu.memory_space<vmem>> -> memref<128xi32, #tpu.memory_space<vmem>>
      %dma_wait3A_161 = arith.constant 0 : i32
      %dma_wait3A_162 = arith.constant 0 : i32
      %dma_wait3A_163 = tpu.memref_slice %arg9[%dma_wait3A_161, %dma_wait3A_162] : memref<10240x16xf32, #tpu.memory_space<vmem_shared>> -> memref<10240x16xf32, #tpu.memory_space<vmem_shared>>
      tpu.wait_indirect_dma semaphore(%arg8 : memref<!tpu.dma_semaphore, #tpu.memory_space<semaphore_mem>>) src(%arg7 : memref<128x16xf32, #tpu.memory_space<vmem>>) dst(%dma_wait3A_163 : memref<10240x16xf32, #tpu.memory_space<vmem_shared>>)
      %mul3A_164 = arith.constant 8 : i32
      %mul3A_165 = arith.muli %scan3A_15, %mul3A_164 : i32
      %add3A_166 = arith.constant 7 : i32
      %add3A_167 = arith.addi %mul3A_165, %add3A_166 : i32
      %dma_wait3A_168 = arith.constant 0 : i32
      %dma_wait3A_169 = tpu.memref_slice %arg6[%add3A_167, %dma_wait3A_168] : memref<80x128xi32, #tpu.memory_space<vmem>> -> memref<1x128xi32, #tpu.memory_space<vmem>>
      %dma_wait3A_170 = tpu.memref_squeeze %dma_wait3A_169 : memref<1x128xi32, #tpu.memory_space<vmem>> -> memref<128xi32, #tpu.memory_space<vmem>>
      %dma_wait3A_171 = arith.constant 0 : i32
      %dma_wait3A_172 = arith.constant 0 : i32
      %dma_wait3A_173 = tpu.memref_slice %arg9[%dma_wait3A_171, %dma_wait3A_172] : memref<10240x16xf32, #tpu.memory_space<vmem_shared>> -> memref<10240x16xf32, #tpu.memory_space<vmem_shared>>
      tpu.wait_indirect_dma semaphore(%arg8 : memref<!tpu.dma_semaphore, #tpu.memory_space<semaphore_mem>>) src(%arg7 : memref<128x16xf32, #tpu.memory_space<vmem>>) dst(%dma_wait3A_173 : memref<10240x16xf32, #tpu.memory_space<vmem_shared>>)
    }
    %scan3A_9 = arith.constant 10 : i32
    %barrier3A_10 = arith.constant 0 : index
    tpu.barrier barrier_id(%barrier3A_10)
    %mul3A_11 = arith.constant 640 : i32
    %mul3A_12 = arith.muli %arg1, %mul3A_11 : i32
    %mul3A_13 = arith.constant 640 : i32
    %mul3A_14 = arith.muli %arg1, %mul3A_13 : i32
    "tpu.region"() ({
      %run_scoped3A = tpu.sem_alloc : memref<!tpu.dma_semaphore, #tpu.memory_space<semaphore_mem>>
      %dma_start3A = arith.constant 0 : i32
      %dma_start3A_15 = tpu.memref_slice %arg5[%arg0, %mul3A_14, %dma_start3A] : memref<2x10240x16xf32, #tpu.memory_space<hbm>> -> memref<1x640x16xf32, #tpu.memory_space<hbm>>
      %dma_start3A_16 = tpu.memref_squeeze %dma_start3A_15 : memref<1x640x16xf32, #tpu.memory_space<hbm>> -> memref<640x16xf32, #tpu.memory_space<hbm>>
      %dma_start3A_17 = arith.constant 0 : i32
      %dma_start3A_18 = tpu.memref_slice %arg9[%mul3A_12, %dma_start3A_17] : memref<10240x16xf32, #tpu.memory_space<vmem_shared>> -> memref<640x16xf32, #tpu.memory_space<vmem_shared>>
      tpu.enqueue_dma source(%dma_start3A_18 : memref<640x16xf32, #tpu.memory_space<vmem_shared>>) target(%dma_start3A_16 : memref<640x16xf32, #tpu.memory_space<hbm>>) target_semaphore(%run_scoped3A : memref<!tpu.dma_semaphore, #tpu.memory_space<semaphore_mem>>)
      %dma_wait3A = arith.constant 0 : i32
      %dma_wait3A_19 = tpu.memref_slice %arg5[%arg0, %mul3A_14, %dma_wait3A] : memref<2x10240x16xf32, #tpu.memory_space<hbm>> -> memref<1x640x16xf32, #tpu.memory_space<hbm>>
      %dma_wait3A_20 = tpu.memref_squeeze %dma_wait3A_19 : memref<1x640x16xf32, #tpu.memory_space<hbm>> -> memref<640x16xf32, #tpu.memory_space<hbm>>
      %dma_wait3A_21 = arith.constant 0 : i32
      %dma_wait3A_22 = tpu.memref_slice %arg9[%mul3A_12, %dma_wait3A_21] : memref<10240x16xf32, #tpu.memory_space<vmem_shared>> -> memref<640x16xf32, #tpu.memory_space<vmem_shared>>
      tpu.wait_dma2 semaphore(%run_scoped3A : memref<!tpu.dma_semaphore, #tpu.memory_space<semaphore_mem>>) src(%dma_wait3A_22 : memref<640x16xf32, #tpu.memory_space<vmem_shared>>) dst(%dma_wait3A_20 : memref<640x16xf32, #tpu.memory_space<hbm>>)
      tpu.yield
    }) : () -> ()
    return
  }
}

#map = affine_map<(d0, d1) -> (0, 0)>
#map1 = affine_map<(d0, d1) -> (0, 0, 0)>
module attributes {stable_mosaic.version = 14 : i64} {
  func.func @gcn_prop16(%arg0: i32, %arg1: i32, %arg2: memref<10240x16xf32, #tpu.memory_space<hbm>>, %arg3: memref<32x80x128xi32, #tpu.memory_space<hbm>>, %arg4: memref<32x80x128xi32, #tpu.memory_space<hbm>>, %arg5: memref<10240x16xf32, #tpu.memory_space<hbm>>, %arg6: memref<2x10240x16xf32, #tpu.memory_space<hbm>>, %arg7: memref<80x128xi32, #tpu.memory_space<vmem>>, %arg8: memref<80x128xi32, #tpu.memory_space<vmem>>, %arg9: memref<2x128x16xf32, #tpu.memory_space<vmem>>, %arg10: memref<2x!tpu.dma_semaphore, #tpu.memory_space<semaphore_mem>>, %arg11: memref<2x!tpu.dma_semaphore, #tpu.memory_space<semaphore_mem>>, %arg12: memref<10240x16xf32, #tpu.memory_space<vmem_shared>>, %arg13: memref<10240x16xf32, #tpu.memory_space<vmem_shared>>) attributes {dimension_semantics = [#tpu.dimension_semantics<core_parallel>, #tpu.dimension_semantics<subcore_parallel>], iteration_bounds = array<i64: 2, 16>, scalar_prefetch = 0 : i64, scratch_operands = 7 : i64, tpu.core_type = #tpu.core_type<sc_vector_subcore>, window_params = [{transform_indices = #map}, {transform_indices = #map1}, {transform_indices = #map1}, {transform_indices = #map}, {transform_indices = #map1}]} {
    %mul3A = arith.constant 640 : i32
    %mul3A_0 = arith.muli %arg1, %mul3A : i32
    "tpu.region"() ({
      %run_scoped3A = tpu.sem_alloc : memref<!tpu.dma_semaphore, #tpu.memory_space<semaphore_mem>>
      %dma_start3A_37 = arith.constant 0 : i32
      %dma_start3A_38 = tpu.memref_slice %arg12[%mul3A_0, %dma_start3A_37] : memref<10240x16xf32, #tpu.memory_space<vmem_shared>> -> memref<640x16xf32, #tpu.memory_space<vmem_shared>>
      %dma_start3A_39 = arith.constant 0 : i32
      %dma_start3A_40 = tpu.memref_slice %arg2[%mul3A_0, %dma_start3A_39] : memref<10240x16xf32, #tpu.memory_space<hbm>> -> memref<640x16xf32, #tpu.memory_space<hbm>>
      tpu.enqueue_dma source(%dma_start3A_40 : memref<640x16xf32, #tpu.memory_space<hbm>>) target(%dma_start3A_38 : memref<640x16xf32, #tpu.memory_space<vmem_shared>>) target_semaphore(%run_scoped3A : memref<!tpu.dma_semaphore, #tpu.memory_space<semaphore_mem>>)
      %dma_wait3A_41 = arith.constant 0 : i32
      %dma_wait3A_42 = tpu.memref_slice %arg12[%mul3A_0, %dma_wait3A_41] : memref<10240x16xf32, #tpu.memory_space<vmem_shared>> -> memref<640x16xf32, #tpu.memory_space<vmem_shared>>
      %dma_wait3A_43 = arith.constant 0 : i32
      %dma_wait3A_44 = tpu.memref_slice %arg2[%mul3A_0, %dma_wait3A_43] : memref<10240x16xf32, #tpu.memory_space<hbm>> -> memref<640x16xf32, #tpu.memory_space<hbm>>
      tpu.wait_dma2 semaphore(%run_scoped3A : memref<!tpu.dma_semaphore, #tpu.memory_space<semaphore_mem>>) src(%dma_wait3A_44 : memref<640x16xf32, #tpu.memory_space<hbm>>) dst(%dma_wait3A_42 : memref<640x16xf32, #tpu.memory_space<vmem_shared>>)
      tpu.yield
    }) : () -> ()
    "tpu.region"() ({
      %run_scoped3A = tpu.sem_alloc : memref<!tpu.dma_semaphore, #tpu.memory_space<semaphore_mem>>
      %dma_start3A_37 = arith.constant 0 : i32
      %dma_start3A_38 = tpu.memref_slice %arg13[%mul3A_0, %dma_start3A_37] : memref<10240x16xf32, #tpu.memory_space<vmem_shared>> -> memref<640x16xf32, #tpu.memory_space<vmem_shared>>
      %dma_start3A_39 = arith.constant 0 : i32
      %dma_start3A_40 = tpu.memref_slice %arg5[%mul3A_0, %dma_start3A_39] : memref<10240x16xf32, #tpu.memory_space<hbm>> -> memref<640x16xf32, #tpu.memory_space<hbm>>
      tpu.enqueue_dma source(%dma_start3A_40 : memref<640x16xf32, #tpu.memory_space<hbm>>) target(%dma_start3A_38 : memref<640x16xf32, #tpu.memory_space<vmem_shared>>) target_semaphore(%run_scoped3A : memref<!tpu.dma_semaphore, #tpu.memory_space<semaphore_mem>>)
      %dma_wait3A_41 = arith.constant 0 : i32
      %dma_wait3A_42 = tpu.memref_slice %arg13[%mul3A_0, %dma_wait3A_41] : memref<10240x16xf32, #tpu.memory_space<vmem_shared>> -> memref<640x16xf32, #tpu.memory_space<vmem_shared>>
      %dma_wait3A_43 = arith.constant 0 : i32
      %dma_wait3A_44 = tpu.memref_slice %arg5[%mul3A_0, %dma_wait3A_43] : memref<10240x16xf32, #tpu.memory_space<hbm>> -> memref<640x16xf32, #tpu.memory_space<hbm>>
      tpu.wait_dma2 semaphore(%run_scoped3A : memref<!tpu.dma_semaphore, #tpu.memory_space<semaphore_mem>>) src(%dma_wait3A_44 : memref<640x16xf32, #tpu.memory_space<hbm>>) dst(%dma_wait3A_42 : memref<640x16xf32, #tpu.memory_space<vmem_shared>>)
      tpu.yield
    }) : () -> ()
    %barrier3A = arith.constant 0 : index
    tpu.barrier barrier_id(%barrier3A)
    %mul3A_1 = arith.constant 16 : i32
    %mul3A_2 = arith.muli %arg0, %mul3A_1 : i32
    %add3A = arith.addi %mul3A_2, %arg1 : i32
    "tpu.region"() ({
      %run_scoped3A = tpu.sem_alloc : memref<!tpu.dma_semaphore, #tpu.memory_space<semaphore_mem>>
      %dma_start3A_37 = arith.constant 0 : i32
      %dma_start3A_38 = arith.constant 0 : i32
      %dma_start3A_39 = tpu.memref_slice %arg3[%add3A, %dma_start3A_37, %dma_start3A_38] : memref<32x80x128xi32, #tpu.memory_space<hbm>> -> memref<1x80x128xi32, #tpu.memory_space<hbm>>
      %dma_start3A_40 = tpu.memref_squeeze %dma_start3A_39 : memref<1x80x128xi32, #tpu.memory_space<hbm>> -> memref<80x128xi32, #tpu.memory_space<hbm>>
      %dma_start3A_41 = arith.constant 0 : i32
      %dma_start3A_42 = arith.constant 0 : i32
      %dma_start3A_43 = tpu.memref_slice %arg3[%add3A, %dma_start3A_41, %dma_start3A_42] : memref<32x80x128xi32, #tpu.memory_space<hbm>> -> memref<1x80x128xi32, #tpu.memory_space<hbm>>
      %dma_start3A_44 = tpu.memref_squeeze %dma_start3A_43 : memref<1x80x128xi32, #tpu.memory_space<hbm>> -> memref<80x128xi32, #tpu.memory_space<hbm>>
      tpu.enqueue_dma source(%dma_start3A_44 : memref<80x128xi32, #tpu.memory_space<hbm>>) target(%arg7 : memref<80x128xi32, #tpu.memory_space<vmem>>) target_semaphore(%run_scoped3A : memref<!tpu.dma_semaphore, #tpu.memory_space<semaphore_mem>>)
      %dma_wait3A_45 = arith.constant 0 : i32
      %dma_wait3A_46 = arith.constant 0 : i32
      %dma_wait3A_47 = tpu.memref_slice %arg3[%add3A, %dma_wait3A_45, %dma_wait3A_46] : memref<32x80x128xi32, #tpu.memory_space<hbm>> -> memref<1x80x128xi32, #tpu.memory_space<hbm>>
      %dma_wait3A_48 = tpu.memref_squeeze %dma_wait3A_47 : memref<1x80x128xi32, #tpu.memory_space<hbm>> -> memref<80x128xi32, #tpu.memory_space<hbm>>
      %dma_wait3A_49 = arith.constant 0 : i32
      %dma_wait3A_50 = arith.constant 0 : i32
      %dma_wait3A_51 = tpu.memref_slice %arg3[%add3A, %dma_wait3A_49, %dma_wait3A_50] : memref<32x80x128xi32, #tpu.memory_space<hbm>> -> memref<1x80x128xi32, #tpu.memory_space<hbm>>
      %dma_wait3A_52 = tpu.memref_squeeze %dma_wait3A_51 : memref<1x80x128xi32, #tpu.memory_space<hbm>> -> memref<80x128xi32, #tpu.memory_space<hbm>>
      tpu.wait_dma2 semaphore(%run_scoped3A : memref<!tpu.dma_semaphore, #tpu.memory_space<semaphore_mem>>) src(%dma_wait3A_52 : memref<80x128xi32, #tpu.memory_space<hbm>>) dst(%arg7 : memref<80x128xi32, #tpu.memory_space<vmem>>)
      tpu.yield
    }) : () -> ()
    "tpu.region"() ({
      %run_scoped3A = tpu.sem_alloc : memref<!tpu.dma_semaphore, #tpu.memory_space<semaphore_mem>>
      %dma_start3A_37 = arith.constant 0 : i32
      %dma_start3A_38 = arith.constant 0 : i32
      %dma_start3A_39 = tpu.memref_slice %arg4[%add3A, %dma_start3A_37, %dma_start3A_38] : memref<32x80x128xi32, #tpu.memory_space<hbm>> -> memref<1x80x128xi32, #tpu.memory_space<hbm>>
      %dma_start3A_40 = tpu.memref_squeeze %dma_start3A_39 : memref<1x80x128xi32, #tpu.memory_space<hbm>> -> memref<80x128xi32, #tpu.memory_space<hbm>>
      %dma_start3A_41 = arith.constant 0 : i32
      %dma_start3A_42 = arith.constant 0 : i32
      %dma_start3A_43 = tpu.memref_slice %arg4[%add3A, %dma_start3A_41, %dma_start3A_42] : memref<32x80x128xi32, #tpu.memory_space<hbm>> -> memref<1x80x128xi32, #tpu.memory_space<hbm>>
      %dma_start3A_44 = tpu.memref_squeeze %dma_start3A_43 : memref<1x80x128xi32, #tpu.memory_space<hbm>> -> memref<80x128xi32, #tpu.memory_space<hbm>>
      tpu.enqueue_dma source(%dma_start3A_44 : memref<80x128xi32, #tpu.memory_space<hbm>>) target(%arg8 : memref<80x128xi32, #tpu.memory_space<vmem>>) target_semaphore(%run_scoped3A : memref<!tpu.dma_semaphore, #tpu.memory_space<semaphore_mem>>)
      %dma_wait3A_45 = arith.constant 0 : i32
      %dma_wait3A_46 = arith.constant 0 : i32
      %dma_wait3A_47 = tpu.memref_slice %arg4[%add3A, %dma_wait3A_45, %dma_wait3A_46] : memref<32x80x128xi32, #tpu.memory_space<hbm>> -> memref<1x80x128xi32, #tpu.memory_space<hbm>>
      %dma_wait3A_48 = tpu.memref_squeeze %dma_wait3A_47 : memref<1x80x128xi32, #tpu.memory_space<hbm>> -> memref<80x128xi32, #tpu.memory_space<hbm>>
      %dma_wait3A_49 = arith.constant 0 : i32
      %dma_wait3A_50 = arith.constant 0 : i32
      %dma_wait3A_51 = tpu.memref_slice %arg4[%add3A, %dma_wait3A_49, %dma_wait3A_50] : memref<32x80x128xi32, #tpu.memory_space<hbm>> -> memref<1x80x128xi32, #tpu.memory_space<hbm>>
      %dma_wait3A_52 = tpu.memref_squeeze %dma_wait3A_51 : memref<1x80x128xi32, #tpu.memory_space<hbm>> -> memref<80x128xi32, #tpu.memory_space<hbm>>
      tpu.wait_dma2 semaphore(%run_scoped3A : memref<!tpu.dma_semaphore, #tpu.memory_space<semaphore_mem>>) src(%dma_wait3A_52 : memref<80x128xi32, #tpu.memory_space<hbm>>) dst(%arg8 : memref<80x128xi32, #tpu.memory_space<vmem>>)
      tpu.yield
    }) : () -> ()
    %dma_start3A = arith.constant 0 : i32
    %dma_start3A_3 = arith.constant 0 : i32
    %dma_start3A_4 = arith.constant 0 : i32
    %dma_start3A_5 = arith.constant 0 : i32
    %dma_start3A_6 = arith.constant 0 : i32
    %dma_start3A_7 = tpu.memref_slice %arg9[%dma_start3A_3, %dma_start3A_5, %dma_start3A_6] : memref<2x128x16xf32, #tpu.memory_space<vmem>> -> memref<1x128x16xf32, #tpu.memory_space<vmem>>
    %dma_start3A_8 = tpu.memref_squeeze %dma_start3A_7 : memref<1x128x16xf32, #tpu.memory_space<vmem>> -> memref<128x16xf32, #tpu.memory_space<vmem>>
    %dma_start3A_9 = arith.constant 0 : i32
    %dma_start3A_10 = tpu.memref_slice %arg7[%dma_start3A, %dma_start3A_9] : memref<80x128xi32, #tpu.memory_space<vmem>> -> memref<1x128xi32, #tpu.memory_space<vmem>>
    %dma_start3A_11 = tpu.memref_squeeze %dma_start3A_10 : memref<1x128xi32, #tpu.memory_space<vmem>> -> memref<128xi32, #tpu.memory_space<vmem>>
    %dma_start3A_12 = arith.constant 0 : i32
    %dma_start3A_13 = arith.constant 0 : i32
    %dma_start3A_14 = tpu.memref_slice %arg12[%dma_start3A_12, %dma_start3A_13] : memref<10240x16xf32, #tpu.memory_space<vmem_shared>> -> memref<10240x16xf32, #tpu.memory_space<vmem_shared>>
    %dma_start3A_15 = tpu.memref_slice %arg10[%dma_start3A_4] : memref<2x!tpu.dma_semaphore, #tpu.memory_space<semaphore_mem>> -> memref<1x!tpu.dma_semaphore, #tpu.memory_space<semaphore_mem>>
    %dma_start3A_16 = tpu.memref_squeeze %dma_start3A_15 : memref<1x!tpu.dma_semaphore, #tpu.memory_space<semaphore_mem>> -> memref<!tpu.dma_semaphore, #tpu.memory_space<semaphore_mem>>
    tpu.enqueue_indirect_dma source(%dma_start3A_14 : memref<10240x16xf32, #tpu.memory_space<vmem_shared>>) target(%dma_start3A_8 : memref<128x16xf32, #tpu.memory_space<vmem>>) offsets(%dma_start3A_11 : memref<128xi32, #tpu.memory_space<vmem>>) semaphore(%dma_start3A_16 : memref<!tpu.dma_semaphore, #tpu.memory_space<semaphore_mem>>)
    %scan3A = arith.constant 0 : i32
    %scan3A_17 = arith.constant 0 : i32
    %scan3A_18 = arith.constant 40 : i32
    %scan3A_19 = arith.addi %scan3A_17, %scan3A_18 : i32
    %scan3A_20 = arith.constant 1 : i32
    scf.for %scan3A_37 = %scan3A_17 to %scan3A_19 step %scan3A_20  : i32 {
      %mul3A_38 = arith.constant 2 : i32
      %mul3A_39 = arith.muli %mul3A_38, %scan3A_37 : i32
      %add3A_40 = arith.constant 0 : i32
      %add3A_41 = arith.addi %mul3A_39, %add3A_40 : i32
      %gt3A = arith.constant 0 : i32
      %gt3A_42 = arith.cmpi sgt, %scan3A_37, %gt3A : i32
      %convert_element_type3A = arith.extui %gt3A_42 : i1 to i32
      %cond3A = arith.constant 0 : i32
      %cond3A_43 = arith.cmpi ne, %convert_element_type3A, %cond3A : i32
      scf.if %cond3A_43 {
        %sub3A_139 = arith.constant 1 : i32
        %sub3A_140 = arith.subi %add3A_41, %sub3A_139 : i32
        %dma_wait3A_141 = arith.constant 1 : i32
        %dma_wait3A_142 = arith.constant 1 : i32
        %dma_wait3A_143 = arith.constant 0 : i32
        %dma_wait3A_144 = arith.constant 0 : i32
        %dma_wait3A_145 = tpu.memref_slice %arg9[%dma_wait3A_141, %dma_wait3A_143, %dma_wait3A_144] : memref<2x128x16xf32, #tpu.memory_space<vmem>> -> memref<1x128x16xf32, #tpu.memory_space<vmem>>
        %dma_wait3A_146 = tpu.memref_squeeze %dma_wait3A_145 : memref<1x128x16xf32, #tpu.memory_space<vmem>> -> memref<128x16xf32, #tpu.memory_space<vmem>>
        %dma_wait3A_147 = arith.constant 0 : i32
        %dma_wait3A_148 = tpu.memref_slice %arg8[%sub3A_140, %dma_wait3A_147] : memref<80x128xi32, #tpu.memory_space<vmem>> -> memref<1x128xi32, #tpu.memory_space<vmem>>
        %dma_wait3A_149 = tpu.memref_squeeze %dma_wait3A_148 : memref<1x128xi32, #tpu.memory_space<vmem>> -> memref<128xi32, #tpu.memory_space<vmem>>
        %dma_wait3A_150 = arith.constant 0 : i32
        %dma_wait3A_151 = arith.constant 0 : i32
        %dma_wait3A_152 = tpu.memref_slice %arg13[%dma_wait3A_150, %dma_wait3A_151] : memref<10240x16xf32, #tpu.memory_space<vmem_shared>> -> memref<10240x16xf32, #tpu.memory_space<vmem_shared>>
        %dma_wait3A_153 = tpu.memref_slice %arg11[%dma_wait3A_142] : memref<2x!tpu.dma_semaphore, #tpu.memory_space<semaphore_mem>> -> memref<1x!tpu.dma_semaphore, #tpu.memory_space<semaphore_mem>>
        %dma_wait3A_154 = tpu.memref_squeeze %dma_wait3A_153 : memref<1x!tpu.dma_semaphore, #tpu.memory_space<semaphore_mem>> -> memref<!tpu.dma_semaphore, #tpu.memory_space<semaphore_mem>>
        tpu.wait_indirect_dma semaphore(%dma_wait3A_154 : memref<!tpu.dma_semaphore, #tpu.memory_space<semaphore_mem>>) src(%dma_wait3A_146 : memref<128x16xf32, #tpu.memory_space<vmem>>) dst(%dma_wait3A_152 : memref<10240x16xf32, #tpu.memory_space<vmem_shared>>)
      } else {
      }
      %add3A_44 = arith.constant 1 : i32
      %add3A_45 = arith.addi %add3A_41, %add3A_44 : i32
      %dma_start3A_46 = arith.constant 1 : i32
      %dma_start3A_47 = arith.constant 1 : i32
      %dma_start3A_48 = arith.constant 0 : i32
      %dma_start3A_49 = arith.constant 0 : i32
      %dma_start3A_50 = tpu.memref_slice %arg9[%dma_start3A_46, %dma_start3A_48, %dma_start3A_49] : memref<2x128x16xf32, #tpu.memory_space<vmem>> -> memref<1x128x16xf32, #tpu.memory_space<vmem>>
      %dma_start3A_51 = tpu.memref_squeeze %dma_start3A_50 : memref<1x128x16xf32, #tpu.memory_space<vmem>> -> memref<128x16xf32, #tpu.memory_space<vmem>>
      %dma_start3A_52 = arith.constant 0 : i32
      %dma_start3A_53 = tpu.memref_slice %arg7[%add3A_45, %dma_start3A_52] : memref<80x128xi32, #tpu.memory_space<vmem>> -> memref<1x128xi32, #tpu.memory_space<vmem>>
      %dma_start3A_54 = tpu.memref_squeeze %dma_start3A_53 : memref<1x128xi32, #tpu.memory_space<vmem>> -> memref<128xi32, #tpu.memory_space<vmem>>
      %dma_start3A_55 = arith.constant 0 : i32
      %dma_start3A_56 = arith.constant 0 : i32
      %dma_start3A_57 = tpu.memref_slice %arg12[%dma_start3A_55, %dma_start3A_56] : memref<10240x16xf32, #tpu.memory_space<vmem_shared>> -> memref<10240x16xf32, #tpu.memory_space<vmem_shared>>
      %dma_start3A_58 = tpu.memref_slice %arg10[%dma_start3A_47] : memref<2x!tpu.dma_semaphore, #tpu.memory_space<semaphore_mem>> -> memref<1x!tpu.dma_semaphore, #tpu.memory_space<semaphore_mem>>
      %dma_start3A_59 = tpu.memref_squeeze %dma_start3A_58 : memref<1x!tpu.dma_semaphore, #tpu.memory_space<semaphore_mem>> -> memref<!tpu.dma_semaphore, #tpu.memory_space<semaphore_mem>>
      tpu.enqueue_indirect_dma source(%dma_start3A_57 : memref<10240x16xf32, #tpu.memory_space<vmem_shared>>) target(%dma_start3A_51 : memref<128x16xf32, #tpu.memory_space<vmem>>) offsets(%dma_start3A_54 : memref<128xi32, #tpu.memory_space<vmem>>) semaphore(%dma_start3A_59 : memref<!tpu.dma_semaphore, #tpu.memory_space<semaphore_mem>>)
      %dma_wait3A_60 = arith.constant 0 : i32
      %dma_wait3A_61 = arith.constant 0 : i32
      %dma_wait3A_62 = arith.constant 0 : i32
      %dma_wait3A_63 = arith.constant 0 : i32
      %dma_wait3A_64 = tpu.memref_slice %arg9[%dma_wait3A_60, %dma_wait3A_62, %dma_wait3A_63] : memref<2x128x16xf32, #tpu.memory_space<vmem>> -> memref<1x128x16xf32, #tpu.memory_space<vmem>>
      %dma_wait3A_65 = tpu.memref_squeeze %dma_wait3A_64 : memref<1x128x16xf32, #tpu.memory_space<vmem>> -> memref<128x16xf32, #tpu.memory_space<vmem>>
      %dma_wait3A_66 = arith.constant 0 : i32
      %dma_wait3A_67 = tpu.memref_slice %arg7[%add3A_41, %dma_wait3A_66] : memref<80x128xi32, #tpu.memory_space<vmem>> -> memref<1x128xi32, #tpu.memory_space<vmem>>
      %dma_wait3A_68 = tpu.memref_squeeze %dma_wait3A_67 : memref<1x128xi32, #tpu.memory_space<vmem>> -> memref<128xi32, #tpu.memory_space<vmem>>
      %dma_wait3A_69 = arith.constant 0 : i32
      %dma_wait3A_70 = arith.constant 0 : i32
      %dma_wait3A_71 = tpu.memref_slice %arg12[%dma_wait3A_69, %dma_wait3A_70] : memref<10240x16xf32, #tpu.memory_space<vmem_shared>> -> memref<10240x16xf32, #tpu.memory_space<vmem_shared>>
      %dma_wait3A_72 = tpu.memref_slice %arg10[%dma_wait3A_61] : memref<2x!tpu.dma_semaphore, #tpu.memory_space<semaphore_mem>> -> memref<1x!tpu.dma_semaphore, #tpu.memory_space<semaphore_mem>>
      %dma_wait3A_73 = tpu.memref_squeeze %dma_wait3A_72 : memref<1x!tpu.dma_semaphore, #tpu.memory_space<semaphore_mem>> -> memref<!tpu.dma_semaphore, #tpu.memory_space<semaphore_mem>>
      tpu.wait_indirect_dma semaphore(%dma_wait3A_73 : memref<!tpu.dma_semaphore, #tpu.memory_space<semaphore_mem>>) src(%dma_wait3A_71 : memref<10240x16xf32, #tpu.memory_space<vmem_shared>>) dst(%dma_wait3A_65 : memref<128x16xf32, #tpu.memory_space<vmem>>)
      %dma_start3A_74 = arith.constant 0 : i32
      %dma_start3A_75 = arith.constant 0 : i32
      %dma_start3A_76 = arith.constant 0 : i32
      %dma_start3A_77 = arith.constant 0 : i32
      %dma_start3A_78 = tpu.memref_slice %arg9[%dma_start3A_74, %dma_start3A_76, %dma_start3A_77] : memref<2x128x16xf32, #tpu.memory_space<vmem>> -> memref<1x128x16xf32, #tpu.memory_space<vmem>>
      %dma_start3A_79 = tpu.memref_squeeze %dma_start3A_78 : memref<1x128x16xf32, #tpu.memory_space<vmem>> -> memref<128x16xf32, #tpu.memory_space<vmem>>
      %dma_start3A_80 = arith.constant 0 : i32
      %dma_start3A_81 = tpu.memref_slice %arg8[%add3A_41, %dma_start3A_80] : memref<80x128xi32, #tpu.memory_space<vmem>> -> memref<1x128xi32, #tpu.memory_space<vmem>>
      %dma_start3A_82 = tpu.memref_squeeze %dma_start3A_81 : memref<1x128xi32, #tpu.memory_space<vmem>> -> memref<128xi32, #tpu.memory_space<vmem>>
      %dma_start3A_83 = arith.constant 0 : i32
      %dma_start3A_84 = arith.constant 0 : i32
      %dma_start3A_85 = tpu.memref_slice %arg13[%dma_start3A_83, %dma_start3A_84] : memref<10240x16xf32, #tpu.memory_space<vmem_shared>> -> memref<10240x16xf32, #tpu.memory_space<vmem_shared>>
      %dma_start3A_86 = tpu.memref_slice %arg11[%dma_start3A_75] : memref<2x!tpu.dma_semaphore, #tpu.memory_space<semaphore_mem>> -> memref<1x!tpu.dma_semaphore, #tpu.memory_space<semaphore_mem>>
      %dma_start3A_87 = tpu.memref_squeeze %dma_start3A_86 : memref<1x!tpu.dma_semaphore, #tpu.memory_space<semaphore_mem>> -> memref<!tpu.dma_semaphore, #tpu.memory_space<semaphore_mem>>
      tpu.enqueue_indirect_dma source(%dma_start3A_79 : memref<128x16xf32, #tpu.memory_space<vmem>>) target(%dma_start3A_85 : memref<10240x16xf32, #tpu.memory_space<vmem_shared>>) offsets(%dma_start3A_82 : memref<128xi32, #tpu.memory_space<vmem>>) semaphore(%dma_start3A_87 : memref<!tpu.dma_semaphore, #tpu.memory_space<semaphore_mem>>) {add = true}
      %mul3A_88 = arith.constant 2 : i32
      %mul3A_89 = arith.muli %mul3A_88, %scan3A_37 : i32
      %add3A_90 = arith.constant 1 : i32
      %add3A_91 = arith.addi %mul3A_89, %add3A_90 : i32
      %sub3A = arith.constant 1 : i32
      %sub3A_92 = arith.subi %add3A_91, %sub3A : i32
      %dma_wait3A_93 = arith.constant 0 : i32
      %dma_wait3A_94 = arith.constant 0 : i32
      %dma_wait3A_95 = arith.constant 0 : i32
      %dma_wait3A_96 = arith.constant 0 : i32
      %dma_wait3A_97 = tpu.memref_slice %arg9[%dma_wait3A_93, %dma_wait3A_95, %dma_wait3A_96] : memref<2x128x16xf32, #tpu.memory_space<vmem>> -> memref<1x128x16xf32, #tpu.memory_space<vmem>>
      %dma_wait3A_98 = tpu.memref_squeeze %dma_wait3A_97 : memref<1x128x16xf32, #tpu.memory_space<vmem>> -> memref<128x16xf32, #tpu.memory_space<vmem>>
      %dma_wait3A_99 = arith.constant 0 : i32
      %dma_wait3A_100 = tpu.memref_slice %arg8[%sub3A_92, %dma_wait3A_99] : memref<80x128xi32, #tpu.memory_space<vmem>> -> memref<1x128xi32, #tpu.memory_space<vmem>>
      %dma_wait3A_101 = tpu.memref_squeeze %dma_wait3A_100 : memref<1x128xi32, #tpu.memory_space<vmem>> -> memref<128xi32, #tpu.memory_space<vmem>>
      %dma_wait3A_102 = arith.constant 0 : i32
      %dma_wait3A_103 = arith.constant 0 : i32
      %dma_wait3A_104 = tpu.memref_slice %arg13[%dma_wait3A_102, %dma_wait3A_103] : memref<10240x16xf32, #tpu.memory_space<vmem_shared>> -> memref<10240x16xf32, #tpu.memory_space<vmem_shared>>
      %dma_wait3A_105 = tpu.memref_slice %arg11[%dma_wait3A_94] : memref<2x!tpu.dma_semaphore, #tpu.memory_space<semaphore_mem>> -> memref<1x!tpu.dma_semaphore, #tpu.memory_space<semaphore_mem>>
      %dma_wait3A_106 = tpu.memref_squeeze %dma_wait3A_105 : memref<1x!tpu.dma_semaphore, #tpu.memory_space<semaphore_mem>> -> memref<!tpu.dma_semaphore, #tpu.memory_space<semaphore_mem>>
      tpu.wait_indirect_dma semaphore(%dma_wait3A_106 : memref<!tpu.dma_semaphore, #tpu.memory_space<semaphore_mem>>) src(%dma_wait3A_98 : memref<128x16xf32, #tpu.memory_space<vmem>>) dst(%dma_wait3A_104 : memref<10240x16xf32, #tpu.memory_space<vmem_shared>>)
      %lt3A = arith.constant 39 : i32
      %lt3A_107 = arith.cmpi slt, %scan3A_37, %lt3A : i32
      %convert_element_type3A_108 = arith.extui %lt3A_107 : i1 to i32
      %cond3A_109 = arith.constant 0 : i32
      %cond3A_110 = arith.cmpi ne, %convert_element_type3A_108, %cond3A_109 : i32
      scf.if %cond3A_110 {
        %add3A_139 = arith.constant 1 : i32
        %add3A_140 = arith.addi %add3A_91, %add3A_139 : i32
        %dma_start3A_141 = arith.constant 0 : i32
        %dma_start3A_142 = arith.constant 0 : i32
        %dma_start3A_143 = arith.constant 0 : i32
        %dma_start3A_144 = arith.constant 0 : i32
        %dma_start3A_145 = tpu.memref_slice %arg9[%dma_start3A_141, %dma_start3A_143, %dma_start3A_144] : memref<2x128x16xf32, #tpu.memory_space<vmem>> -> memref<1x128x16xf32, #tpu.memory_space<vmem>>
        %dma_start3A_146 = tpu.memref_squeeze %dma_start3A_145 : memref<1x128x16xf32, #tpu.memory_space<vmem>> -> memref<128x16xf32, #tpu.memory_space<vmem>>
        %dma_start3A_147 = arith.constant 0 : i32
        %dma_start3A_148 = tpu.memref_slice %arg7[%add3A_140, %dma_start3A_147] : memref<80x128xi32, #tpu.memory_space<vmem>> -> memref<1x128xi32, #tpu.memory_space<vmem>>
        %dma_start3A_149 = tpu.memref_squeeze %dma_start3A_148 : memref<1x128xi32, #tpu.memory_space<vmem>> -> memref<128xi32, #tpu.memory_space<vmem>>
        %dma_start3A_150 = arith.constant 0 : i32
        %dma_start3A_151 = arith.constant 0 : i32
        %dma_start3A_152 = tpu.memref_slice %arg12[%dma_start3A_150, %dma_start3A_151] : memref<10240x16xf32, #tpu.memory_space<vmem_shared>> -> memref<10240x16xf32, #tpu.memory_space<vmem_shared>>
        %dma_start3A_153 = tpu.memref_slice %arg10[%dma_start3A_142] : memref<2x!tpu.dma_semaphore, #tpu.memory_space<semaphore_mem>> -> memref<1x!tpu.dma_semaphore, #tpu.memory_space<semaphore_mem>>
        %dma_start3A_154 = tpu.memref_squeeze %dma_start3A_153 : memref<1x!tpu.dma_semaphore, #tpu.memory_space<semaphore_mem>> -> memref<!tpu.dma_semaphore, #tpu.memory_space<semaphore_mem>>
        tpu.enqueue_indirect_dma source(%dma_start3A_152 : memref<10240x16xf32, #tpu.memory_space<vmem_shared>>) target(%dma_start3A_146 : memref<128x16xf32, #tpu.memory_space<vmem>>) offsets(%dma_start3A_149 : memref<128xi32, #tpu.memory_space<vmem>>) semaphore(%dma_start3A_154 : memref<!tpu.dma_semaphore, #tpu.memory_space<semaphore_mem>>)
      } else {
      }
      %dma_wait3A_111 = arith.constant 1 : i32
      %dma_wait3A_112 = arith.constant 1 : i32
      %dma_wait3A_113 = arith.constant 0 : i32
      %dma_wait3A_114 = arith.constant 0 : i32
      %dma_wait3A_115 = tpu.memref_slice %arg9[%dma_wait3A_111, %dma_wait3A_113, %dma_wait3A_114] : memref<2x128x16xf32, #tpu.memory_space<vmem>> -> memref<1x128x16xf32, #tpu.memory_space<vmem>>
      %dma_wait3A_116 = tpu.memref_squeeze %dma_wait3A_115 : memref<1x128x16xf32, #tpu.memory_space<vmem>> -> memref<128x16xf32, #tpu.memory_space<vmem>>
      %dma_wait3A_117 = arith.constant 0 : i32
      %dma_wait3A_118 = tpu.memref_slice %arg7[%add3A_91, %dma_wait3A_117] : memref<80x128xi32, #tpu.memory_space<vmem>> -> memref<1x128xi32, #tpu.memory_space<vmem>>
      %dma_wait3A_119 = tpu.memref_squeeze %dma_wait3A_118 : memref<1x128xi32, #tpu.memory_space<vmem>> -> memref<128xi32, #tpu.memory_space<vmem>>
      %dma_wait3A_120 = arith.constant 0 : i32
      %dma_wait3A_121 = arith.constant 0 : i32
      %dma_wait3A_122 = tpu.memref_slice %arg12[%dma_wait3A_120, %dma_wait3A_121] : memref<10240x16xf32, #tpu.memory_space<vmem_shared>> -> memref<10240x16xf32, #tpu.memory_space<vmem_shared>>
      %dma_wait3A_123 = tpu.memref_slice %arg10[%dma_wait3A_112] : memref<2x!tpu.dma_semaphore, #tpu.memory_space<semaphore_mem>> -> memref<1x!tpu.dma_semaphore, #tpu.memory_space<semaphore_mem>>
      %dma_wait3A_124 = tpu.memref_squeeze %dma_wait3A_123 : memref<1x!tpu.dma_semaphore, #tpu.memory_space<semaphore_mem>> -> memref<!tpu.dma_semaphore, #tpu.memory_space<semaphore_mem>>
      tpu.wait_indirect_dma semaphore(%dma_wait3A_124 : memref<!tpu.dma_semaphore, #tpu.memory_space<semaphore_mem>>) src(%dma_wait3A_122 : memref<10240x16xf32, #tpu.memory_space<vmem_shared>>) dst(%dma_wait3A_116 : memref<128x16xf32, #tpu.memory_space<vmem>>)
      %dma_start3A_125 = arith.constant 1 : i32
      %dma_start3A_126 = arith.constant 1 : i32
      %dma_start3A_127 = arith.constant 0 : i32
      %dma_start3A_128 = arith.constant 0 : i32
      %dma_start3A_129 = tpu.memref_slice %arg9[%dma_start3A_125, %dma_start3A_127, %dma_start3A_128] : memref<2x128x16xf32, #tpu.memory_space<vmem>> -> memref<1x128x16xf32, #tpu.memory_space<vmem>>
      %dma_start3A_130 = tpu.memref_squeeze %dma_start3A_129 : memref<1x128x16xf32, #tpu.memory_space<vmem>> -> memref<128x16xf32, #tpu.memory_space<vmem>>
      %dma_start3A_131 = arith.constant 0 : i32
      %dma_start3A_132 = tpu.memref_slice %arg8[%add3A_91, %dma_start3A_131] : memref<80x128xi32, #tpu.memory_space<vmem>> -> memref<1x128xi32, #tpu.memory_space<vmem>>
      %dma_start3A_133 = tpu.memref_squeeze %dma_start3A_132 : memref<1x128xi32, #tpu.memory_space<vmem>> -> memref<128xi32, #tpu.memory_space<vmem>>
      %dma_start3A_134 = arith.constant 0 : i32
      %dma_start3A_135 = arith.constant 0 : i32
      %dma_start3A_136 = tpu.memref_slice %arg13[%dma_start3A_134, %dma_start3A_135] : memref<10240x16xf32, #tpu.memory_space<vmem_shared>> -> memref<10240x16xf32, #tpu.memory_space<vmem_shared>>
      %dma_start3A_137 = tpu.memref_slice %arg11[%dma_start3A_126] : memref<2x!tpu.dma_semaphore, #tpu.memory_space<semaphore_mem>> -> memref<1x!tpu.dma_semaphore, #tpu.memory_space<semaphore_mem>>
      %dma_start3A_138 = tpu.memref_squeeze %dma_start3A_137 : memref<1x!tpu.dma_semaphore, #tpu.memory_space<semaphore_mem>> -> memref<!tpu.dma_semaphore, #tpu.memory_space<semaphore_mem>>
      tpu.enqueue_indirect_dma source(%dma_start3A_130 : memref<128x16xf32, #tpu.memory_space<vmem>>) target(%dma_start3A_136 : memref<10240x16xf32, #tpu.memory_space<vmem_shared>>) offsets(%dma_start3A_133 : memref<128xi32, #tpu.memory_space<vmem>>) semaphore(%dma_start3A_138 : memref<!tpu.dma_semaphore, #tpu.memory_space<semaphore_mem>>) {add = true}
    }
    %scan3A_21 = arith.constant 40 : i32
    %dma_wait3A = arith.constant 1 : i32
    %dma_wait3A_22 = arith.constant 79 : i32
    %dma_wait3A_23 = arith.constant 1 : i32
    %dma_wait3A_24 = arith.constant 0 : i32
    %dma_wait3A_25 = arith.constant 0 : i32
    %dma_wait3A_26 = tpu.memref_slice %arg9[%dma_wait3A, %dma_wait3A_24, %dma_wait3A_25] : memref<2x128x16xf32, #tpu.memory_space<vmem>> -> memref<1x128x16xf32, #tpu.memory_space<vmem>>
    %dma_wait3A_27 = tpu.memref_squeeze %dma_wait3A_26 : memref<1x128x16xf32, #tpu.memory_space<vmem>> -> memref<128x16xf32, #tpu.memory_space<vmem>>
    %dma_wait3A_28 = arith.constant 0 : i32
    %dma_wait3A_29 = tpu.memref_slice %arg8[%dma_wait3A_22, %dma_wait3A_28] : memref<80x128xi32, #tpu.memory_space<vmem>> -> memref<1x128xi32, #tpu.memory_space<vmem>>
    %dma_wait3A_30 = tpu.memref_squeeze %dma_wait3A_29 : memref<1x128xi32, #tpu.memory_space<vmem>> -> memref<128xi32, #tpu.memory_space<vmem>>
    %dma_wait3A_31 = arith.constant 0 : i32
    %dma_wait3A_32 = arith.constant 0 : i32
    %dma_wait3A_33 = tpu.memref_slice %arg13[%dma_wait3A_31, %dma_wait3A_32] : memref<10240x16xf32, #tpu.memory_space<vmem_shared>> -> memref<10240x16xf32, #tpu.memory_space<vmem_shared>>
    %dma_wait3A_34 = tpu.memref_slice %arg11[%dma_wait3A_23] : memref<2x!tpu.dma_semaphore, #tpu.memory_space<semaphore_mem>> -> memref<1x!tpu.dma_semaphore, #tpu.memory_space<semaphore_mem>>
    %dma_wait3A_35 = tpu.memref_squeeze %dma_wait3A_34 : memref<1x!tpu.dma_semaphore, #tpu.memory_space<semaphore_mem>> -> memref<!tpu.dma_semaphore, #tpu.memory_space<semaphore_mem>>
    tpu.wait_indirect_dma semaphore(%dma_wait3A_35 : memref<!tpu.dma_semaphore, #tpu.memory_space<semaphore_mem>>) src(%dma_wait3A_27 : memref<128x16xf32, #tpu.memory_space<vmem>>) dst(%dma_wait3A_33 : memref<10240x16xf32, #tpu.memory_space<vmem_shared>>)
    %barrier3A_36 = arith.constant 0 : index
    tpu.barrier barrier_id(%barrier3A_36)
    "tpu.region"() ({
      %run_scoped3A = tpu.sem_alloc : memref<!tpu.dma_semaphore, #tpu.memory_space<semaphore_mem>>
      %dma_start3A_37 = arith.constant 0 : i32
      %dma_start3A_38 = tpu.memref_slice %arg6[%arg0, %mul3A_0, %dma_start3A_37] : memref<2x10240x16xf32, #tpu.memory_space<hbm>> -> memref<1x640x16xf32, #tpu.memory_space<hbm>>
      %dma_start3A_39 = tpu.memref_squeeze %dma_start3A_38 : memref<1x640x16xf32, #tpu.memory_space<hbm>> -> memref<640x16xf32, #tpu.memory_space<hbm>>
      %dma_start3A_40 = arith.constant 0 : i32
      %dma_start3A_41 = tpu.memref_slice %arg13[%mul3A_0, %dma_start3A_40] : memref<10240x16xf32, #tpu.memory_space<vmem_shared>> -> memref<640x16xf32, #tpu.memory_space<vmem_shared>>
      tpu.enqueue_dma source(%dma_start3A_41 : memref<640x16xf32, #tpu.memory_space<vmem_shared>>) target(%dma_start3A_39 : memref<640x16xf32, #tpu.memory_space<hbm>>) target_semaphore(%run_scoped3A : memref<!tpu.dma_semaphore, #tpu.memory_space<semaphore_mem>>)
      %dma_wait3A_42 = arith.constant 0 : i32
      %dma_wait3A_43 = tpu.memref_slice %arg6[%arg0, %mul3A_0, %dma_wait3A_42] : memref<2x10240x16xf32, #tpu.memory_space<hbm>> -> memref<1x640x16xf32, #tpu.memory_space<hbm>>
      %dma_wait3A_44 = tpu.memref_squeeze %dma_wait3A_43 : memref<1x640x16xf32, #tpu.memory_space<hbm>> -> memref<640x16xf32, #tpu.memory_space<hbm>>
      %dma_wait3A_45 = arith.constant 0 : i32
      %dma_wait3A_46 = tpu.memref_slice %arg13[%mul3A_0, %dma_wait3A_45] : memref<10240x16xf32, #tpu.memory_space<vmem_shared>> -> memref<640x16xf32, #tpu.memory_space<vmem_shared>>
      tpu.wait_dma2 semaphore(%run_scoped3A : memref<!tpu.dma_semaphore, #tpu.memory_space<semaphore_mem>>) src(%dma_wait3A_46 : memref<640x16xf32, #tpu.memory_space<vmem_shared>>) dst(%dma_wait3A_44 : memref<640x16xf32, #tpu.memory_space<hbm>>)
      tpu.yield
    }) : () -> ()
    return
  }
}

#map = affine_map<(d0, d1) -> (0, 0, 0)>
#map1 = affine_map<(d0, d1) -> (0, 0)>
module attributes {stable_mosaic.version = 14 : i64} {
  func.func @gcn_prop128(%arg0: i32, %arg1: i32, %arg2: memref<2x10240x64xf32, #tpu.memory_space<hbm>>, %arg3: memref<16x160x128xi32, #tpu.memory_space<hbm>>, %arg4: memref<16x160x128xi32, #tpu.memory_space<hbm>>, %arg5: memref<10240x64xf32, #tpu.memory_space<hbm>>, %arg6: memref<2x10240x64xf32, #tpu.memory_space<hbm>>, %arg7: memref<80x128xi32, #tpu.memory_space<vmem>>, %arg8: memref<80x128xi32, #tpu.memory_space<vmem>>, %arg9: memref<2x128x64xf32, #tpu.memory_space<vmem>>, %arg10: memref<2x!tpu.dma_semaphore, #tpu.memory_space<semaphore_mem>>, %arg11: memref<2x!tpu.dma_semaphore, #tpu.memory_space<semaphore_mem>>, %arg12: memref<10240x64xf32, #tpu.memory_space<vmem_shared>>, %arg13: memref<10240x64xf32, #tpu.memory_space<vmem_shared>>) attributes {dimension_semantics = [#tpu.dimension_semantics<core_parallel>, #tpu.dimension_semantics<subcore_parallel>], iteration_bounds = array<i64: 2, 16>, scalar_prefetch = 0 : i64, scratch_operands = 7 : i64, tpu.core_type = #tpu.core_type<sc_vector_subcore>, window_params = [{transform_indices = #map}, {transform_indices = #map}, {transform_indices = #map}, {transform_indices = #map1}, {transform_indices = #map}]} {
    %mul3A = arith.constant 640 : i32
    %mul3A_0 = arith.muli %arg1, %mul3A : i32
    "tpu.region"() ({
      %run_scoped3A = tpu.sem_alloc : memref<!tpu.dma_semaphore, #tpu.memory_space<semaphore_mem>>
      %dma_start3A_71 = arith.constant 0 : i32
      %dma_start3A_72 = tpu.memref_slice %arg12[%mul3A_0, %dma_start3A_71] : memref<10240x64xf32, #tpu.memory_space<vmem_shared>> -> memref<640x64xf32, #tpu.memory_space<vmem_shared>>
      %dma_start3A_73 = arith.constant 0 : i32
      %dma_start3A_74 = tpu.memref_slice %arg2[%arg0, %mul3A_0, %dma_start3A_73] : memref<2x10240x64xf32, #tpu.memory_space<hbm>> -> memref<1x640x64xf32, #tpu.memory_space<hbm>>
      %dma_start3A_75 = tpu.memref_squeeze %dma_start3A_74 : memref<1x640x64xf32, #tpu.memory_space<hbm>> -> memref<640x64xf32, #tpu.memory_space<hbm>>
      tpu.enqueue_dma source(%dma_start3A_75 : memref<640x64xf32, #tpu.memory_space<hbm>>) target(%dma_start3A_72 : memref<640x64xf32, #tpu.memory_space<vmem_shared>>) target_semaphore(%run_scoped3A : memref<!tpu.dma_semaphore, #tpu.memory_space<semaphore_mem>>)
      %dma_wait3A_76 = arith.constant 0 : i32
      %dma_wait3A_77 = tpu.memref_slice %arg12[%mul3A_0, %dma_wait3A_76] : memref<10240x64xf32, #tpu.memory_space<vmem_shared>> -> memref<640x64xf32, #tpu.memory_space<vmem_shared>>
      %dma_wait3A_78 = arith.constant 0 : i32
      %dma_wait3A_79 = tpu.memref_slice %arg2[%arg0, %mul3A_0, %dma_wait3A_78] : memref<2x10240x64xf32, #tpu.memory_space<hbm>> -> memref<1x640x64xf32, #tpu.memory_space<hbm>>
      %dma_wait3A_80 = tpu.memref_squeeze %dma_wait3A_79 : memref<1x640x64xf32, #tpu.memory_space<hbm>> -> memref<640x64xf32, #tpu.memory_space<hbm>>
      tpu.wait_dma2 semaphore(%run_scoped3A : memref<!tpu.dma_semaphore, #tpu.memory_space<semaphore_mem>>) src(%dma_wait3A_80 : memref<640x64xf32, #tpu.memory_space<hbm>>) dst(%dma_wait3A_77 : memref<640x64xf32, #tpu.memory_space<vmem_shared>>)
      tpu.yield
    }) : () -> ()
    "tpu.region"() ({
      %run_scoped3A = tpu.sem_alloc : memref<!tpu.dma_semaphore, #tpu.memory_space<semaphore_mem>>
      %dma_start3A_71 = arith.constant 0 : i32
      %dma_start3A_72 = tpu.memref_slice %arg13[%mul3A_0, %dma_start3A_71] : memref<10240x64xf32, #tpu.memory_space<vmem_shared>> -> memref<640x64xf32, #tpu.memory_space<vmem_shared>>
      %dma_start3A_73 = arith.constant 0 : i32
      %dma_start3A_74 = tpu.memref_slice %arg5[%mul3A_0, %dma_start3A_73] : memref<10240x64xf32, #tpu.memory_space<hbm>> -> memref<640x64xf32, #tpu.memory_space<hbm>>
      tpu.enqueue_dma source(%dma_start3A_74 : memref<640x64xf32, #tpu.memory_space<hbm>>) target(%dma_start3A_72 : memref<640x64xf32, #tpu.memory_space<vmem_shared>>) target_semaphore(%run_scoped3A : memref<!tpu.dma_semaphore, #tpu.memory_space<semaphore_mem>>)
      %dma_wait3A_75 = arith.constant 0 : i32
      %dma_wait3A_76 = tpu.memref_slice %arg13[%mul3A_0, %dma_wait3A_75] : memref<10240x64xf32, #tpu.memory_space<vmem_shared>> -> memref<640x64xf32, #tpu.memory_space<vmem_shared>>
      %dma_wait3A_77 = arith.constant 0 : i32
      %dma_wait3A_78 = tpu.memref_slice %arg5[%mul3A_0, %dma_wait3A_77] : memref<10240x64xf32, #tpu.memory_space<hbm>> -> memref<640x64xf32, #tpu.memory_space<hbm>>
      tpu.wait_dma2 semaphore(%run_scoped3A : memref<!tpu.dma_semaphore, #tpu.memory_space<semaphore_mem>>) src(%dma_wait3A_78 : memref<640x64xf32, #tpu.memory_space<hbm>>) dst(%dma_wait3A_76 : memref<640x64xf32, #tpu.memory_space<vmem_shared>>)
      tpu.yield
    }) : () -> ()
    %barrier3A = arith.constant 0 : index
    tpu.barrier barrier_id(%barrier3A)
    "tpu.region"() ({
      %run_scoped3A = tpu.sem_alloc : memref<!tpu.dma_semaphore, #tpu.memory_space<semaphore_mem>>
      %dma_start3A_71 = arith.constant 0 : i32
      %dma_start3A_72 = arith.constant 0 : i32
      %dma_start3A_73 = tpu.memref_slice %arg3[%arg1, %dma_start3A_71, %dma_start3A_72] : memref<16x160x128xi32, #tpu.memory_space<hbm>> -> memref<1x80x128xi32, #tpu.memory_space<hbm>>
      %dma_start3A_74 = tpu.memref_squeeze %dma_start3A_73 : memref<1x80x128xi32, #tpu.memory_space<hbm>> -> memref<80x128xi32, #tpu.memory_space<hbm>>
      %dma_start3A_75 = arith.constant 0 : i32
      %dma_start3A_76 = arith.constant 0 : i32
      %dma_start3A_77 = tpu.memref_slice %arg3[%arg1, %dma_start3A_75, %dma_start3A_76] : memref<16x160x128xi32, #tpu.memory_space<hbm>> -> memref<1x80x128xi32, #tpu.memory_space<hbm>>
      %dma_start3A_78 = tpu.memref_squeeze %dma_start3A_77 : memref<1x80x128xi32, #tpu.memory_space<hbm>> -> memref<80x128xi32, #tpu.memory_space<hbm>>
      tpu.enqueue_dma source(%dma_start3A_78 : memref<80x128xi32, #tpu.memory_space<hbm>>) target(%arg7 : memref<80x128xi32, #tpu.memory_space<vmem>>) target_semaphore(%run_scoped3A : memref<!tpu.dma_semaphore, #tpu.memory_space<semaphore_mem>>)
      %dma_wait3A_79 = arith.constant 0 : i32
      %dma_wait3A_80 = arith.constant 0 : i32
      %dma_wait3A_81 = tpu.memref_slice %arg3[%arg1, %dma_wait3A_79, %dma_wait3A_80] : memref<16x160x128xi32, #tpu.memory_space<hbm>> -> memref<1x80x128xi32, #tpu.memory_space<hbm>>
      %dma_wait3A_82 = tpu.memref_squeeze %dma_wait3A_81 : memref<1x80x128xi32, #tpu.memory_space<hbm>> -> memref<80x128xi32, #tpu.memory_space<hbm>>
      %dma_wait3A_83 = arith.constant 0 : i32
      %dma_wait3A_84 = arith.constant 0 : i32
      %dma_wait3A_85 = tpu.memref_slice %arg3[%arg1, %dma_wait3A_83, %dma_wait3A_84] : memref<16x160x128xi32, #tpu.memory_space<hbm>> -> memref<1x80x128xi32, #tpu.memory_space<hbm>>
      %dma_wait3A_86 = tpu.memref_squeeze %dma_wait3A_85 : memref<1x80x128xi32, #tpu.memory_space<hbm>> -> memref<80x128xi32, #tpu.memory_space<hbm>>
      tpu.wait_dma2 semaphore(%run_scoped3A : memref<!tpu.dma_semaphore, #tpu.memory_space<semaphore_mem>>) src(%dma_wait3A_86 : memref<80x128xi32, #tpu.memory_space<hbm>>) dst(%arg7 : memref<80x128xi32, #tpu.memory_space<vmem>>)
      tpu.yield
    }) : () -> ()
    "tpu.region"() ({
      %run_scoped3A = tpu.sem_alloc : memref<!tpu.dma_semaphore, #tpu.memory_space<semaphore_mem>>
      %dma_start3A_71 = arith.constant 0 : i32
      %dma_start3A_72 = arith.constant 0 : i32
      %dma_start3A_73 = tpu.memref_slice %arg4[%arg1, %dma_start3A_71, %dma_start3A_72] : memref<16x160x128xi32, #tpu.memory_space<hbm>> -> memref<1x80x128xi32, #tpu.memory_space<hbm>>
      %dma_start3A_74 = tpu.memref_squeeze %dma_start3A_73 : memref<1x80x128xi32, #tpu.memory_space<hbm>> -> memref<80x128xi32, #tpu.memory_space<hbm>>
      %dma_start3A_75 = arith.constant 0 : i32
      %dma_start3A_76 = arith.constant 0 : i32
      %dma_start3A_77 = tpu.memref_slice %arg4[%arg1, %dma_start3A_75, %dma_start3A_76] : memref<16x160x128xi32, #tpu.memory_space<hbm>> -> memref<1x80x128xi32, #tpu.memory_space<hbm>>
      %dma_start3A_78 = tpu.memref_squeeze %dma_start3A_77 : memref<1x80x128xi32, #tpu.memory_space<hbm>> -> memref<80x128xi32, #tpu.memory_space<hbm>>
      tpu.enqueue_dma source(%dma_start3A_78 : memref<80x128xi32, #tpu.memory_space<hbm>>) target(%arg8 : memref<80x128xi32, #tpu.memory_space<vmem>>) target_semaphore(%run_scoped3A : memref<!tpu.dma_semaphore, #tpu.memory_space<semaphore_mem>>)
      %dma_wait3A_79 = arith.constant 0 : i32
      %dma_wait3A_80 = arith.constant 0 : i32
      %dma_wait3A_81 = tpu.memref_slice %arg4[%arg1, %dma_wait3A_79, %dma_wait3A_80] : memref<16x160x128xi32, #tpu.memory_space<hbm>> -> memref<1x80x128xi32, #tpu.memory_space<hbm>>
      %dma_wait3A_82 = tpu.memref_squeeze %dma_wait3A_81 : memref<1x80x128xi32, #tpu.memory_space<hbm>> -> memref<80x128xi32, #tpu.memory_space<hbm>>
      %dma_wait3A_83 = arith.constant 0 : i32
      %dma_wait3A_84 = arith.constant 0 : i32
      %dma_wait3A_85 = tpu.memref_slice %arg4[%arg1, %dma_wait3A_83, %dma_wait3A_84] : memref<16x160x128xi32, #tpu.memory_space<hbm>> -> memref<1x80x128xi32, #tpu.memory_space<hbm>>
      %dma_wait3A_86 = tpu.memref_squeeze %dma_wait3A_85 : memref<1x80x128xi32, #tpu.memory_space<hbm>> -> memref<80x128xi32, #tpu.memory_space<hbm>>
      tpu.wait_dma2 semaphore(%run_scoped3A : memref<!tpu.dma_semaphore, #tpu.memory_space<semaphore_mem>>) src(%dma_wait3A_86 : memref<80x128xi32, #tpu.memory_space<hbm>>) dst(%arg8 : memref<80x128xi32, #tpu.memory_space<vmem>>)
      tpu.yield
    }) : () -> ()
    %dma_start3A = arith.constant 0 : i32
    %dma_start3A_1 = arith.constant 0 : i32
    %dma_start3A_2 = arith.constant 0 : i32
    %dma_start3A_3 = arith.constant 0 : i32
    %dma_start3A_4 = arith.constant 0 : i32
    %dma_start3A_5 = tpu.memref_slice %arg9[%dma_start3A_1, %dma_start3A_3, %dma_start3A_4] : memref<2x128x64xf32, #tpu.memory_space<vmem>> -> memref<1x128x64xf32, #tpu.memory_space<vmem>>
    %dma_start3A_6 = tpu.memref_squeeze %dma_start3A_5 : memref<1x128x64xf32, #tpu.memory_space<vmem>> -> memref<128x64xf32, #tpu.memory_space<vmem>>
    %dma_start3A_7 = arith.constant 0 : i32
    %dma_start3A_8 = tpu.memref_slice %arg7[%dma_start3A, %dma_start3A_7] : memref<80x128xi32, #tpu.memory_space<vmem>> -> memref<1x128xi32, #tpu.memory_space<vmem>>
    %dma_start3A_9 = tpu.memref_squeeze %dma_start3A_8 : memref<1x128xi32, #tpu.memory_space<vmem>> -> memref<128xi32, #tpu.memory_space<vmem>>
    %dma_start3A_10 = arith.constant 0 : i32
    %dma_start3A_11 = arith.constant 0 : i32
    %dma_start3A_12 = tpu.memref_slice %arg12[%dma_start3A_10, %dma_start3A_11] : memref<10240x64xf32, #tpu.memory_space<vmem_shared>> -> memref<10240x64xf32, #tpu.memory_space<vmem_shared>>
    %dma_start3A_13 = tpu.memref_slice %arg10[%dma_start3A_2] : memref<2x!tpu.dma_semaphore, #tpu.memory_space<semaphore_mem>> -> memref<1x!tpu.dma_semaphore, #tpu.memory_space<semaphore_mem>>
    %dma_start3A_14 = tpu.memref_squeeze %dma_start3A_13 : memref<1x!tpu.dma_semaphore, #tpu.memory_space<semaphore_mem>> -> memref<!tpu.dma_semaphore, #tpu.memory_space<semaphore_mem>>
    tpu.enqueue_indirect_dma source(%dma_start3A_12 : memref<10240x64xf32, #tpu.memory_space<vmem_shared>>) target(%dma_start3A_6 : memref<128x64xf32, #tpu.memory_space<vmem>>) offsets(%dma_start3A_9 : memref<128xi32, #tpu.memory_space<vmem>>) semaphore(%dma_start3A_14 : memref<!tpu.dma_semaphore, #tpu.memory_space<semaphore_mem>>)
    %scan3A = arith.constant 0 : i32
    %scan3A_15 = arith.constant 0 : i32
    %scan3A_16 = arith.constant 40 : i32
    %scan3A_17 = arith.addi %scan3A_15, %scan3A_16 : i32
    %scan3A_18 = arith.constant 1 : i32
    scf.for %scan3A_71 = %scan3A_15 to %scan3A_17 step %scan3A_18  : i32 {
      %mul3A_72 = arith.constant 2 : i32
      %mul3A_73 = arith.muli %mul3A_72, %scan3A_71 : i32
      %add3A = arith.constant 0 : i32
      %add3A_74 = arith.addi %mul3A_73, %add3A : i32
      %gt3A = arith.constant 0 : i32
      %gt3A_75 = arith.cmpi sgt, %scan3A_71, %gt3A : i32
      %convert_element_type3A = arith.extui %gt3A_75 : i1 to i32
      %cond3A = arith.constant 0 : i32
      %cond3A_76 = arith.cmpi ne, %convert_element_type3A, %cond3A : i32
      scf.if %cond3A_76 {
        %sub3A_172 = arith.constant 1 : i32
        %sub3A_173 = arith.subi %add3A_74, %sub3A_172 : i32
        %dma_wait3A_174 = arith.constant 1 : i32
        %dma_wait3A_175 = arith.constant 1 : i32
        %dma_wait3A_176 = arith.constant 0 : i32
        %dma_wait3A_177 = arith.constant 0 : i32
        %dma_wait3A_178 = tpu.memref_slice %arg9[%dma_wait3A_174, %dma_wait3A_176, %dma_wait3A_177] : memref<2x128x64xf32, #tpu.memory_space<vmem>> -> memref<1x128x64xf32, #tpu.memory_space<vmem>>
        %dma_wait3A_179 = tpu.memref_squeeze %dma_wait3A_178 : memref<1x128x64xf32, #tpu.memory_space<vmem>> -> memref<128x64xf32, #tpu.memory_space<vmem>>
        %dma_wait3A_180 = arith.constant 0 : i32
        %dma_wait3A_181 = tpu.memref_slice %arg8[%sub3A_173, %dma_wait3A_180] : memref<80x128xi32, #tpu.memory_space<vmem>> -> memref<1x128xi32, #tpu.memory_space<vmem>>
        %dma_wait3A_182 = tpu.memref_squeeze %dma_wait3A_181 : memref<1x128xi32, #tpu.memory_space<vmem>> -> memref<128xi32, #tpu.memory_space<vmem>>
        %dma_wait3A_183 = arith.constant 0 : i32
        %dma_wait3A_184 = arith.constant 0 : i32
        %dma_wait3A_185 = tpu.memref_slice %arg13[%dma_wait3A_183, %dma_wait3A_184] : memref<10240x64xf32, #tpu.memory_space<vmem_shared>> -> memref<10240x64xf32, #tpu.memory_space<vmem_shared>>
        %dma_wait3A_186 = tpu.memref_slice %arg11[%dma_wait3A_175] : memref<2x!tpu.dma_semaphore, #tpu.memory_space<semaphore_mem>> -> memref<1x!tpu.dma_semaphore, #tpu.memory_space<semaphore_mem>>
        %dma_wait3A_187 = tpu.memref_squeeze %dma_wait3A_186 : memref<1x!tpu.dma_semaphore, #tpu.memory_space<semaphore_mem>> -> memref<!tpu.dma_semaphore, #tpu.memory_space<semaphore_mem>>
        tpu.wait_indirect_dma semaphore(%dma_wait3A_187 : memref<!tpu.dma_semaphore, #tpu.memory_space<semaphore_mem>>) src(%dma_wait3A_179 : memref<128x64xf32, #tpu.memory_space<vmem>>) dst(%dma_wait3A_185 : memref<10240x64xf32, #tpu.memory_space<vmem_shared>>)
      } else {
      }
      %add3A_77 = arith.constant 1 : i32
      %add3A_78 = arith.addi %add3A_74, %add3A_77 : i32
      %dma_start3A_79 = arith.constant 1 : i32
      %dma_start3A_80 = arith.constant 1 : i32
      %dma_start3A_81 = arith.constant 0 : i32
      %dma_start3A_82 = arith.constant 0 : i32
      %dma_start3A_83 = tpu.memref_slice %arg9[%dma_start3A_79, %dma_start3A_81, %dma_start3A_82] : memref<2x128x64xf32, #tpu.memory_space<vmem>> -> memref<1x128x64xf32, #tpu.memory_space<vmem>>
      %dma_start3A_84 = tpu.memref_squeeze %dma_start3A_83 : memref<1x128x64xf32, #tpu.memory_space<vmem>> -> memref<128x64xf32, #tpu.memory_space<vmem>>
      %dma_start3A_85 = arith.constant 0 : i32
      %dma_start3A_86 = tpu.memref_slice %arg7[%add3A_78, %dma_start3A_85] : memref<80x128xi32, #tpu.memory_space<vmem>> -> memref<1x128xi32, #tpu.memory_space<vmem>>
      %dma_start3A_87 = tpu.memref_squeeze %dma_start3A_86 : memref<1x128xi32, #tpu.memory_space<vmem>> -> memref<128xi32, #tpu.memory_space<vmem>>
      %dma_start3A_88 = arith.constant 0 : i32
      %dma_start3A_89 = arith.constant 0 : i32
      %dma_start3A_90 = tpu.memref_slice %arg12[%dma_start3A_88, %dma_start3A_89] : memref<10240x64xf32, #tpu.memory_space<vmem_shared>> -> memref<10240x64xf32, #tpu.memory_space<vmem_shared>>
      %dma_start3A_91 = tpu.memref_slice %arg10[%dma_start3A_80] : memref<2x!tpu.dma_semaphore, #tpu.memory_space<semaphore_mem>> -> memref<1x!tpu.dma_semaphore, #tpu.memory_space<semaphore_mem>>
      %dma_start3A_92 = tpu.memref_squeeze %dma_start3A_91 : memref<1x!tpu.dma_semaphore, #tpu.memory_space<semaphore_mem>> -> memref<!tpu.dma_semaphore, #tpu.memory_space<semaphore_mem>>
      tpu.enqueue_indirect_dma source(%dma_start3A_90 : memref<10240x64xf32, #tpu.memory_space<vmem_shared>>) target(%dma_start3A_84 : memref<128x64xf32, #tpu.memory_space<vmem>>) offsets(%dma_start3A_87 : memref<128xi32, #tpu.memory_space<vmem>>) semaphore(%dma_start3A_92 : memref<!tpu.dma_semaphore, #tpu.memory_space<semaphore_mem>>)
      %dma_wait3A_93 = arith.constant 0 : i32
      %dma_wait3A_94 = arith.constant 0 : i32
      %dma_wait3A_95 = arith.constant 0 : i32
      %dma_wait3A_96 = arith.constant 0 : i32
      %dma_wait3A_97 = tpu.memref_slice %arg9[%dma_wait3A_93, %dma_wait3A_95, %dma_wait3A_96] : memref<2x128x64xf32, #tpu.memory_space<vmem>> -> memref<1x128x64xf32, #tpu.memory_space<vmem>>
      %dma_wait3A_98 = tpu.memref_squeeze %dma_wait3A_97 : memref<1x128x64xf32, #tpu.memory_space<vmem>> -> memref<128x64xf32, #tpu.memory_space<vmem>>
      %dma_wait3A_99 = arith.constant 0 : i32
      %dma_wait3A_100 = tpu.memref_slice %arg7[%add3A_74, %dma_wait3A_99] : memref<80x128xi32, #tpu.memory_space<vmem>> -> memref<1x128xi32, #tpu.memory_space<vmem>>
      %dma_wait3A_101 = tpu.memref_squeeze %dma_wait3A_100 : memref<1x128xi32, #tpu.memory_space<vmem>> -> memref<128xi32, #tpu.memory_space<vmem>>
      %dma_wait3A_102 = arith.constant 0 : i32
      %dma_wait3A_103 = arith.constant 0 : i32
      %dma_wait3A_104 = tpu.memref_slice %arg12[%dma_wait3A_102, %dma_wait3A_103] : memref<10240x64xf32, #tpu.memory_space<vmem_shared>> -> memref<10240x64xf32, #tpu.memory_space<vmem_shared>>
      %dma_wait3A_105 = tpu.memref_slice %arg10[%dma_wait3A_94] : memref<2x!tpu.dma_semaphore, #tpu.memory_space<semaphore_mem>> -> memref<1x!tpu.dma_semaphore, #tpu.memory_space<semaphore_mem>>
      %dma_wait3A_106 = tpu.memref_squeeze %dma_wait3A_105 : memref<1x!tpu.dma_semaphore, #tpu.memory_space<semaphore_mem>> -> memref<!tpu.dma_semaphore, #tpu.memory_space<semaphore_mem>>
      tpu.wait_indirect_dma semaphore(%dma_wait3A_106 : memref<!tpu.dma_semaphore, #tpu.memory_space<semaphore_mem>>) src(%dma_wait3A_104 : memref<10240x64xf32, #tpu.memory_space<vmem_shared>>) dst(%dma_wait3A_98 : memref<128x64xf32, #tpu.memory_space<vmem>>)
      %dma_start3A_107 = arith.constant 0 : i32
      %dma_start3A_108 = arith.constant 0 : i32
      %dma_start3A_109 = arith.constant 0 : i32
      %dma_start3A_110 = arith.constant 0 : i32
      %dma_start3A_111 = tpu.memref_slice %arg9[%dma_start3A_107, %dma_start3A_109, %dma_start3A_110] : memref<2x128x64xf32, #tpu.memory_space<vmem>> -> memref<1x128x64xf32, #tpu.memory_space<vmem>>
      %dma_start3A_112 = tpu.memref_squeeze %dma_start3A_111 : memref<1x128x64xf32, #tpu.memory_space<vmem>> -> memref<128x64xf32, #tpu.memory_space<vmem>>
      %dma_start3A_113 = arith.constant 0 : i32
      %dma_start3A_114 = tpu.memref_slice %arg8[%add3A_74, %dma_start3A_113] : memref<80x128xi32, #tpu.memory_space<vmem>> -> memref<1x128xi32, #tpu.memory_space<vmem>>
      %dma_start3A_115 = tpu.memref_squeeze %dma_start3A_114 : memref<1x128xi32, #tpu.memory_space<vmem>> -> memref<128xi32, #tpu.memory_space<vmem>>
      %dma_start3A_116 = arith.constant 0 : i32
      %dma_start3A_117 = arith.constant 0 : i32
      %dma_start3A_118 = tpu.memref_slice %arg13[%dma_start3A_116, %dma_start3A_117] : memref<10240x64xf32, #tpu.memory_space<vmem_shared>> -> memref<10240x64xf32, #tpu.memory_space<vmem_shared>>
      %dma_start3A_119 = tpu.memref_slice %arg11[%dma_start3A_108] : memref<2x!tpu.dma_semaphore, #tpu.memory_space<semaphore_mem>> -> memref<1x!tpu.dma_semaphore, #tpu.memory_space<semaphore_mem>>
      %dma_start3A_120 = tpu.memref_squeeze %dma_start3A_119 : memref<1x!tpu.dma_semaphore, #tpu.memory_space<semaphore_mem>> -> memref<!tpu.dma_semaphore, #tpu.memory_space<semaphore_mem>>
      tpu.enqueue_indirect_dma source(%dma_start3A_112 : memref<128x64xf32, #tpu.memory_space<vmem>>) target(%dma_start3A_118 : memref<10240x64xf32, #tpu.memory_space<vmem_shared>>) offsets(%dma_start3A_115 : memref<128xi32, #tpu.memory_space<vmem>>) semaphore(%dma_start3A_120 : memref<!tpu.dma_semaphore, #tpu.memory_space<semaphore_mem>>) {add = true}
      %mul3A_121 = arith.constant 2 : i32
      %mul3A_122 = arith.muli %mul3A_121, %scan3A_71 : i32
      %add3A_123 = arith.constant 1 : i32
      %add3A_124 = arith.addi %mul3A_122, %add3A_123 : i32
      %sub3A = arith.constant 1 : i32
      %sub3A_125 = arith.subi %add3A_124, %sub3A : i32
      %dma_wait3A_126 = arith.constant 0 : i32
      %dma_wait3A_127 = arith.constant 0 : i32
      %dma_wait3A_128 = arith.constant 0 : i32
      %dma_wait3A_129 = arith.constant 0 : i32
      %dma_wait3A_130 = tpu.memref_slice %arg9[%dma_wait3A_126, %dma_wait3A_128, %dma_wait3A_129] : memref<2x128x64xf32, #tpu.memory_space<vmem>> -> memref<1x128x64xf32, #tpu.memory_space<vmem>>
      %dma_wait3A_131 = tpu.memref_squeeze %dma_wait3A_130 : memref<1x128x64xf32, #tpu.memory_space<vmem>> -> memref<128x64xf32, #tpu.memory_space<vmem>>
      %dma_wait3A_132 = arith.constant 0 : i32
      %dma_wait3A_133 = tpu.memref_slice %arg8[%sub3A_125, %dma_wait3A_132] : memref<80x128xi32, #tpu.memory_space<vmem>> -> memref<1x128xi32, #tpu.memory_space<vmem>>
      %dma_wait3A_134 = tpu.memref_squeeze %dma_wait3A_133 : memref<1x128xi32, #tpu.memory_space<vmem>> -> memref<128xi32, #tpu.memory_space<vmem>>
      %dma_wait3A_135 = arith.constant 0 : i32
      %dma_wait3A_136 = arith.constant 0 : i32
      %dma_wait3A_137 = tpu.memref_slice %arg13[%dma_wait3A_135, %dma_wait3A_136] : memref<10240x64xf32, #tpu.memory_space<vmem_shared>> -> memref<10240x64xf32, #tpu.memory_space<vmem_shared>>
      %dma_wait3A_138 = tpu.memref_slice %arg11[%dma_wait3A_127] : memref<2x!tpu.dma_semaphore, #tpu.memory_space<semaphore_mem>> -> memref<1x!tpu.dma_semaphore, #tpu.memory_space<semaphore_mem>>
      %dma_wait3A_139 = tpu.memref_squeeze %dma_wait3A_138 : memref<1x!tpu.dma_semaphore, #tpu.memory_space<semaphore_mem>> -> memref<!tpu.dma_semaphore, #tpu.memory_space<semaphore_mem>>
      tpu.wait_indirect_dma semaphore(%dma_wait3A_139 : memref<!tpu.dma_semaphore, #tpu.memory_space<semaphore_mem>>) src(%dma_wait3A_131 : memref<128x64xf32, #tpu.memory_space<vmem>>) dst(%dma_wait3A_137 : memref<10240x64xf32, #tpu.memory_space<vmem_shared>>)
      %lt3A = arith.constant 39 : i32
      %lt3A_140 = arith.cmpi slt, %scan3A_71, %lt3A : i32
      %convert_element_type3A_141 = arith.extui %lt3A_140 : i1 to i32
      %cond3A_142 = arith.constant 0 : i32
      %cond3A_143 = arith.cmpi ne, %convert_element_type3A_141, %cond3A_142 : i32
      scf.if %cond3A_143 {
        %add3A_172 = arith.constant 1 : i32
        %add3A_173 = arith.addi %add3A_124, %add3A_172 : i32
        %dma_start3A_174 = arith.constant 0 : i32
        %dma_start3A_175 = arith.constant 0 : i32
        %dma_start3A_176 = arith.constant 0 : i32
        %dma_start3A_177 = arith.constant 0 : i32
        %dma_start3A_178 = tpu.memref_slice %arg9[%dma_start3A_174, %dma_start3A_176, %dma_start3A_177] : memref<2x128x64xf32, #tpu.memory_space<vmem>> -> memref<1x128x64xf32, #tpu.memory_space<vmem>>
        %dma_start3A_179 = tpu.memref_squeeze %dma_start3A_178 : memref<1x128x64xf32, #tpu.memory_space<vmem>> -> memref<128x64xf32, #tpu.memory_space<vmem>>
        %dma_start3A_180 = arith.constant 0 : i32
        %dma_start3A_181 = tpu.memref_slice %arg7[%add3A_173, %dma_start3A_180] : memref<80x128xi32, #tpu.memory_space<vmem>> -> memref<1x128xi32, #tpu.memory_space<vmem>>
        %dma_start3A_182 = tpu.memref_squeeze %dma_start3A_181 : memref<1x128xi32, #tpu.memory_space<vmem>> -> memref<128xi32, #tpu.memory_space<vmem>>
        %dma_start3A_183 = arith.constant 0 : i32
        %dma_start3A_184 = arith.constant 0 : i32
        %dma_start3A_185 = tpu.memref_slice %arg12[%dma_start3A_183, %dma_start3A_184] : memref<10240x64xf32, #tpu.memory_space<vmem_shared>> -> memref<10240x64xf32, #tpu.memory_space<vmem_shared>>
        %dma_start3A_186 = tpu.memref_slice %arg10[%dma_start3A_175] : memref<2x!tpu.dma_semaphore, #tpu.memory_space<semaphore_mem>> -> memref<1x!tpu.dma_semaphore, #tpu.memory_space<semaphore_mem>>
        %dma_start3A_187 = tpu.memref_squeeze %dma_start3A_186 : memref<1x!tpu.dma_semaphore, #tpu.memory_space<semaphore_mem>> -> memref<!tpu.dma_semaphore, #tpu.memory_space<semaphore_mem>>
        tpu.enqueue_indirect_dma source(%dma_start3A_185 : memref<10240x64xf32, #tpu.memory_space<vmem_shared>>) target(%dma_start3A_179 : memref<128x64xf32, #tpu.memory_space<vmem>>) offsets(%dma_start3A_182 : memref<128xi32, #tpu.memory_space<vmem>>) semaphore(%dma_start3A_187 : memref<!tpu.dma_semaphore, #tpu.memory_space<semaphore_mem>>)
      } else {
      }
      %dma_wait3A_144 = arith.constant 1 : i32
      %dma_wait3A_145 = arith.constant 1 : i32
      %dma_wait3A_146 = arith.constant 0 : i32
      %dma_wait3A_147 = arith.constant 0 : i32
      %dma_wait3A_148 = tpu.memref_slice %arg9[%dma_wait3A_144, %dma_wait3A_146, %dma_wait3A_147] : memref<2x128x64xf32, #tpu.memory_space<vmem>> -> memref<1x128x64xf32, #tpu.memory_space<vmem>>
      %dma_wait3A_149 = tpu.memref_squeeze %dma_wait3A_148 : memref<1x128x64xf32, #tpu.memory_space<vmem>> -> memref<128x64xf32, #tpu.memory_space<vmem>>
      %dma_wait3A_150 = arith.constant 0 : i32
      %dma_wait3A_151 = tpu.memref_slice %arg7[%add3A_124, %dma_wait3A_150] : memref<80x128xi32, #tpu.memory_space<vmem>> -> memref<1x128xi32, #tpu.memory_space<vmem>>
      %dma_wait3A_152 = tpu.memref_squeeze %dma_wait3A_151 : memref<1x128xi32, #tpu.memory_space<vmem>> -> memref<128xi32, #tpu.memory_space<vmem>>
      %dma_wait3A_153 = arith.constant 0 : i32
      %dma_wait3A_154 = arith.constant 0 : i32
      %dma_wait3A_155 = tpu.memref_slice %arg12[%dma_wait3A_153, %dma_wait3A_154] : memref<10240x64xf32, #tpu.memory_space<vmem_shared>> -> memref<10240x64xf32, #tpu.memory_space<vmem_shared>>
      %dma_wait3A_156 = tpu.memref_slice %arg10[%dma_wait3A_145] : memref<2x!tpu.dma_semaphore, #tpu.memory_space<semaphore_mem>> -> memref<1x!tpu.dma_semaphore, #tpu.memory_space<semaphore_mem>>
      %dma_wait3A_157 = tpu.memref_squeeze %dma_wait3A_156 : memref<1x!tpu.dma_semaphore, #tpu.memory_space<semaphore_mem>> -> memref<!tpu.dma_semaphore, #tpu.memory_space<semaphore_mem>>
      tpu.wait_indirect_dma semaphore(%dma_wait3A_157 : memref<!tpu.dma_semaphore, #tpu.memory_space<semaphore_mem>>) src(%dma_wait3A_155 : memref<10240x64xf32, #tpu.memory_space<vmem_shared>>) dst(%dma_wait3A_149 : memref<128x64xf32, #tpu.memory_space<vmem>>)
      %dma_start3A_158 = arith.constant 1 : i32
      %dma_start3A_159 = arith.constant 1 : i32
      %dma_start3A_160 = arith.constant 0 : i32
      %dma_start3A_161 = arith.constant 0 : i32
      %dma_start3A_162 = tpu.memref_slice %arg9[%dma_start3A_158, %dma_start3A_160, %dma_start3A_161] : memref<2x128x64xf32, #tpu.memory_space<vmem>> -> memref<1x128x64xf32, #tpu.memory_space<vmem>>
      %dma_start3A_163 = tpu.memref_squeeze %dma_start3A_162 : memref<1x128x64xf32, #tpu.memory_space<vmem>> -> memref<128x64xf32, #tpu.memory_space<vmem>>
      %dma_start3A_164 = arith.constant 0 : i32
      %dma_start3A_165 = tpu.memref_slice %arg8[%add3A_124, %dma_start3A_164] : memref<80x128xi32, #tpu.memory_space<vmem>> -> memref<1x128xi32, #tpu.memory_space<vmem>>
      %dma_start3A_166 = tpu.memref_squeeze %dma_start3A_165 : memref<1x128xi32, #tpu.memory_space<vmem>> -> memref<128xi32, #tpu.memory_space<vmem>>
      %dma_start3A_167 = arith.constant 0 : i32
      %dma_start3A_168 = arith.constant 0 : i32
      %dma_start3A_169 = tpu.memref_slice %arg13[%dma_start3A_167, %dma_start3A_168] : memref<10240x64xf32, #tpu.memory_space<vmem_shared>> -> memref<10240x64xf32, #tpu.memory_space<vmem_shared>>
      %dma_start3A_170 = tpu.memref_slice %arg11[%dma_start3A_159] : memref<2x!tpu.dma_semaphore, #tpu.memory_space<semaphore_mem>> -> memref<1x!tpu.dma_semaphore, #tpu.memory_space<semaphore_mem>>
      %dma_start3A_171 = tpu.memref_squeeze %dma_start3A_170 : memref<1x!tpu.dma_semaphore, #tpu.memory_space<semaphore_mem>> -> memref<!tpu.dma_semaphore, #tpu.memory_space<semaphore_mem>>
      tpu.enqueue_indirect_dma source(%dma_start3A_163 : memref<128x64xf32, #tpu.memory_space<vmem>>) target(%dma_start3A_169 : memref<10240x64xf32, #tpu.memory_space<vmem_shared>>) offsets(%dma_start3A_166 : memref<128xi32, #tpu.memory_space<vmem>>) semaphore(%dma_start3A_171 : memref<!tpu.dma_semaphore, #tpu.memory_space<semaphore_mem>>) {add = true}
    }
    %scan3A_19 = arith.constant 40 : i32
    %dma_wait3A = arith.constant 1 : i32
    %dma_wait3A_20 = arith.constant 79 : i32
    %dma_wait3A_21 = arith.constant 1 : i32
    %dma_wait3A_22 = arith.constant 0 : i32
    %dma_wait3A_23 = arith.constant 0 : i32
    %dma_wait3A_24 = tpu.memref_slice %arg9[%dma_wait3A, %dma_wait3A_22, %dma_wait3A_23] : memref<2x128x64xf32, #tpu.memory_space<vmem>> -> memref<1x128x64xf32, #tpu.memory_space<vmem>>
    %dma_wait3A_25 = tpu.memref_squeeze %dma_wait3A_24 : memref<1x128x64xf32, #tpu.memory_space<vmem>> -> memref<128x64xf32, #tpu.memory_space<vmem>>
    %dma_wait3A_26 = arith.constant 0 : i32
    %dma_wait3A_27 = tpu.memref_slice %arg8[%dma_wait3A_20, %dma_wait3A_26] : memref<80x128xi32, #tpu.memory_space<vmem>> -> memref<1x128xi32, #tpu.memory_space<vmem>>
    %dma_wait3A_28 = tpu.memref_squeeze %dma_wait3A_27 : memref<1x128xi32, #tpu.memory_space<vmem>> -> memref<128xi32, #tpu.memory_space<vmem>>
    %dma_wait3A_29 = arith.constant 0 : i32
    %dma_wait3A_30 = arith.constant 0 : i32
    %dma_wait3A_31 = tpu.memref_slice %arg13[%dma_wait3A_29, %dma_wait3A_30] : memref<10240x64xf32, #tpu.memory_space<vmem_shared>> -> memref<10240x64xf32, #tpu.memory_space<vmem_shared>>
    %dma_wait3A_32 = tpu.memref_slice %arg11[%dma_wait3A_21] : memref<2x!tpu.dma_semaphore, #tpu.memory_space<semaphore_mem>> -> memref<1x!tpu.dma_semaphore, #tpu.memory_space<semaphore_mem>>
    %dma_wait3A_33 = tpu.memref_squeeze %dma_wait3A_32 : memref<1x!tpu.dma_semaphore, #tpu.memory_space<semaphore_mem>> -> memref<!tpu.dma_semaphore, #tpu.memory_space<semaphore_mem>>
    tpu.wait_indirect_dma semaphore(%dma_wait3A_33 : memref<!tpu.dma_semaphore, #tpu.memory_space<semaphore_mem>>) src(%dma_wait3A_25 : memref<128x64xf32, #tpu.memory_space<vmem>>) dst(%dma_wait3A_31 : memref<10240x64xf32, #tpu.memory_space<vmem_shared>>)
    "tpu.region"() ({
      %run_scoped3A = tpu.sem_alloc : memref<!tpu.dma_semaphore, #tpu.memory_space<semaphore_mem>>
      %dma_start3A_71 = arith.constant 80 : i32
      %dma_start3A_72 = arith.constant 0 : i32
      %dma_start3A_73 = tpu.memref_slice %arg3[%arg1, %dma_start3A_71, %dma_start3A_72] : memref<16x160x128xi32, #tpu.memory_space<hbm>> -> memref<1x80x128xi32, #tpu.memory_space<hbm>>
      %dma_start3A_74 = tpu.memref_squeeze %dma_start3A_73 : memref<1x80x128xi32, #tpu.memory_space<hbm>> -> memref<80x128xi32, #tpu.memory_space<hbm>>
      %dma_start3A_75 = arith.constant 80 : i32
      %dma_start3A_76 = arith.constant 0 : i32
      %dma_start3A_77 = tpu.memref_slice %arg3[%arg1, %dma_start3A_75, %dma_start3A_76] : memref<16x160x128xi32, #tpu.memory_space<hbm>> -> memref<1x80x128xi32, #tpu.memory_space<hbm>>
      %dma_start3A_78 = tpu.memref_squeeze %dma_start3A_77 : memref<1x80x128xi32, #tpu.memory_space<hbm>> -> memref<80x128xi32, #tpu.memory_space<hbm>>
      tpu.enqueue_dma source(%dma_start3A_78 : memref<80x128xi32, #tpu.memory_space<hbm>>) target(%arg7 : memref<80x128xi32, #tpu.memory_space<vmem>>) target_semaphore(%run_scoped3A : memref<!tpu.dma_semaphore, #tpu.memory_space<semaphore_mem>>)
      %dma_wait3A_79 = arith.constant 80 : i32
      %dma_wait3A_80 = arith.constant 0 : i32
      %dma_wait3A_81 = tpu.memref_slice %arg3[%arg1, %dma_wait3A_79, %dma_wait3A_80] : memref<16x160x128xi32, #tpu.memory_space<hbm>> -> memref<1x80x128xi32, #tpu.memory_space<hbm>>
      %dma_wait3A_82 = tpu.memref_squeeze %dma_wait3A_81 : memref<1x80x128xi32, #tpu.memory_space<hbm>> -> memref<80x128xi32, #tpu.memory_space<hbm>>
      %dma_wait3A_83 = arith.constant 80 : i32
      %dma_wait3A_84 = arith.constant 0 : i32
      %dma_wait3A_85 = tpu.memref_slice %arg3[%arg1, %dma_wait3A_83, %dma_wait3A_84] : memref<16x160x128xi32, #tpu.memory_space<hbm>> -> memref<1x80x128xi32, #tpu.memory_space<hbm>>
      %dma_wait3A_86 = tpu.memref_squeeze %dma_wait3A_85 : memref<1x80x128xi32, #tpu.memory_space<hbm>> -> memref<80x128xi32, #tpu.memory_space<hbm>>
      tpu.wait_dma2 semaphore(%run_scoped3A : memref<!tpu.dma_semaphore, #tpu.memory_space<semaphore_mem>>) src(%dma_wait3A_86 : memref<80x128xi32, #tpu.memory_space<hbm>>) dst(%arg7 : memref<80x128xi32, #tpu.memory_space<vmem>>)
      tpu.yield
    }) : () -> ()
    "tpu.region"() ({
      %run_scoped3A = tpu.sem_alloc : memref<!tpu.dma_semaphore, #tpu.memory_space<semaphore_mem>>
      %dma_start3A_71 = arith.constant 80 : i32
      %dma_start3A_72 = arith.constant 0 : i32
      %dma_start3A_73 = tpu.memref_slice %arg4[%arg1, %dma_start3A_71, %dma_start3A_72] : memref<16x160x128xi32, #tpu.memory_space<hbm>> -> memref<1x80x128xi32, #tpu.memory_space<hbm>>
      %dma_start3A_74 = tpu.memref_squeeze %dma_start3A_73 : memref<1x80x128xi32, #tpu.memory_space<hbm>> -> memref<80x128xi32, #tpu.memory_space<hbm>>
      %dma_start3A_75 = arith.constant 80 : i32
      %dma_start3A_76 = arith.constant 0 : i32
      %dma_start3A_77 = tpu.memref_slice %arg4[%arg1, %dma_start3A_75, %dma_start3A_76] : memref<16x160x128xi32, #tpu.memory_space<hbm>> -> memref<1x80x128xi32, #tpu.memory_space<hbm>>
      %dma_start3A_78 = tpu.memref_squeeze %dma_start3A_77 : memref<1x80x128xi32, #tpu.memory_space<hbm>> -> memref<80x128xi32, #tpu.memory_space<hbm>>
      tpu.enqueue_dma source(%dma_start3A_78 : memref<80x128xi32, #tpu.memory_space<hbm>>) target(%arg8 : memref<80x128xi32, #tpu.memory_space<vmem>>) target_semaphore(%run_scoped3A : memref<!tpu.dma_semaphore, #tpu.memory_space<semaphore_mem>>)
      %dma_wait3A_79 = arith.constant 80 : i32
      %dma_wait3A_80 = arith.constant 0 : i32
      %dma_wait3A_81 = tpu.memref_slice %arg4[%arg1, %dma_wait3A_79, %dma_wait3A_80] : memref<16x160x128xi32, #tpu.memory_space<hbm>> -> memref<1x80x128xi32, #tpu.memory_space<hbm>>
      %dma_wait3A_82 = tpu.memref_squeeze %dma_wait3A_81 : memref<1x80x128xi32, #tpu.memory_space<hbm>> -> memref<80x128xi32, #tpu.memory_space<hbm>>
      %dma_wait3A_83 = arith.constant 80 : i32
      %dma_wait3A_84 = arith.constant 0 : i32
      %dma_wait3A_85 = tpu.memref_slice %arg4[%arg1, %dma_wait3A_83, %dma_wait3A_84] : memref<16x160x128xi32, #tpu.memory_space<hbm>> -> memref<1x80x128xi32, #tpu.memory_space<hbm>>
      %dma_wait3A_86 = tpu.memref_squeeze %dma_wait3A_85 : memref<1x80x128xi32, #tpu.memory_space<hbm>> -> memref<80x128xi32, #tpu.memory_space<hbm>>
      tpu.wait_dma2 semaphore(%run_scoped3A : memref<!tpu.dma_semaphore, #tpu.memory_space<semaphore_mem>>) src(%dma_wait3A_86 : memref<80x128xi32, #tpu.memory_space<hbm>>) dst(%arg8 : memref<80x128xi32, #tpu.memory_space<vmem>>)
      tpu.yield
    }) : () -> ()
    %dma_start3A_34 = arith.constant 0 : i32
    %dma_start3A_35 = arith.constant 0 : i32
    %dma_start3A_36 = arith.constant 0 : i32
    %dma_start3A_37 = arith.constant 0 : i32
    %dma_start3A_38 = arith.constant 0 : i32
    %dma_start3A_39 = tpu.memref_slice %arg9[%dma_start3A_35, %dma_start3A_37, %dma_start3A_38] : memref<2x128x64xf32, #tpu.memory_space<vmem>> -> memref<1x128x64xf32, #tpu.memory_space<vmem>>
    %dma_start3A_40 = tpu.memref_squeeze %dma_start3A_39 : memref<1x128x64xf32, #tpu.memory_space<vmem>> -> memref<128x64xf32, #tpu.memory_space<vmem>>
    %dma_start3A_41 = arith.constant 0 : i32
    %dma_start3A_42 = tpu.memref_slice %arg7[%dma_start3A_34, %dma_start3A_41] : memref<80x128xi32, #tpu.memory_space<vmem>> -> memref<1x128xi32, #tpu.memory_space<vmem>>
    %dma_start3A_43 = tpu.memref_squeeze %dma_start3A_42 : memref<1x128xi32, #tpu.memory_space<vmem>> -> memref<128xi32, #tpu.memory_space<vmem>>
    %dma_start3A_44 = arith.constant 0 : i32
    %dma_start3A_45 = arith.constant 0 : i32
    %dma_start3A_46 = tpu.memref_slice %arg12[%dma_start3A_44, %dma_start3A_45] : memref<10240x64xf32, #tpu.memory_space<vmem_shared>> -> memref<10240x64xf32, #tpu.memory_space<vmem_shared>>
    %dma_start3A_47 = tpu.memref_slice %arg10[%dma_start3A_36] : memref<2x!tpu.dma_semaphore, #tpu.memory_space<semaphore_mem>> -> memref<1x!tpu.dma_semaphore, #tpu.memory_space<semaphore_mem>>
    %dma_start3A_48 = tpu.memref_squeeze %dma_start3A_47 : memref<1x!tpu.dma_semaphore, #tpu.memory_space<semaphore_mem>> -> memref<!tpu.dma_semaphore, #tpu.memory_space<semaphore_mem>>
    tpu.enqueue_indirect_dma source(%dma_start3A_46 : memref<10240x64xf32, #tpu.memory_space<vmem_shared>>) target(%dma_start3A_40 : memref<128x64xf32, #tpu.memory_space<vmem>>) offsets(%dma_start3A_43 : memref<128xi32, #tpu.memory_space<vmem>>) semaphore(%dma_start3A_48 : memref<!tpu.dma_semaphore, #tpu.memory_space<semaphore_mem>>)
    %scan3A_49 = arith.constant 0 : i32
    %scan3A_50 = arith.constant 0 : i32
    %scan3A_51 = arith.constant 40 : i32
    %scan3A_52 = arith.addi %scan3A_50, %scan3A_51 : i32
    %scan3A_53 = arith.constant 1 : i32
    scf.for %scan3A_71 = %scan3A_50 to %scan3A_52 step %scan3A_53  : i32 {
      %mul3A_72 = arith.constant 2 : i32
      %mul3A_73 = arith.muli %mul3A_72, %scan3A_71 : i32
      %add3A = arith.constant 0 : i32
      %add3A_74 = arith.addi %mul3A_73, %add3A : i32
      %gt3A = arith.constant 0 : i32
      %gt3A_75 = arith.cmpi sgt, %scan3A_71, %gt3A : i32
      %convert_element_type3A = arith.extui %gt3A_75 : i1 to i32
      %cond3A = arith.constant 0 : i32
      %cond3A_76 = arith.cmpi ne, %convert_element_type3A, %cond3A : i32
      scf.if %cond3A_76 {
        %sub3A_172 = arith.constant 1 : i32
        %sub3A_173 = arith.subi %add3A_74, %sub3A_172 : i32
        %dma_wait3A_174 = arith.constant 1 : i32
        %dma_wait3A_175 = arith.constant 1 : i32
        %dma_wait3A_176 = arith.constant 0 : i32
        %dma_wait3A_177 = arith.constant 0 : i32
        %dma_wait3A_178 = tpu.memref_slice %arg9[%dma_wait3A_174, %dma_wait3A_176, %dma_wait3A_177] : memref<2x128x64xf32, #tpu.memory_space<vmem>> -> memref<1x128x64xf32, #tpu.memory_space<vmem>>
        %dma_wait3A_179 = tpu.memref_squeeze %dma_wait3A_178 : memref<1x128x64xf32, #tpu.memory_space<vmem>> -> memref<128x64xf32, #tpu.memory_space<vmem>>
        %dma_wait3A_180 = arith.constant 0 : i32
        %dma_wait3A_181 = tpu.memref_slice %arg8[%sub3A_173, %dma_wait3A_180] : memref<80x128xi32, #tpu.memory_space<vmem>> -> memref<1x128xi32, #tpu.memory_space<vmem>>
        %dma_wait3A_182 = tpu.memref_squeeze %dma_wait3A_181 : memref<1x128xi32, #tpu.memory_space<vmem>> -> memref<128xi32, #tpu.memory_space<vmem>>
        %dma_wait3A_183 = arith.constant 0 : i32
        %dma_wait3A_184 = arith.constant 0 : i32
        %dma_wait3A_185 = tpu.memref_slice %arg13[%dma_wait3A_183, %dma_wait3A_184] : memref<10240x64xf32, #tpu.memory_space<vmem_shared>> -> memref<10240x64xf32, #tpu.memory_space<vmem_shared>>
        %dma_wait3A_186 = tpu.memref_slice %arg11[%dma_wait3A_175] : memref<2x!tpu.dma_semaphore, #tpu.memory_space<semaphore_mem>> -> memref<1x!tpu.dma_semaphore, #tpu.memory_space<semaphore_mem>>
        %dma_wait3A_187 = tpu.memref_squeeze %dma_wait3A_186 : memref<1x!tpu.dma_semaphore, #tpu.memory_space<semaphore_mem>> -> memref<!tpu.dma_semaphore, #tpu.memory_space<semaphore_mem>>
        tpu.wait_indirect_dma semaphore(%dma_wait3A_187 : memref<!tpu.dma_semaphore, #tpu.memory_space<semaphore_mem>>) src(%dma_wait3A_179 : memref<128x64xf32, #tpu.memory_space<vmem>>) dst(%dma_wait3A_185 : memref<10240x64xf32, #tpu.memory_space<vmem_shared>>)
      } else {
      }
      %add3A_77 = arith.constant 1 : i32
      %add3A_78 = arith.addi %add3A_74, %add3A_77 : i32
      %dma_start3A_79 = arith.constant 1 : i32
      %dma_start3A_80 = arith.constant 1 : i32
      %dma_start3A_81 = arith.constant 0 : i32
      %dma_start3A_82 = arith.constant 0 : i32
      %dma_start3A_83 = tpu.memref_slice %arg9[%dma_start3A_79, %dma_start3A_81, %dma_start3A_82] : memref<2x128x64xf32, #tpu.memory_space<vmem>> -> memref<1x128x64xf32, #tpu.memory_space<vmem>>
      %dma_start3A_84 = tpu.memref_squeeze %dma_start3A_83 : memref<1x128x64xf32, #tpu.memory_space<vmem>> -> memref<128x64xf32, #tpu.memory_space<vmem>>
      %dma_start3A_85 = arith.constant 0 : i32
      %dma_start3A_86 = tpu.memref_slice %arg7[%add3A_78, %dma_start3A_85] : memref<80x128xi32, #tpu.memory_space<vmem>> -> memref<1x128xi32, #tpu.memory_space<vmem>>
      %dma_start3A_87 = tpu.memref_squeeze %dma_start3A_86 : memref<1x128xi32, #tpu.memory_space<vmem>> -> memref<128xi32, #tpu.memory_space<vmem>>
      %dma_start3A_88 = arith.constant 0 : i32
      %dma_start3A_89 = arith.constant 0 : i32
      %dma_start3A_90 = tpu.memref_slice %arg12[%dma_start3A_88, %dma_start3A_89] : memref<10240x64xf32, #tpu.memory_space<vmem_shared>> -> memref<10240x64xf32, #tpu.memory_space<vmem_shared>>
      %dma_start3A_91 = tpu.memref_slice %arg10[%dma_start3A_80] : memref<2x!tpu.dma_semaphore, #tpu.memory_space<semaphore_mem>> -> memref<1x!tpu.dma_semaphore, #tpu.memory_space<semaphore_mem>>
      %dma_start3A_92 = tpu.memref_squeeze %dma_start3A_91 : memref<1x!tpu.dma_semaphore, #tpu.memory_space<semaphore_mem>> -> memref<!tpu.dma_semaphore, #tpu.memory_space<semaphore_mem>>
      tpu.enqueue_indirect_dma source(%dma_start3A_90 : memref<10240x64xf32, #tpu.memory_space<vmem_shared>>) target(%dma_start3A_84 : memref<128x64xf32, #tpu.memory_space<vmem>>) offsets(%dma_start3A_87 : memref<128xi32, #tpu.memory_space<vmem>>) semaphore(%dma_start3A_92 : memref<!tpu.dma_semaphore, #tpu.memory_space<semaphore_mem>>)
      %dma_wait3A_93 = arith.constant 0 : i32
      %dma_wait3A_94 = arith.constant 0 : i32
      %dma_wait3A_95 = arith.constant 0 : i32
      %dma_wait3A_96 = arith.constant 0 : i32
      %dma_wait3A_97 = tpu.memref_slice %arg9[%dma_wait3A_93, %dma_wait3A_95, %dma_wait3A_96] : memref<2x128x64xf32, #tpu.memory_space<vmem>> -> memref<1x128x64xf32, #tpu.memory_space<vmem>>
      %dma_wait3A_98 = tpu.memref_squeeze %dma_wait3A_97 : memref<1x128x64xf32, #tpu.memory_space<vmem>> -> memref<128x64xf32, #tpu.memory_space<vmem>>
      %dma_wait3A_99 = arith.constant 0 : i32
      %dma_wait3A_100 = tpu.memref_slice %arg7[%add3A_74, %dma_wait3A_99] : memref<80x128xi32, #tpu.memory_space<vmem>> -> memref<1x128xi32, #tpu.memory_space<vmem>>
      %dma_wait3A_101 = tpu.memref_squeeze %dma_wait3A_100 : memref<1x128xi32, #tpu.memory_space<vmem>> -> memref<128xi32, #tpu.memory_space<vmem>>
      %dma_wait3A_102 = arith.constant 0 : i32
      %dma_wait3A_103 = arith.constant 0 : i32
      %dma_wait3A_104 = tpu.memref_slice %arg12[%dma_wait3A_102, %dma_wait3A_103] : memref<10240x64xf32, #tpu.memory_space<vmem_shared>> -> memref<10240x64xf32, #tpu.memory_space<vmem_shared>>
      %dma_wait3A_105 = tpu.memref_slice %arg10[%dma_wait3A_94] : memref<2x!tpu.dma_semaphore, #tpu.memory_space<semaphore_mem>> -> memref<1x!tpu.dma_semaphore, #tpu.memory_space<semaphore_mem>>
      %dma_wait3A_106 = tpu.memref_squeeze %dma_wait3A_105 : memref<1x!tpu.dma_semaphore, #tpu.memory_space<semaphore_mem>> -> memref<!tpu.dma_semaphore, #tpu.memory_space<semaphore_mem>>
      tpu.wait_indirect_dma semaphore(%dma_wait3A_106 : memref<!tpu.dma_semaphore, #tpu.memory_space<semaphore_mem>>) src(%dma_wait3A_104 : memref<10240x64xf32, #tpu.memory_space<vmem_shared>>) dst(%dma_wait3A_98 : memref<128x64xf32, #tpu.memory_space<vmem>>)
      %dma_start3A_107 = arith.constant 0 : i32
      %dma_start3A_108 = arith.constant 0 : i32
      %dma_start3A_109 = arith.constant 0 : i32
      %dma_start3A_110 = arith.constant 0 : i32
      %dma_start3A_111 = tpu.memref_slice %arg9[%dma_start3A_107, %dma_start3A_109, %dma_start3A_110] : memref<2x128x64xf32, #tpu.memory_space<vmem>> -> memref<1x128x64xf32, #tpu.memory_space<vmem>>
      %dma_start3A_112 = tpu.memref_squeeze %dma_start3A_111 : memref<1x128x64xf32, #tpu.memory_space<vmem>> -> memref<128x64xf32, #tpu.memory_space<vmem>>
      %dma_start3A_113 = arith.constant 0 : i32
      %dma_start3A_114 = tpu.memref_slice %arg8[%add3A_74, %dma_start3A_113] : memref<80x128xi32, #tpu.memory_space<vmem>> -> memref<1x128xi32, #tpu.memory_space<vmem>>
      %dma_start3A_115 = tpu.memref_squeeze %dma_start3A_114 : memref<1x128xi32, #tpu.memory_space<vmem>> -> memref<128xi32, #tpu.memory_space<vmem>>
      %dma_start3A_116 = arith.constant 0 : i32
      %dma_start3A_117 = arith.constant 0 : i32
      %dma_start3A_118 = tpu.memref_slice %arg13[%dma_start3A_116, %dma_start3A_117] : memref<10240x64xf32, #tpu.memory_space<vmem_shared>> -> memref<10240x64xf32, #tpu.memory_space<vmem_shared>>
      %dma_start3A_119 = tpu.memref_slice %arg11[%dma_start3A_108] : memref<2x!tpu.dma_semaphore, #tpu.memory_space<semaphore_mem>> -> memref<1x!tpu.dma_semaphore, #tpu.memory_space<semaphore_mem>>
      %dma_start3A_120 = tpu.memref_squeeze %dma_start3A_119 : memref<1x!tpu.dma_semaphore, #tpu.memory_space<semaphore_mem>> -> memref<!tpu.dma_semaphore, #tpu.memory_space<semaphore_mem>>
      tpu.enqueue_indirect_dma source(%dma_start3A_112 : memref<128x64xf32, #tpu.memory_space<vmem>>) target(%dma_start3A_118 : memref<10240x64xf32, #tpu.memory_space<vmem_shared>>) offsets(%dma_start3A_115 : memref<128xi32, #tpu.memory_space<vmem>>) semaphore(%dma_start3A_120 : memref<!tpu.dma_semaphore, #tpu.memory_space<semaphore_mem>>) {add = true}
      %mul3A_121 = arith.constant 2 : i32
      %mul3A_122 = arith.muli %mul3A_121, %scan3A_71 : i32
      %add3A_123 = arith.constant 1 : i32
      %add3A_124 = arith.addi %mul3A_122, %add3A_123 : i32
      %sub3A = arith.constant 1 : i32
      %sub3A_125 = arith.subi %add3A_124, %sub3A : i32
      %dma_wait3A_126 = arith.constant 0 : i32
      %dma_wait3A_127 = arith.constant 0 : i32
      %dma_wait3A_128 = arith.constant 0 : i32
      %dma_wait3A_129 = arith.constant 0 : i32
      %dma_wait3A_130 = tpu.memref_slice %arg9[%dma_wait3A_126, %dma_wait3A_128, %dma_wait3A_129] : memref<2x128x64xf32, #tpu.memory_space<vmem>> -> memref<1x128x64xf32, #tpu.memory_space<vmem>>
      %dma_wait3A_131 = tpu.memref_squeeze %dma_wait3A_130 : memref<1x128x64xf32, #tpu.memory_space<vmem>> -> memref<128x64xf32, #tpu.memory_space<vmem>>
      %dma_wait3A_132 = arith.constant 0 : i32
      %dma_wait3A_133 = tpu.memref_slice %arg8[%sub3A_125, %dma_wait3A_132] : memref<80x128xi32, #tpu.memory_space<vmem>> -> memref<1x128xi32, #tpu.memory_space<vmem>>
      %dma_wait3A_134 = tpu.memref_squeeze %dma_wait3A_133 : memref<1x128xi32, #tpu.memory_space<vmem>> -> memref<128xi32, #tpu.memory_space<vmem>>
      %dma_wait3A_135 = arith.constant 0 : i32
      %dma_wait3A_136 = arith.constant 0 : i32
      %dma_wait3A_137 = tpu.memref_slice %arg13[%dma_wait3A_135, %dma_wait3A_136] : memref<10240x64xf32, #tpu.memory_space<vmem_shared>> -> memref<10240x64xf32, #tpu.memory_space<vmem_shared>>
      %dma_wait3A_138 = tpu.memref_slice %arg11[%dma_wait3A_127] : memref<2x!tpu.dma_semaphore, #tpu.memory_space<semaphore_mem>> -> memref<1x!tpu.dma_semaphore, #tpu.memory_space<semaphore_mem>>
      %dma_wait3A_139 = tpu.memref_squeeze %dma_wait3A_138 : memref<1x!tpu.dma_semaphore, #tpu.memory_space<semaphore_mem>> -> memref<!tpu.dma_semaphore, #tpu.memory_space<semaphore_mem>>
      tpu.wait_indirect_dma semaphore(%dma_wait3A_139 : memref<!tpu.dma_semaphore, #tpu.memory_space<semaphore_mem>>) src(%dma_wait3A_131 : memref<128x64xf32, #tpu.memory_space<vmem>>) dst(%dma_wait3A_137 : memref<10240x64xf32, #tpu.memory_space<vmem_shared>>)
      %lt3A = arith.constant 39 : i32
      %lt3A_140 = arith.cmpi slt, %scan3A_71, %lt3A : i32
      %convert_element_type3A_141 = arith.extui %lt3A_140 : i1 to i32
      %cond3A_142 = arith.constant 0 : i32
      %cond3A_143 = arith.cmpi ne, %convert_element_type3A_141, %cond3A_142 : i32
      scf.if %cond3A_143 {
        %add3A_172 = arith.constant 1 : i32
        %add3A_173 = arith.addi %add3A_124, %add3A_172 : i32
        %dma_start3A_174 = arith.constant 0 : i32
        %dma_start3A_175 = arith.constant 0 : i32
        %dma_start3A_176 = arith.constant 0 : i32
        %dma_start3A_177 = arith.constant 0 : i32
        %dma_start3A_178 = tpu.memref_slice %arg9[%dma_start3A_174, %dma_start3A_176, %dma_start3A_177] : memref<2x128x64xf32, #tpu.memory_space<vmem>> -> memref<1x128x64xf32, #tpu.memory_space<vmem>>
        %dma_start3A_179 = tpu.memref_squeeze %dma_start3A_178 : memref<1x128x64xf32, #tpu.memory_space<vmem>> -> memref<128x64xf32, #tpu.memory_space<vmem>>
        %dma_start3A_180 = arith.constant 0 : i32
        %dma_start3A_181 = tpu.memref_slice %arg7[%add3A_173, %dma_start3A_180] : memref<80x128xi32, #tpu.memory_space<vmem>> -> memref<1x128xi32, #tpu.memory_space<vmem>>
        %dma_start3A_182 = tpu.memref_squeeze %dma_start3A_181 : memref<1x128xi32, #tpu.memory_space<vmem>> -> memref<128xi32, #tpu.memory_space<vmem>>
        %dma_start3A_183 = arith.constant 0 : i32
        %dma_start3A_184 = arith.constant 0 : i32
        %dma_start3A_185 = tpu.memref_slice %arg12[%dma_start3A_183, %dma_start3A_184] : memref<10240x64xf32, #tpu.memory_space<vmem_shared>> -> memref<10240x64xf32, #tpu.memory_space<vmem_shared>>
        %dma_start3A_186 = tpu.memref_slice %arg10[%dma_start3A_175] : memref<2x!tpu.dma_semaphore, #tpu.memory_space<semaphore_mem>> -> memref<1x!tpu.dma_semaphore, #tpu.memory_space<semaphore_mem>>
        %dma_start3A_187 = tpu.memref_squeeze %dma_start3A_186 : memref<1x!tpu.dma_semaphore, #tpu.memory_space<semaphore_mem>> -> memref<!tpu.dma_semaphore, #tpu.memory_space<semaphore_mem>>
        tpu.enqueue_indirect_dma source(%dma_start3A_185 : memref<10240x64xf32, #tpu.memory_space<vmem_shared>>) target(%dma_start3A_179 : memref<128x64xf32, #tpu.memory_space<vmem>>) offsets(%dma_start3A_182 : memref<128xi32, #tpu.memory_space<vmem>>) semaphore(%dma_start3A_187 : memref<!tpu.dma_semaphore, #tpu.memory_space<semaphore_mem>>)
      } else {
      }
      %dma_wait3A_144 = arith.constant 1 : i32
      %dma_wait3A_145 = arith.constant 1 : i32
      %dma_wait3A_146 = arith.constant 0 : i32
      %dma_wait3A_147 = arith.constant 0 : i32
      %dma_wait3A_148 = tpu.memref_slice %arg9[%dma_wait3A_144, %dma_wait3A_146, %dma_wait3A_147] : memref<2x128x64xf32, #tpu.memory_space<vmem>> -> memref<1x128x64xf32, #tpu.memory_space<vmem>>
      %dma_wait3A_149 = tpu.memref_squeeze %dma_wait3A_148 : memref<1x128x64xf32, #tpu.memory_space<vmem>> -> memref<128x64xf32, #tpu.memory_space<vmem>>
      %dma_wait3A_150 = arith.constant 0 : i32
      %dma_wait3A_151 = tpu.memref_slice %arg7[%add3A_124, %dma_wait3A_150] : memref<80x128xi32, #tpu.memory_space<vmem>> -> memref<1x128xi32, #tpu.memory_space<vmem>>
      %dma_wait3A_152 = tpu.memref_squeeze %dma_wait3A_151 : memref<1x128xi32, #tpu.memory_space<vmem>> -> memref<128xi32, #tpu.memory_space<vmem>>
      %dma_wait3A_153 = arith.constant 0 : i32
      %dma_wait3A_154 = arith.constant 0 : i32
      %dma_wait3A_155 = tpu.memref_slice %arg12[%dma_wait3A_153, %dma_wait3A_154] : memref<10240x64xf32, #tpu.memory_space<vmem_shared>> -> memref<10240x64xf32, #tpu.memory_space<vmem_shared>>
      %dma_wait3A_156 = tpu.memref_slice %arg10[%dma_wait3A_145] : memref<2x!tpu.dma_semaphore, #tpu.memory_space<semaphore_mem>> -> memref<1x!tpu.dma_semaphore, #tpu.memory_space<semaphore_mem>>
      %dma_wait3A_157 = tpu.memref_squeeze %dma_wait3A_156 : memref<1x!tpu.dma_semaphore, #tpu.memory_space<semaphore_mem>> -> memref<!tpu.dma_semaphore, #tpu.memory_space<semaphore_mem>>
      tpu.wait_indirect_dma semaphore(%dma_wait3A_157 : memref<!tpu.dma_semaphore, #tpu.memory_space<semaphore_mem>>) src(%dma_wait3A_155 : memref<10240x64xf32, #tpu.memory_space<vmem_shared>>) dst(%dma_wait3A_149 : memref<128x64xf32, #tpu.memory_space<vmem>>)
      %dma_start3A_158 = arith.constant 1 : i32
      %dma_start3A_159 = arith.constant 1 : i32
      %dma_start3A_160 = arith.constant 0 : i32
      %dma_start3A_161 = arith.constant 0 : i32
      %dma_start3A_162 = tpu.memref_slice %arg9[%dma_start3A_158, %dma_start3A_160, %dma_start3A_161] : memref<2x128x64xf32, #tpu.memory_space<vmem>> -> memref<1x128x64xf32, #tpu.memory_space<vmem>>
      %dma_start3A_163 = tpu.memref_squeeze %dma_start3A_162 : memref<1x128x64xf32, #tpu.memory_space<vmem>> -> memref<128x64xf32, #tpu.memory_space<vmem>>
      %dma_start3A_164 = arith.constant 0 : i32
      %dma_start3A_165 = tpu.memref_slice %arg8[%add3A_124, %dma_start3A_164] : memref<80x128xi32, #tpu.memory_space<vmem>> -> memref<1x128xi32, #tpu.memory_space<vmem>>
      %dma_start3A_166 = tpu.memref_squeeze %dma_start3A_165 : memref<1x128xi32, #tpu.memory_space<vmem>> -> memref<128xi32, #tpu.memory_space<vmem>>
      %dma_start3A_167 = arith.constant 0 : i32
      %dma_start3A_168 = arith.constant 0 : i32
      %dma_start3A_169 = tpu.memref_slice %arg13[%dma_start3A_167, %dma_start3A_168] : memref<10240x64xf32, #tpu.memory_space<vmem_shared>> -> memref<10240x64xf32, #tpu.memory_space<vmem_shared>>
      %dma_start3A_170 = tpu.memref_slice %arg11[%dma_start3A_159] : memref<2x!tpu.dma_semaphore, #tpu.memory_space<semaphore_mem>> -> memref<1x!tpu.dma_semaphore, #tpu.memory_space<semaphore_mem>>
      %dma_start3A_171 = tpu.memref_squeeze %dma_start3A_170 : memref<1x!tpu.dma_semaphore, #tpu.memory_space<semaphore_mem>> -> memref<!tpu.dma_semaphore, #tpu.memory_space<semaphore_mem>>
      tpu.enqueue_indirect_dma source(%dma_start3A_163 : memref<128x64xf32, #tpu.memory_space<vmem>>) target(%dma_start3A_169 : memref<10240x64xf32, #tpu.memory_space<vmem_shared>>) offsets(%dma_start3A_166 : memref<128xi32, #tpu.memory_space<vmem>>) semaphore(%dma_start3A_171 : memref<!tpu.dma_semaphore, #tpu.memory_space<semaphore_mem>>) {add = true}
    }
    %scan3A_54 = arith.constant 40 : i32
    %dma_wait3A_55 = arith.constant 1 : i32
    %dma_wait3A_56 = arith.constant 79 : i32
    %dma_wait3A_57 = arith.constant 1 : i32
    %dma_wait3A_58 = arith.constant 0 : i32
    %dma_wait3A_59 = arith.constant 0 : i32
    %dma_wait3A_60 = tpu.memref_slice %arg9[%dma_wait3A_55, %dma_wait3A_58, %dma_wait3A_59] : memref<2x128x64xf32, #tpu.memory_space<vmem>> -> memref<1x128x64xf32, #tpu.memory_space<vmem>>
    %dma_wait3A_61 = tpu.memref_squeeze %dma_wait3A_60 : memref<1x128x64xf32, #tpu.memory_space<vmem>> -> memref<128x64xf32, #tpu.memory_space<vmem>>
    %dma_wait3A_62 = arith.constant 0 : i32
    %dma_wait3A_63 = tpu.memref_slice %arg8[%dma_wait3A_56, %dma_wait3A_62] : memref<80x128xi32, #tpu.memory_space<vmem>> -> memref<1x128xi32, #tpu.memory_space<vmem>>
    %dma_wait3A_64 = tpu.memref_squeeze %dma_wait3A_63 : memref<1x128xi32, #tpu.memory_space<vmem>> -> memref<128xi32, #tpu.memory_space<vmem>>
    %dma_wait3A_65 = arith.constant 0 : i32
    %dma_wait3A_66 = arith.constant 0 : i32
    %dma_wait3A_67 = tpu.memref_slice %arg13[%dma_wait3A_65, %dma_wait3A_66] : memref<10240x64xf32, #tpu.memory_space<vmem_shared>> -> memref<10240x64xf32, #tpu.memory_space<vmem_shared>>
    %dma_wait3A_68 = tpu.memref_slice %arg11[%dma_wait3A_57] : memref<2x!tpu.dma_semaphore, #tpu.memory_space<semaphore_mem>> -> memref<1x!tpu.dma_semaphore, #tpu.memory_space<semaphore_mem>>
    %dma_wait3A_69 = tpu.memref_squeeze %dma_wait3A_68 : memref<1x!tpu.dma_semaphore, #tpu.memory_space<semaphore_mem>> -> memref<!tpu.dma_semaphore, #tpu.memory_space<semaphore_mem>>
    tpu.wait_indirect_dma semaphore(%dma_wait3A_69 : memref<!tpu.dma_semaphore, #tpu.memory_space<semaphore_mem>>) src(%dma_wait3A_61 : memref<128x64xf32, #tpu.memory_space<vmem>>) dst(%dma_wait3A_67 : memref<10240x64xf32, #tpu.memory_space<vmem_shared>>)
    %barrier3A_70 = arith.constant 0 : index
    tpu.barrier barrier_id(%barrier3A_70)
    "tpu.region"() ({
      %run_scoped3A = tpu.sem_alloc : memref<!tpu.dma_semaphore, #tpu.memory_space<semaphore_mem>>
      %dma_start3A_71 = arith.constant 0 : i32
      %dma_start3A_72 = tpu.memref_slice %arg6[%arg0, %mul3A_0, %dma_start3A_71] : memref<2x10240x64xf32, #tpu.memory_space<hbm>> -> memref<1x640x64xf32, #tpu.memory_space<hbm>>
      %dma_start3A_73 = tpu.memref_squeeze %dma_start3A_72 : memref<1x640x64xf32, #tpu.memory_space<hbm>> -> memref<640x64xf32, #tpu.memory_space<hbm>>
      %dma_start3A_74 = arith.constant 0 : i32
      %dma_start3A_75 = tpu.memref_slice %arg13[%mul3A_0, %dma_start3A_74] : memref<10240x64xf32, #tpu.memory_space<vmem_shared>> -> memref<640x64xf32, #tpu.memory_space<vmem_shared>>
      tpu.enqueue_dma source(%dma_start3A_75 : memref<640x64xf32, #tpu.memory_space<vmem_shared>>) target(%dma_start3A_73 : memref<640x64xf32, #tpu.memory_space<hbm>>) target_semaphore(%run_scoped3A : memref<!tpu.dma_semaphore, #tpu.memory_space<semaphore_mem>>)
      %dma_wait3A_76 = arith.constant 0 : i32
      %dma_wait3A_77 = tpu.memref_slice %arg6[%arg0, %mul3A_0, %dma_wait3A_76] : memref<2x10240x64xf32, #tpu.memory_space<hbm>> -> memref<1x640x64xf32, #tpu.memory_space<hbm>>
      %dma_wait3A_78 = tpu.memref_squeeze %dma_wait3A_77 : memref<1x640x64xf32, #tpu.memory_space<hbm>> -> memref<640x64xf32, #tpu.memory_space<hbm>>
      %dma_wait3A_79 = arith.constant 0 : i32
      %dma_wait3A_80 = tpu.memref_slice %arg13[%mul3A_0, %dma_wait3A_79] : memref<10240x64xf32, #tpu.memory_space<vmem_shared>> -> memref<640x64xf32, #tpu.memory_space<vmem_shared>>
      tpu.wait_dma2 semaphore(%run_scoped3A : memref<!tpu.dma_semaphore, #tpu.memory_space<semaphore_mem>>) src(%dma_wait3A_80 : memref<640x64xf32, #tpu.memory_space<vmem_shared>>) dst(%dma_wait3A_78 : memref<640x64xf32, #tpu.memory_space<hbm>>)
      tpu.yield
    }) : () -> ()
    return
  }
}

module attributes {stable_mosaic.version = 14 : i64} {
  func.func @body(%arg0: i32, %arg1: memref<1000x128xf32, #tpu.memory_space<vmem>>, %arg2: memref<128x128xf32, #tpu.memory_space<vmem>>, %arg3: memref<2x1000x16xf32, #tpu.memory_space<vmem>>, %arg4: memref<2x1000x64xf32, #tpu.memory_space<vmem>>) attributes {dimension_semantics = [#tpu.dimension_semantics<arbitrary>], iteration_bounds = array<i64: 10>, scalar_prefetch = 0 : i64, scratch_operands = 0 : i64, tpu.core_type = #tpu.core_type<tc>, window_params = [{transform_indices = @transform_0, window_bounds = array<i64: 1000, 128>}, {pipeline_mode = #tpu.pipeline_mode<synchronous>, transform_indices = @transform_1, window_bounds = array<i64: 128, 128>}, {transform_indices = @transform_2, window_bounds = array<i64: 2, 1000, 16>}, {transform_indices = @transform_3, window_bounds = array<i64: 2, 1000, 64>}]} {
    %get3A = arith.constant 0 : index
    %get3A_0 = arith.constant 0 : index
    %get3A_1 = arith.constant 0 : index
    %get3A_2 = vector.load %arg3[%get3A, %get3A_0, %get3A_1] : memref<2x1000x16xf32, #tpu.memory_space<vmem>>, vector<1x1000x1xf32>
    %get3A_3 = vector.shape_cast %get3A_2 : vector<1x1000x1xf32> to vector<1000x1xf32>
    %get3A_4 = arith.constant 1 : index
    %get3A_5 = arith.constant 0 : index
    %get3A_6 = arith.constant 0 : index
    %get3A_7 = vector.load %arg3[%get3A_4, %get3A_5, %get3A_6] : memref<2x1000x16xf32, #tpu.memory_space<vmem>>, vector<1x1000x1xf32>
    %get3A_8 = vector.shape_cast %get3A_7 : vector<1x1000x1xf32> to vector<1000x1xf32>
    %add3A = arith.addf %get3A_3, %get3A_8 : vector<1000x1xf32>
    %add3A_9 = arith.constant 1.000000e+00 : f32
    %add3A_10 = vector.broadcast %add3A_9 : f32 to vector<1000x1xf32>
    %add3A_11 = arith.addf %add3A, %add3A_10 : vector<1000x1xf32>
    %rsqrt3A = math.rsqrt %add3A_11 : vector<1000x1xf32>
    %get3A_12 = arith.constant 0 : index
    %get3A_13 = arith.constant 0 : index
    %get3A_14 = vector.load %arg1[%get3A_12, %get3A_13] : memref<1000x128xf32, #tpu.memory_space<vmem>>, vector<1000x128xf32>
    %get3A_15 = arith.constant 0 : index
    %get3A_16 = arith.constant 0 : index
    %get3A_17 = vector.load %arg2[%get3A_15, %get3A_16] : memref<128x128xf32, #tpu.memory_space<vmem>>, vector<128x128xf32>
    %dot_general3A = arith.constant dense<0.000000e+00> : vector<1000x128xf32>
    %dot_general3A_18 = tpu.matmul %get3A_14, %get3A_17, %dot_general3A {dimension_numbers = #tpu.dot_dimension_numbers<[1], [0], [0], [1], [0, 0, 1, 1], [], []>, transpose_lhs_hint = false} : vector<1000x128xf32>, vector<128x128xf32>, vector<1000x128xf32> -> vector<1000x128xf32>
    %mul3A = vector.broadcast %rsqrt3A : vector<1000x1xf32> to vector<1000x128xf32>
    %mul3A_19 = arith.mulf %dot_general3A_18, %mul3A : vector<1000x128xf32>
    %slice3A = vector.extract_strided_slice %mul3A_19 {offsets = [0, 0], sizes = [1000, 64], strides = [1, 1]} : vector<1000x128xf32> to vector<1000x64xf32>
    %swap3A = arith.constant 0 : index
    %swap3A_20 = arith.constant 0 : index
    %swap3A_21 = arith.constant 0 : index
    %swap3A_22 = vector.load %arg4[%swap3A, %swap3A_20, %swap3A_21] : memref<2x1000x64xf32, #tpu.memory_space<vmem>>, vector<1x1000x64xf32>
    %swap3A_23 = vector.shape_cast %swap3A_22 : vector<1x1000x64xf32> to vector<1000x64xf32>
    %swap3A_24 = vector.shape_cast %slice3A : vector<1000x64xf32> to vector<1x1000x64xf32>
    tpu.vector_store %arg4[%swap3A, %swap3A_20, %swap3A_21], %swap3A_24 {strides = array<i32>} : memref<2x1000x64xf32, #tpu.memory_space<vmem>>, vector<1x1000x64xf32>,
    %slice3A_25 = vector.extract_strided_slice %mul3A_19 {offsets = [0, 64], sizes = [1000, 64], strides = [1, 1]} : vector<1000x128xf32> to vector<1000x64xf32>
    %swap3A_26 = arith.constant 1 : index
    %swap3A_27 = arith.constant 0 : index
    %swap3A_28 = arith.constant 0 : index
    %swap3A_29 = vector.load %arg4[%swap3A_26, %swap3A_27, %swap3A_28] : memref<2x1000x64xf32, #tpu.memory_space<vmem>>, vector<1x1000x64xf32>
    %swap3A_30 = vector.shape_cast %swap3A_29 : vector<1x1000x64xf32> to vector<1000x64xf32>
    %swap3A_31 = vector.shape_cast %slice3A_25 : vector<1000x64xf32> to vector<1x1000x64xf32>
    tpu.vector_store %arg4[%swap3A_26, %swap3A_27, %swap3A_28], %swap3A_31 {strides = array<i32>} : memref<2x1000x64xf32, #tpu.memory_space<vmem>>, vector<1x1000x64xf32>,
    return
  }
  func.func @transform_0(%arg0: i32) -> (i32, i32) {
    %c0_i32 = arith.constant 0 : i32
    %c0_i32_0 = arith.constant 0 : i32
    return %arg0, %c0_i32 : i32, i32
  }
  func.func @transform_1(%arg0: i32) -> (i32, i32) {
    %c0_i32 = arith.constant 0 : i32
    %c0_i32_0 = arith.constant 0 : i32
    %c0_i32_1 = arith.constant 0 : i32
    return %c0_i32, %c0_i32_0 : i32, i32
  }
  func.func @transform_2(%arg0: i32) -> (i32, i32, i32) {
    %c0_i32 = arith.constant 0 : i32
    %c0_i32_0 = arith.constant 0 : i32
    %c0_i32_1 = arith.constant 0 : i32
    return %c0_i32, %arg0, %c0_i32_0 : i32, i32, i32
  }
  func.func @transform_3(%arg0: i32) -> (i32, i32, i32) {
    %c0_i32 = arith.constant 0 : i32
    %c0_i32_0 = arith.constant 0 : i32
    %c0_i32_1 = arith.constant 0 : i32
    return %c0_i32, %arg0, %c0_i32_0 : i32, i32, i32
  }
}

module attributes {stable_mosaic.version = 14 : i64} {
  func.func @body(%arg0: i32, %arg1: memref<2x1000x64xf32, #tpu.memory_space<vmem>>, %arg2: memref<2x1000x16xf32, #tpu.memory_space<vmem>>, %arg3: memref<2x1000x64xf32, #tpu.memory_space<vmem>>, %arg4: memref<1x128xf32, #tpu.memory_space<vmem>>, %arg5: memref<128x16xf32, #tpu.memory_space<vmem>>, %arg6: memref<1000x16xf32, #tpu.memory_space<vmem>>) attributes {dimension_semantics = [#tpu.dimension_semantics<arbitrary>], iteration_bounds = array<i64: 10>, scalar_prefetch = 0 : i64, scratch_operands = 0 : i64, tpu.core_type = #tpu.core_type<tc>, window_params = [{transform_indices = @transform_0, window_bounds = array<i64: 2, 1000, 64>}, {transform_indices = @transform_1, window_bounds = array<i64: 2, 1000, 16>}, {transform_indices = @transform_2, window_bounds = array<i64: 2, 1000, 64>}, {pipeline_mode = #tpu.pipeline_mode<synchronous>, transform_indices = @transform_3, window_bounds = array<i64: 1, 128>}, {pipeline_mode = #tpu.pipeline_mode<synchronous>, transform_indices = @transform_4, window_bounds = array<i64: 128, 16>}, {transform_indices = @transform_5, window_bounds = array<i64: 1000, 16>}]} {
    %get3A = arith.constant 0 : index
    %get3A_0 = arith.constant 0 : index
    %get3A_1 = arith.constant 0 : index
    %get3A_2 = vector.load %arg2[%get3A, %get3A_0, %get3A_1] : memref<2x1000x16xf32, #tpu.memory_space<vmem>>, vector<1x1000x1xf32>
    %get3A_3 = vector.shape_cast %get3A_2 : vector<1x1000x1xf32> to vector<1000x1xf32>
    %get3A_4 = arith.constant 1 : index
    %get3A_5 = arith.constant 0 : index
    %get3A_6 = arith.constant 0 : index
    %get3A_7 = vector.load %arg2[%get3A_4, %get3A_5, %get3A_6] : memref<2x1000x16xf32, #tpu.memory_space<vmem>>, vector<1x1000x1xf32>
    %get3A_8 = vector.shape_cast %get3A_7 : vector<1x1000x1xf32> to vector<1000x1xf32>
    %add3A = arith.addf %get3A_3, %get3A_8 : vector<1000x1xf32>
    %add3A_9 = arith.constant 1.000000e+00 : f32
    %add3A_10 = vector.broadcast %add3A_9 : f32 to vector<1000x1xf32>
    %add3A_11 = arith.addf %add3A, %add3A_10 : vector<1000x1xf32>
    %rsqrt3A = math.rsqrt %add3A_11 : vector<1000x1xf32>
    %get3A_12 = arith.constant 0 : index
    %get3A_13 = arith.constant 0 : index
    %get3A_14 = arith.constant 0 : index
    %get3A_15 = vector.load %arg1[%get3A_12, %get3A_13, %get3A_14] : memref<2x1000x64xf32, #tpu.memory_space<vmem>>, vector<1x1000x64xf32>
    %get3A_16 = vector.shape_cast %get3A_15 : vector<1x1000x64xf32> to vector<1000x64xf32>
    %get3A_17 = arith.constant 0 : index
    %get3A_18 = arith.constant 0 : index
    %get3A_19 = arith.constant 0 : index
    %get3A_20 = vector.load %arg3[%get3A_17, %get3A_18, %get3A_19] : memref<2x1000x64xf32, #tpu.memory_space<vmem>>, vector<1x1000x64xf32>
    %get3A_21 = vector.shape_cast %get3A_20 : vector<1x1000x64xf32> to vector<1000x64xf32>
    %add3A_22 = arith.addf %get3A_16, %get3A_21 : vector<1000x64xf32>
    %get3A_23 = arith.constant 1 : index
    %get3A_24 = arith.constant 0 : index
    %get3A_25 = arith.constant 0 : index
    %get3A_26 = vector.load %arg1[%get3A_23, %get3A_24, %get3A_25] : memref<2x1000x64xf32, #tpu.memory_space<vmem>>, vector<1x1000x64xf32>
    %get3A_27 = vector.shape_cast %get3A_26 : vector<1x1000x64xf32> to vector<1000x64xf32>
    %get3A_28 = arith.constant 1 : index
    %get3A_29 = arith.constant 0 : index
    %get3A_30 = arith.constant 0 : index
    %get3A_31 = vector.load %arg3[%get3A_28, %get3A_29, %get3A_30] : memref<2x1000x64xf32, #tpu.memory_space<vmem>>, vector<1x1000x64xf32>
    %get3A_32 = vector.shape_cast %get3A_31 : vector<1x1000x64xf32> to vector<1000x64xf32>
    %add3A_33 = arith.addf %get3A_27, %get3A_32 : vector<1000x64xf32>
    %concatenate3A = tpu.concatenate %add3A_22, %add3A_33 in 1 : vector<1000x64xf32>, vector<1000x64xf32> -> vector<1000x128xf32>
    %mul3A = vector.broadcast %rsqrt3A : vector<1000x1xf32> to vector<1000x128xf32>
    %mul3A_34 = arith.mulf %concatenate3A, %mul3A : vector<1000x128xf32>
    %get3A_35 = arith.constant 0 : index
    %get3A_36 = arith.constant 0 : index
    %get3A_37 = vector.load %arg4[%get3A_35, %get3A_36] : memref<1x128xf32, #tpu.memory_space<vmem>>, vector<1x128xf32>
    %add3A_38 = vector.broadcast %get3A_37 : vector<1x128xf32> to vector<1000x128xf32>
    %add3A_39 = arith.addf %mul3A_34, %add3A_38 : vector<1000x128xf32>
    %max3A = arith.constant 0.000000e+00 : f32
    %max3A_40 = vector.broadcast %max3A : f32 to vector<1000x128xf32>
    %max3A_41 = arith.maximumf %add3A_39, %max3A_40 : vector<1000x128xf32>
    %get3A_42 = arith.constant 0 : index
    %get3A_43 = arith.constant 0 : index
    %get3A_44 = vector.load %arg5[%get3A_42, %get3A_43] : memref<128x16xf32, #tpu.memory_space<vmem>>, vector<128x16xf32>
    %dot_general3A = arith.constant dense<0.000000e+00> : vector<1000x16xf32>
    %dot_general3A_45 = tpu.matmul %max3A_41, %get3A_44, %dot_general3A {dimension_numbers = #tpu.dot_dimension_numbers<[1], [0], [0], [1], [0, 0, 1, 1], [], []>, transpose_lhs_hint = false} : vector<1000x128xf32>, vector<128x16xf32>, vector<1000x16xf32> -> vector<1000x16xf32>
    %mul3A_46 = vector.broadcast %rsqrt3A : vector<1000x1xf32> to vector<1000x16xf32>
    %mul3A_47 = arith.mulf %dot_general3A_45, %mul3A_46 : vector<1000x16xf32>
    %swap3A = arith.constant 0 : index
    %swap3A_48 = arith.constant 0 : index
    %swap3A_49 = vector.load %arg6[%swap3A, %swap3A_48] : memref<1000x16xf32, #tpu.memory_space<vmem>>, vector<1000x16xf32>
    tpu.vector_store %arg6[%swap3A, %swap3A_48], %mul3A_47 {strides = array<i32>} : memref<1000x16xf32, #tpu.memory_space<vmem>>, vector<1000x16xf32>,
    return
  }
  func.func @transform_0(%arg0: i32) -> (i32, i32, i32) {
    %c0_i32 = arith.constant 0 : i32
    %c0_i32_0 = arith.constant 0 : i32
    %c0_i32_1 = arith.constant 0 : i32
    return %c0_i32, %arg0, %c0_i32_0 : i32, i32, i32
  }
  func.func @transform_1(%arg0: i32) -> (i32, i32, i32) {
    %c0_i32 = arith.constant 0 : i32
    %c0_i32_0 = arith.constant 0 : i32
    %c0_i32_1 = arith.constant 0 : i32
    return %c0_i32, %arg0, %c0_i32_0 : i32, i32, i32
  }
  func.func @transform_2(%arg0: i32) -> (i32, i32, i32) {
    %c0_i32 = arith.constant 0 : i32
    %c0_i32_0 = arith.constant 0 : i32
    %c0_i32_1 = arith.constant 0 : i32
    return %c0_i32, %arg0, %c0_i32_0 : i32, i32, i32
  }
  func.func @transform_3(%arg0: i32) -> (i32, i32) {
    %c0_i32 = arith.constant 0 : i32
    %c0_i32_0 = arith.constant 0 : i32
    %c0_i32_1 = arith.constant 0 : i32
    return %c0_i32, %c0_i32_0 : i32, i32
  }
  func.func @transform_4(%arg0: i32) -> (i32, i32) {
    %c0_i32 = arith.constant 0 : i32
    %c0_i32_0 = arith.constant 0 : i32
    %c0_i32_1 = arith.constant 0 : i32
    return %c0_i32, %c0_i32_0 : i32, i32
  }
  func.func @transform_5(%arg0: i32) -> (i32, i32) {
    %c0_i32 = arith.constant 0 : i32
    %c0_i32_0 = arith.constant 0 : i32
    return %arg0, %c0_i32 : i32, i32
  }
}

module attributes {stable_mosaic.version = 14 : i64} {
  func.func @body(%arg0: i32, %arg1: memref<2x1000x16xf32, #tpu.memory_space<vmem>>, %arg2: memref<2x1000x16xf32, #tpu.memory_space<vmem>>, %arg3: memref<1000x16xf32, #tpu.memory_space<vmem>>, %arg4: memref<1x16xf32, #tpu.memory_space<vmem>>, %arg5: memref<1000x16xf32, #tpu.memory_space<vmem>>) attributes {dimension_semantics = [#tpu.dimension_semantics<arbitrary>], iteration_bounds = array<i64: 10>, scalar_prefetch = 0 : i64, scratch_operands = 0 : i64, tpu.core_type = #tpu.core_type<tc>, window_params = [{transform_indices = @transform_0, window_bounds = array<i64: 2, 1000, 16>}, {transform_indices = @transform_1, window_bounds = array<i64: 2, 1000, 16>}, {transform_indices = @transform_2, window_bounds = array<i64: 1000, 16>}, {pipeline_mode = #tpu.pipeline_mode<synchronous>, transform_indices = @transform_3, window_bounds = array<i64: 1, 16>}, {transform_indices = @transform_4, window_bounds = array<i64: 1000, 16>}]} {
    %get3A = arith.constant 0 : index
    %get3A_0 = arith.constant 0 : index
    %get3A_1 = arith.constant 0 : index
    %get3A_2 = vector.load %arg2[%get3A, %get3A_0, %get3A_1] : memref<2x1000x16xf32, #tpu.memory_space<vmem>>, vector<1x1000x1xf32>
    %get3A_3 = vector.shape_cast %get3A_2 : vector<1x1000x1xf32> to vector<1000x1xf32>
    %get3A_4 = arith.constant 1 : index
    %get3A_5 = arith.constant 0 : index
    %get3A_6 = arith.constant 0 : index
    %get3A_7 = vector.load %arg2[%get3A_4, %get3A_5, %get3A_6] : memref<2x1000x16xf32, #tpu.memory_space<vmem>>, vector<1x1000x1xf32>
    %get3A_8 = vector.shape_cast %get3A_7 : vector<1x1000x1xf32> to vector<1000x1xf32>
    %add3A = arith.addf %get3A_3, %get3A_8 : vector<1000x1xf32>
    %add3A_9 = arith.constant 1.000000e+00 : f32
    %add3A_10 = vector.broadcast %add3A_9 : f32 to vector<1000x1xf32>
    %add3A_11 = arith.addf %add3A, %add3A_10 : vector<1000x1xf32>
    %rsqrt3A = math.rsqrt %add3A_11 : vector<1000x1xf32>
    %get3A_12 = arith.constant 0 : index
    %get3A_13 = arith.constant 0 : index
    %get3A_14 = arith.constant 0 : index
    %get3A_15 = vector.load %arg1[%get3A_12, %get3A_13, %get3A_14] : memref<2x1000x16xf32, #tpu.memory_space<vmem>>, vector<1x1000x16xf32>
    %get3A_16 = vector.shape_cast %get3A_15 : vector<1x1000x16xf32> to vector<1000x16xf32>
    %get3A_17 = arith.constant 1 : index
    %get3A_18 = arith.constant 0 : index
    %get3A_19 = arith.constant 0 : index
    %get3A_20 = vector.load %arg1[%get3A_17, %get3A_18, %get3A_19] : memref<2x1000x16xf32, #tpu.memory_space<vmem>>, vector<1x1000x16xf32>
    %get3A_21 = vector.shape_cast %get3A_20 : vector<1x1000x16xf32> to vector<1000x16xf32>
    %add3A_22 = arith.addf %get3A_16, %get3A_21 : vector<1000x16xf32>
    %get3A_23 = arith.constant 0 : index
    %get3A_24 = arith.constant 0 : index
    %get3A_25 = vector.load %arg3[%get3A_23, %get3A_24] : memref<1000x16xf32, #tpu.memory_space<vmem>>, vector<1000x16xf32>
    %add3A_26 = arith.addf %add3A_22, %get3A_25 : vector<1000x16xf32>
    %mul3A = vector.broadcast %rsqrt3A : vector<1000x1xf32> to vector<1000x16xf32>
    %mul3A_27 = arith.mulf %add3A_26, %mul3A : vector<1000x16xf32>
    %get3A_28 = arith.constant 0 : index
    %get3A_29 = arith.constant 0 : index
    %get3A_30 = vector.load %arg4[%get3A_28, %get3A_29] : memref<1x16xf32, #tpu.memory_space<vmem>>, vector<1x16xf32>
    %add3A_31 = vector.broadcast %get3A_30 : vector<1x16xf32> to vector<1000x16xf32>
    %add3A_32 = arith.addf %mul3A_27, %add3A_31 : vector<1000x16xf32>
    %iota3A = tpu.iota {dimensions = array<i32: 1>} : vector<1000x16xi32>
    %lt3A = arith.constant 10 : i32
    %lt3A_33 = vector.broadcast %lt3A : i32 to vector<1000x16xi32>
    %lt3A_34 = arith.cmpi slt, %iota3A, %lt3A_33 : vector<1000x16xi32>
    %jit3A = arith.constant -1.000000e+30 : f32
    %broadcast_in_dim3A = vector.broadcast %jit3A : f32 to vector<1000x16xf32>
    %select_n3A = arith.select %lt3A_34, %add3A_32, %broadcast_in_dim3A : vector<1000x16xi1>, vector<1000x16xf32>
    %reduce_max3A = arith.constant dense<0xFF800000> : vector<1000xf32>
    %reduce_max3A_35 = vector.multi_reduction <maximumf>, %select_n3A, %reduce_max3A [1] : vector<1000x16xf32> to vector<1000xf32>
    %broadcast_in_dim3A_36 = vector.shape_cast %reduce_max3A_35 : vector<1000xf32> to vector<1000x1xf32>
    %sub3A = vector.broadcast %broadcast_in_dim3A_36 : vector<1000x1xf32> to vector<1000x16xf32>
    %sub3A_37 = arith.subf %select_n3A, %sub3A : vector<1000x16xf32>
    %exp3A = math.exp %sub3A_37 : vector<1000x16xf32>
    %reduce_sum3A = arith.constant dense<0.000000e+00> : vector<1000xf32>
    %reduce_sum3A_38 = vector.multi_reduction <add>, %exp3A, %reduce_sum3A [1] : vector<1000x16xf32> to vector<1000xf32>
    %broadcast_in_dim3A_39 = vector.shape_cast %reduce_sum3A_38 : vector<1000xf32> to vector<1000x1xf32>
    %sub3A_40 = vector.broadcast %broadcast_in_dim3A_36 : vector<1000x1xf32> to vector<1000x16xf32>
    %sub3A_41 = arith.subf %select_n3A, %sub3A_40 : vector<1000x16xf32>
    %log3A = math.log %broadcast_in_dim3A_39 : vector<1000x1xf32>
    %sub3A_42 = vector.broadcast %log3A : vector<1000x1xf32> to vector<1000x16xf32>
    %sub3A_43 = arith.subf %sub3A_41, %sub3A_42 : vector<1000x16xf32>
    %swap3A = arith.constant 0 : index
    %swap3A_44 = arith.constant 0 : index
    %swap3A_45 = vector.load %arg5[%swap3A, %swap3A_44] : memref<1000x16xf32, #tpu.memory_space<vmem>>, vector<1000x16xf32>
    tpu.vector_store %arg5[%swap3A, %swap3A_44], %sub3A_43 {strides = array<i32>} : memref<1000x16xf32, #tpu.memory_space<vmem>>, vector<1000x16xf32>,
    return
  }
  func.func @transform_0(%arg0: i32) -> (i32, i32, i32) {
    %c0_i32 = arith.constant 0 : i32
    %c0_i32_0 = arith.constant 0 : i32
    %c0_i32_1 = arith.constant 0 : i32
    return %c0_i32, %arg0, %c0_i32_0 : i32, i32, i32
  }
  func.func @transform_1(%arg0: i32) -> (i32, i32, i32) {
    %c0_i32 = arith.constant 0 : i32
    %c0_i32_0 = arith.constant 0 : i32
    %c0_i32_1 = arith.constant 0 : i32
    return %c0_i32, %arg0, %c0_i32_0 : i32, i32, i32
  }
  func.func @transform_2(%arg0: i32) -> (i32, i32) {
    %c0_i32 = arith.constant 0 : i32
    %c0_i32_0 = arith.constant 0 : i32
    return %arg0, %c0_i32 : i32, i32
  }
  func.func @transform_3(%arg0: i32) -> (i32, i32) {
    %c0_i32 = arith.constant 0 : i32
    %c0_i32_0 = arith.constant 0 : i32
    %c0_i32_1 = arith.constant 0 : i32
    return %c0_i32, %c0_i32_0 : i32, i32
  }
  func.func @transform_4(%arg0: i32) -> (i32, i32) {
    %c0_i32 = arith.constant 0 : i32
    %c0_i32_0 = arith.constant 0 : i32
    return %arg0, %c0_i32 : i32, i32
  }
}

</mosaic_0001>

<sc_bundles>
// kernel: gcn_deg.3.cloned.1.call-start
scs
__scs_entry_jumppad:
0x0: {  	(pc) =	sbr.rel $0x88, $3  }
0x1: {  	(tag) =	ssettag $0x0;
	lr =	simm.s32 $0x1  }
0x2: {  	[smem:$0x3F9B] =	sst lr;
	_ =	strace $0xD0000000  }
0x3: {  	_ = 	snop  }
0x4: {  	_ = 	snop  }
0x5: {  	_ = 	snop  }
0x6: {  	_ = 	snop  }
0x7: {  	_ = 	snop  }
__scs_overlays_trampoline_lowered:
0x8: {  	[smem:$0x3FAA] =	sst s0  }
0x9: {  	[smem:$0x3FAB] =	sst s1  }
0xa: {  	[smem:$0x3FAC] =	sst s2  }
0xb: {  	[smem:$0x3FAD] =	sst s3  }
0xc: {  	[smem:$0x3FAE] =	sst s4  }
0xd: {  	[smem:$0x3FAF] =	sst s5  }
0xe: {  	[smem:$0x3FB0] =	sst s6  }
0xf: {  	[smem:$0x3FB1] =	sst s7  }
0x10: {  	[smem:$0x3FB2] =	sst s8  }
0x11: {  	[smem:$0x3FB3] =	sst s9;
	s0 =	simm.s32 @!p0 $0x0  }
0x12: {  	s1 =	sld [smem:$0x3F99];
	s0 =	simm.s32 @p0 $0x1  }
0x13: {  	[smem:$0x3FB4] =	sst s0;
	s0 =	simm.s32 @!p1 $0x0  }
0x14: {  	s2 =	sld [smem:$0x3F98];
	s0 =	simm.s32 @p1 $0x1  }
0x15: {  	[smem:$0x3FB5] =	sst s0;
	s0 =	simm.s32 @!p2 $0x0  }
0x16: {  	s3 =	sld [smem:$0x3FDB];
	s0 =	simm.s32 @p2 $0x1  }
0x17: {  	s4 =	simm.s32 $0x1BF5;
	[smem:$0x3FB7] =	sst s0  }
0x18: {  	s0 =	sld [smem:$0x3F9A];
	_ =	swait.ge [sflag:s4], $0x0  }
0x19: {  	s7 =	sld [smem:$0x3F9B]  }
0x1a: {  	s8 =	sadd.s32 $0xFFFFE003, lr  }
0x1b: {  	s9 =	sadd.s32 $0xFFFFFEF7, lr;
	s5 =	simm.s32 $0xFFFFFFFF;
	p2 =	slt.u32 s8, $0xFFFFF086  }
0x1c: {  	p1 =	slt.u32 s9, $0xF7A;
	s5 =	simm.s32 @!p2 $0x0  }
0x1d: {  	s5 =	simm.s32 @p1 $0x1;
	p0 =	seq.s32 s7, s2  }
0x1e: {  	s7 =	smul.u32 @!p0 $0xF7A, s2;
	p2 =	seq.s32 @!p0 s5, $0x0  }
0x1f: {  	s9 =	smul.u32 $0xF7A, s1;
	s8 =	simm.s32 @!p0 $0x1BF5;
	p2 =	por !p2, p0  }
0x20: {  	[sflag:s8] =	ssyncset.s32 @!p0 $0xFFFFF086;
	s6 =	sadd.s32 @!p0 s3, s7;
	s7 =	simm.s32 @!p0 $0x108  }
0x21: {  	s3 =	sadd.s32 s3, s9;
	s6 =	sadd.s32 @!p0 $0x88, s6;
	s7 =	simm.s32 @p2 $0x1082  }
0x22: {  	[simem:s7], [sflag:s8] =	dma.local @!p0 [hbm:s6], $0xF7A  }
0x23: {  	s9 =	sor.u32 $0xD0000000, s2;
	s6 =	simm.s32 $0x108;
	_ =	swait.ge @!p0 [sflag:s8], $0x0  }
0x24: {  	s3 =	sadd.s32 $0x88, s3;
	s6 =	simm.s32 @!p1 $0x1082;
	[sflag:s4] =	ssyncset.s32 $0xFFFFF086  }
0x25: {  	[simem:s6], [sflag:s4] =	dma.local [hbm:s3], $0xF7A  }
0x26: {  	[smem:$0x3F9B] =	sst s1;
	(tag) =	ssettag s2;
	_ =	strace s9  }
0x27: {  	s1 =	sld [smem:$0x3FAB]  }
0x28: {  	s2 =	sld [smem:$0x3FAC]  }
0x29: {  	s4 =	sld [smem:$0x3FAE]  }
0x2a: {  	p0 =	seq.s32 s5, $0x0;
	s5 =	sld [smem:$0x3FAF]  }
0x2b: {  	s6 =	sld [smem:$0x3FB0]  }
0x2c: {  	s7 =	sld [smem:$0x3FB1]  }
0x2d: {  	s3 =	simm.s32 $0x108;
	s8 =	sld [smem:$0x3FB2]  }
0x2e: {  	s3 =	simm.s32 @!p0 $0x1082;
	s9 =	sld [smem:$0x3FB3]  }
0x2f: {  	lr =	sadd.s32 s0, s3;
	s0 =	sld [smem:$0x3FAA]  }
0x30: {  	s3 =	sld [smem:$0x3FAD]  }
0x31: {  	[smem:$0x3FB6] =	sst s10  }
0x32: {  	s10 =	sld [smem:$0x3FB4];
	_ =	sdelay $0x3  }
0x33: {  	p0 =	seq.s32 s10, $0x1;
	s10 =	sld [smem:$0x3FB6];
	_ =	sdelay $0x3  }
0x34: {  	[smem:$0x3FB6] =	sst s10  }
0x35: {  	s10 =	sld [smem:$0x3FB5];
	_ =	sdelay $0x3  }
0x36: {  	p1 =	seq.s32 s10, $0x1;
	s10 =	sld [smem:$0x3FB6];
	_ =	sdelay $0x3  }
0x37: {  	[smem:$0x3FB6] =	sst s10  }
0x38: {  	s10 =	sld [smem:$0x3FB7]  }
0x39: {  	_ = 	snop;
	(pc) =	sbr.ind lr, $3  }
0x3a: {  	_ = 	snop  }
0x3b: {  	_ = 	snop  }
0x3c: {  	p2 =	seq.s32 s10, $0x1;
	s10 =	sld [smem:$0x3FB6]  }
0x3d: {  	_ =	shalt  }
0x3e: {  	_ =	shalt  }
0x3f: {  	_ =	shalt  }
0x40: {  	_ =	shalt  }
0x41: {  	_ =	shalt  }
0x42: {  	_ =	shalt  }
0x43: {  	_ =	shalt  }
0x44: {  	_ =	shalt  }
0x45: {  	_ =	shalt  }
0x46: {  	_ =	shalt  }
0x47: {  	_ =	shalt  }
0x48: {  	_ =	shalt  }
0x49: {  	_ =	shalt  }
0x4a: {  	_ =	shalt  }
0x4b: {  	_ =	shalt  }
0x4c: {  	_ =	shalt  }
0x4d: {  	_ =	shalt  }
0x4e: {  	_ =	shalt  }
0x4f: {  	_ =	shalt  }
0x50: {  	_ =	shalt  }
0x51: {  	_ =	shalt  }
0x52: {  	_ =	shalt  }
0x53: {  	_ =	shalt  }
0x54: {  	_ =	shalt  }
0x55: {  	_ =	shalt  }
0x56: {  	_ =	shalt  }
0x57: {  	_ =	shalt  }
0x58: {  	_ =	shalt  }
0x59: {  	_ =	shalt  }
0x5a: {  	_ =	shalt  }
0x5b: {  	_ =	shalt  }
0x5c: {  	_ =	shalt  }
0x5d: {  	_ =	shalt  }
0x5e: {  	_ =	shalt  }
0x5f: {  	_ =	shalt  }
0x60: {  	_ =	shalt  }
0x61: {  	_ =	shalt  }
0x62: {  	_ =	shalt  }
0x63: {  	_ =	shalt  }
0x64: {  	_ =	shalt  }
0x65: {  	_ =	shalt  }
0x66: {  	_ =	shalt  }
0x67: {  	_ =	shalt  }
0x68: {  	_ =	shalt  }
0x69: {  	_ =	shalt  }
0x6a: {  	_ =	shalt  }
0x6b: {  	_ =	shalt  }
0x6c: {  	_ =	shalt  }
0x6d: {  	_ =	shalt  }
0x6e: {  	_ =	shalt  }
0x6f: {  	_ =	shalt  }
0x70: {  	_ =	shalt  }
0x71: {  	_ =	shalt  }
0x72: {  	_ =	shalt  }
0x73: {  	_ =	shalt  }
0x74: {  	_ =	shalt  }
0x75: {  	_ =	shalt  }
0x76: {  	_ =	shalt  }
0x77: {  	_ =	shalt  }
0x78: {  	_ =	shalt  }
0x79: {  	_ =	shalt  }
0x7a: {  	_ =	shalt  }
0x7b: {  	_ =	shalt  }
0x7c: {  	_ =	shalt  }
0x7d: {  	_ =	shalt  }
0x7e: {  	_ =	shalt  }
0x7f: {  	_ =	shalt  }
0x80: {  	_ =	shalt  }
0x81: {  	_ =	shalt  }
0x82: {  	_ =	shalt  }
0x83: {  	_ =	shalt  }
0x84: {  	_ =	shalt  }
0x85: {  	_ =	shalt  }
0x86: {  	_ =	shalt  }
0x87: {  	_ =	shalt  }
.Lfunc_end0:
.L_simem_size_0:
called_computation_lowered:
.L_overlay_start_0:
0x88: {  	s2 =	sld [smem:$0x3FD9]  }
0x89: {  	s3 =	sld [smem:$0x3FFE];
	_ =	sdelay $0x1  }
0x8a: {  	s1 =	srdreg.scid  }
0x8b: {  	s0 =	sand.u32 $0x1, s1  }
0x8c: {  	s17 =	sshll.u32 s0, $0xA;
	s2 =	sadd.s32 s3, s2  }
0x8d: {  	s2 =	sadd.s32 s2, s17  }
0x8e: {  	[smem:$0x3FC2] =	sst s2  }
0x8f: {  	_ = 	snop  }
0x90: {  	s2 =	sld [smem:$0x3FD0];
	(tm) =	ssettm $0x1  }
0x91: {  	s18 =	sld [smem:$0x3FFB];
	_ =	sdelay $0x3  }
0x92: {  	_ =	strace s18  }
0x93: {  	s3 =	sld [smem:$0x3FFC];
	_ =	sdelay $0x3  }
0x94: {  	_ =	strace s3  }
0x95: {  	s3 =	sld [smem:$0x3FFD];
	_ =	sdelay $0x3  }
0x96: {  	_ =	strace s3  }
0x97: {  	_ =	strace $0x8FFFFFFF  }
0x98: {  	s19 =	sld [smem:$0x3FDB];
	_ =	sdelay $0x1  }
0x99: {  	s4 =	simm.s32 $_scs_section_size  }
0x9a: {  	s5 =	simm.s32 $_size__tile_overlayer_lowered;
	s6 =	simm.s32 $_tile_overlayer_lowered  }
0x9b: {  	s22 =	simm.s32 $0x1BFF;
	s21 =	sshll.u32 s6, $0x1;
	s3 =	sadd.s32 s4, s19  }
0x9c: {  	s7 =	simm.s32 $0x0;
	s20 =	sshll.u32 s5, $0x1;
	s5 =	sadd.s32 s21, s3  }
0x9d: {  	[timem:s7], [sflag:s22] =	dma.local [hbm:s5], s20  }
0x9e: {  	_ =	swait.ge [sflag:s22], s20  }
0x9f: {  	s4 =	ssub.s32 $0x0, s20;
	[sflag:s22] =	ssyncset.done $0x0  }
0xa0: {  	[sflag:s22] =	ssyncadd.s32 s4;
	_ =	sdelay $0x1  }
0xa1: {  	s23 =	simm.s32 $0x1B8B  }
0xa2: {  	_ =	swait.ge [sflag:s23], $0x1  }
0xa3: {  	[sflag:s23] =	ssyncset.done $0x0  }
0xa4: {  	s25 =	simm.s32 $0x1B8E;
	s24 =	sld [smem:$0x3FFE];
	[sflag:s23] =	ssyncadd.s32 $0xFFFFFFFF  }
0xa5: {  	s26 =	simm.s32 $execute0_lowered;
	[smem:$0x3FD2] =	sst s25  }
0xa6: {  	s5 =	sshll.u32 s26, $0x1;
	_ =	strace $0x80000046;
	[dreg:$0x1] =	wrdreg $0xFFFFFFFF  }
0xa7: {  	s28 =	simm.s32 $_size_execute0_lowered;
	s3 =	sadd.s32 s3, s5;
	[dreg:$0x0] =	wrdreg $0x0  }
0xa8: {  	s5 =	sshll.u32 s28, $0x1;
	[dreg:$0x2] =	wrdreg s3  }
0xa9: {  	[dreg:$0x3] =	wrdreg s5  }
0xaa: {  	[dreg:$0x4] =	wrdreg $0xC0  }
0xab: {  	_ =	task [dreg:s7], $0x5FFFF  }
0xac: {  	[dreg:$0x1] =	wrdreg $0xFFFFFFFF  }
0xad: {  	[dreg:$0x0] =	wrdreg $0x60  }
0xae: {  	[dreg:$0x2] =	wrdreg s24  }
0xaf: {  	[dreg:$0x3] =	wrdreg s2  }
0xb0: {  	[dreg:$0x4] =	wrdreg $0x30000  }
0xb1: {  	[dreg:$0x5] =	wrdreg $0x9  }
0xb2: {  	_ =	task.clear_ibuf [dreg:s7], $0x6FFFF;
	_ =	strace $0x90000046  }
0xb3: {  	s29 =	simm.s32 $0x9;
	_ =	strace $0x80000048  }
0xb4: {  	_ =	swait.ge [sflag:s29], $0x1  }
0xb5: {  	[sflag:s29] =	ssyncadd.s32 $0xFFFFFFFF  }
0xb6: {  	_ =	strace $0x90000048  }
0xb7: {  	_ =	sfence  }
0xb8: {  	s30 =	sld [smem:$0x0];
	_ =	sdelay $0x2  }
0xb9: {  	s31 =	sshll.u32 s1, $0xD;
	s1 =	sshrl.u32 s1, $0x2  }
0xba: {  	s3 =	sand.u32 $0x4000, s31;
	s1 =	sadd.s32 s1, s30  }
0xbb: {  	s0 =	sor.u32 s3, s0;
	s1 =	sshll.u32 s1, $0x11  }
0xbc: {  	s0 =	sor.u32 s1, s0  }
0xbd: {  	s0 =	sadd.s32 $0x8F2B, s0  }
0xbe: {  	[sflag:s0] =	ssyncadd.remote.s32 $0x1  }
0xbf: {  	_ =	sfence.sel $0xFFFF  }
0xc0: {  	[dreg:$0x0] =	wrdreg $0xFFFFFFFF;
	(pc) =	sbr.abs _section_cstart, $3  }
0xc1: {  	[dreg:$0x1] =	wrdreg $0xFFFFFFFF  }
0xc2: {  	_ =	task.clear_ibuf [dreg:s7], $0x2FFFF;
	_ =	strace $0x9FFFFFFF  }
0xc3: {  	(tm) =	ssettm $0x7FFFFFFF  }
tec
execute0_lowered:
.L_overlay_start_1:
0x0: {  	(tag) =	ssettag $0x1  }
0x1: {  	s6 =	rddreg [dreg:$0x0]  }
0x2: {  	s2 =	rddreg [dreg:$0x1]  }
0x3: {  	s0 =	srdreg.scid;
	s3 =	rddreg [dreg:$0x2]  }
0x4: {  	s4 =	simm.s32 $0x0;
	s13 =	simm.s32 $0x80;
	s14 =	simm.s32 $0x1  }
0x5: {  	s15 =	simm.s32 $0x0;
	s5 =	sand.u32 $0x1, s0;
	s0 =	stileid.u32  }
0x6: {  	[smem:$0x7FF] =	sst s4;
	s1 =	sshll.u32 s5, $0x4;
	s8 =	smul.u32 $0x2800, s0  }
0x7: {  	s9 =	smul.u32 $0x28000, s5;
	s5 =	ssub.s32 $0x2, s5;
	s1 =	sor.u32 s0, s1  }
0x8: {  	s31 =	sshll.u32 s0, $0x6;
	s11 =	sshrl.u32 s5, $0x1;
	s7 =	smul.u32 $0x500, s1  }
0x9: {  	s1 =	rddreg [dreg:$0x3];
	_ =	strace $0x80000047;
	s10 =	sshrl.u32 s8, $0x3  }
0xa: {  	s9 =	sadd.s32 s8, s9;
	s11 =	ssub.s32 s5, s11;
	s12 =	sadd.s32 s8, s3  }
0xb: {  	s10 =	sadd.s32 s10, s6;
	s9 =	sshrl.u32 s9, $0x3;
	s8 =	smax.u32 s11, $0x1  }
0xc: {  	s11 =	sor.u32 $0x1C02, s31;
	s12 =	sshrl.u32 s12, $0x3;
	s7 =	sadd.s32 s7, s6  }
0xd: {  	s9 =	sadd.s32 s9, s6;
	s6 =	sadd.s32 $0xB600, s10;
	s10 =	simm.s32 $0x2800  }
0xe: {  	s5 =	sadd.s32 $0x1600, s7;
	s7 =	sadd.s32 $0x10600, s9;
	s9 =	simm.s32 $0x2  }
.LBB2_1:
0xf: {  	[tilespmem:s4], [sflag:$0x2] =	stream.linear.gather [hbm4b:s5+s4], $0x2800, $0x38;
	[tilespmem:$0x5800] =	vst v63  }
0x10: {  	_ =	swait.ge [sflag:s9], $0x2800  }
0x11: {  	[sflag:s9] =	ssyncset.done $0x0  }
0x12: {  	[sflag:s9] =	ssyncadd.s32 $0xFFFFD800  }
0x13: {  	[tilespmem:s10], [sflag:$0x2] =	stream.linear.gather [hbm4b:s2+s4], $0x800, $0x38;
	[tilespmem:$0x5800] =	vst v63  }
0x14: {  	_ =	swait.ge [sflag:s9], $0x800  }
0x15: {  	[sflag:s9] =	ssyncset.done $0x0  }
0x16: {  	[sflag:s9] =	ssyncadd.s32 $0xFFFFF800  }
0x17: {  	[spmem:s12], [sflag:s11] =	dma.local [hbm:s6], $0x500  }
0x18: {  	_ =	swait.ge [sflag:s9], $0x500  }
0x19: {  	[sflag:s9] =	ssyncset.done $0x0  }
0x1a: {  	[sflag:s9] =	ssyncadd.s32 $0xFFFFFB00  }
0x1b: {  	s16 =	simm.s32 $0x0;
	[bflag:$0x0] =	sbarrier.arrive $0xFFFF  }
0x1c: {  	[spmem:s3] =	stream.indirect.scatter.add.f32 [tilespmem:s10], [sflag:$0x1], $0x10, s16, s13, $0xb8;
	[tilespmem:$0x5800] =	vst v63  }
0x1d: {  	s24 =	simm.s32 $0x80  }
0x1e: {  	[spmem:s3] =	stream.indirect.scatter.add.f32 [tilespmem:s10], [sflag:$0x1], $0x10, s24, s13, $0xb8;
	[tilespmem:$0x5800] =	vst v63  }
0x1f: {  	s25 =	simm.s32 $0x100  }
0x20: {  	[spmem:s3] =	stream.indirect.scatter.add.f32 [tilespmem:s10], [sflag:$0x1], $0x10, s25, s13, $0xb8;
	[tilespmem:$0x5800] =	vst v63  }
0x21: {  	s26 =	simm.s32 $0x180  }
0x22: {  	[spmem:s3] =	stream.indirect.scatter.add.f32 [tilespmem:s10], [sflag:$0x1], $0x10, s26, s13, $0xb8;
	[tilespmem:$0x5800] =	vst v63  }
0x23: {  	s28 =	simm.s32 $0x200  }
0x24: {  	[spmem:s3] =	stream.indirect.scatter.add.f32 [tilespmem:s10], [sflag:$0x1], $0x10, s28, s13, $0xb8;
	[tilespmem:$0x5800] =	vst v63  }
0x25: {  	s29 =	simm.s32 $0x280  }
0x26: {  	[spmem:s3] =	stream.indirect.scatter.add.f32 [tilespmem:s10], [sflag:$0x1], $0x10, s29, s13, $0xb8;
	[tilespmem:$0x5800] =	vst v63  }
0x27: {  	s30 =	simm.s32 $0x300  }
0x28: {  	[spmem:s3] =	stream.indirect.scatter.add.f32 [tilespmem:s10], [sflag:$0x1], $0x10, s30, s13, $0xb8;
	[tilespmem:$0x5800] =	vst v63  }
0x29: {  	s31 =	simm.s32 $0x380  }
0x2a: {  	[spmem:s3] =	stream.indirect.scatter.add.f32 [tilespmem:s10], [sflag:$0x1], $0x10, s31, s13, $0xb8;
	[tilespmem:$0x5800] =	vst v63  }
0x2b: {  	_ =	swait.ge [sflag:s14], $0x800  }
0x2c: {  	[sflag:s14] =	ssyncset.done $0x0  }
0x2d: {  	[sflag:s14] =	ssyncadd.s32 $0xFFFFF800  }
0x2e: {  	_ =	swait.ge [sflag:s14], $0x800  }
0x2f: {  	[sflag:s14] =	ssyncset.done $0x0  }
0x30: {  	[sflag:s14] =	ssyncadd.s32 $0xFFFFF800  }
0x31: {  	_ =	swait.ge [sflag:s14], $0x800  }
0x32: {  	[sflag:s14] =	ssyncset.done $0x0  }
0x33: {  	[sflag:s14] =	ssyncadd.s32 $0xFFFFF800  }
0x34: {  	_ =	swait.ge [sflag:s14], $0x800  }
0x35: {  	[sflag:s14] =	ssyncset.done $0x0  }
0x36: {  	[sflag:s14] =	ssyncadd.s32 $0xFFFFF800  }
0x37: {  	_ =	swait.ge [sflag:s14], $0x800  }
0x38: {  	[sflag:s14] =	ssyncset.done $0x0  }
0x39: {  	[sflag:s14] =	ssyncadd.s32 $0xFFFFF800  }
0x3a: {  	_ =	swait.ge [sflag:s14], $0x800  }
0x3b: {  	[sflag:s14] =	ssyncset.done $0x0  }
0x3c: {  	[sflag:s14] =	ssyncadd.s32 $0xFFFFF800  }
0x3d: {  	_ =	swait.ge [sflag:s14], $0x800  }
0x3e: {  	[sflag:s14] =	ssyncset.done $0x0  }
0x3f: {  	[sflag:s14] =	ssyncadd.s32 $0xFFFFF800  }
0x40: {  	_ =	swait.ge [sflag:s14], $0x800  }
0x41: {  	s18 =	simm.s32 $0x2000;
	s16 =	simm.s32 $0x1000;
	[sflag:s14] =	ssyncset.done $0x0  }
.LBB2_2:
0x42: {  	s19 =	sshra.s32 s16, $0x2  }
0x43: {  	[sflag:s14] =	ssyncadd.s32 $0xFFFFF800;
	s16 =	smov.u32 s18;
	s17 =	sadd.s32 $0x1000, s18  }
0x44: {  	[spmem:s3] =	stream.indirect.scatter.add.f32 [tilespmem:s10], [sflag:$0x1], $0x10, s19, s13, $0xb8;
	[tilespmem:$0x5800] =	vst v63  }
0x45: {  	p0 =	sne.s32 s18, $0x9000;
	s18 =	sadd.s32 $0x80, s19  }
0x46: {  	[spmem:s3] =	stream.indirect.scatter.add.f32 [tilespmem:s10], [sflag:$0x1], $0x10, s18, s13, $0xb8;
	[tilespmem:$0x5800] =	vst v63  }
0x47: {  	s18 =	sadd.s32 $0x100, s19  }
0x48: {  	[spmem:s3] =	stream.indirect.scatter.add.f32 [tilespmem:s10], [sflag:$0x1], $0x10, s18, s13, $0xb8;
	[tilespmem:$0x5800] =	vst v63  }
0x49: {  	s18 =	sadd.s32 $0x180, s19  }
0x4a: {  	[spmem:s3] =	stream.indirect.scatter.add.f32 [tilespmem:s10], [sflag:$0x1], $0x10, s18, s13, $0xb8;
	[tilespmem:$0x5800] =	vst v63  }
0x4b: {  	s18 =	sadd.s32 $0x200, s19  }
0x4c: {  	[spmem:s3] =	stream.indirect.scatter.add.f32 [tilespmem:s10], [sflag:$0x1], $0x10, s18, s13, $0xb8;
	[tilespmem:$0x5800] =	vst v63  }
0x4d: {  	s18 =	sadd.s32 $0x280, s19  }
0x4e: {  	[spmem:s3] =	stream.indirect.scatter.add.f32 [tilespmem:s10], [sflag:$0x1], $0x10, s18, s13, $0xb8;
	[tilespmem:$0x5800] =	vst v63  }
0x4f: {  	s18 =	sadd.s32 $0x300, s19  }
0x50: {  	[spmem:s3] =	stream.indirect.scatter.add.f32 [tilespmem:s10], [sflag:$0x1], $0x10, s18, s13, $0xb8;
	[tilespmem:$0x5800] =	vst v63  }
0x51: {  	s18 =	sadd.s32 $0x380, s19  }
0x52: {  	[spmem:s3] =	stream.indirect.scatter.add.f32 [tilespmem:s10], [sflag:$0x1], $0x10, s18, s13, $0xb8;
	[tilespmem:$0x5800] =	vst v63  }
0x53: {  	_ =	swait.ge [sflag:s14], $0x800  }
0x54: {  	[sflag:s14] =	ssyncset.done $0x0  }
0x55: {  	[sflag:s14] =	ssyncadd.s32 $0xFFFFF800  }
0x56: {  	_ =	swait.ge [sflag:s14], $0x800  }
0x57: {  	[sflag:s14] =	ssyncset.done $0x0  }
0x58: {  	[sflag:s14] =	ssyncadd.s32 $0xFFFFF800  }
0x59: {  	_ =	swait.ge [sflag:s14], $0x800  }
0x5a: {  	[sflag:s14] =	ssyncset.done $0x0  }
0x5b: {  	[sflag:s14] =	ssyncadd.s32 $0xFFFFF800  }
0x5c: {  	_ =	swait.ge [sflag:s14], $0x800  }
0x5d: {  	[sflag:s14] =	ssyncset.done $0x0  }
0x5e: {  	[sflag:s14] =	ssyncadd.s32 $0xFFFFF800  }
0x5f: {  	_ =	swait.ge [sflag:s14], $0x800  }
0x60: {  	[sflag:s14] =	ssyncset.done $0x0  }
0x61: {  	[sflag:s14] =	ssyncadd.s32 $0xFFFFF800  }
0x62: {  	_ =	swait.ge [sflag:s14], $0x800  }
0x63: {  	[sflag:s14] =	ssyncset.done $0x0  }
0x64: {  	[sflag:s14] =	ssyncadd.s32 $0xFFFFF800  }
.Ltmp0:
0x65: {  	_ =	swait.ge [sflag:s14], $0x800;
	(pc) =	sbr.rel @p0 .LBB2_2-.Ltmp0, $4  }
0x66: {  	[sflag:s14] =	ssyncset.done $0x0  }
0x67: {  	[sflag:s14] =	ssyncadd.s32 $0xFFFFF800  }
0x68: {  	_ =	swait.ge [sflag:s14], $0x800  }
0x69: {  	s18 =	smov.u32 s17;
	[sflag:s14] =	ssyncset.done $0x0  }
0x6a: {  	s16 =	sshra.s32 s16, $0x2;
	[sflag:s14] =	ssyncadd.s32 $0xFFFFF800  }
0x6b: {  	[spmem:s3] =	stream.indirect.scatter.add.f32 [tilespmem:s10], [sflag:$0x1], $0x10, s16, s13, $0xb8;
	[tilespmem:$0x5800] =	vst v63  }
0x6c: {  	s17 =	sadd.s32 $0x80, s16  }
0x6d: {  	[spmem:s3] =	stream.indirect.scatter.add.f32 [tilespmem:s10], [sflag:$0x1], $0x10, s17, s13, $0xb8;
	[tilespmem:$0x5800] =	vst v63  }
0x6e: {  	s26 =	sadd.s32 $0x100, s16  }
0x6f: {  	[spmem:s3] =	stream.indirect.scatter.add.f32 [tilespmem:s10], [sflag:$0x1], $0x10, s26, s13, $0xb8;
	[tilespmem:$0x5800] =	vst v63  }
0x70: {  	s28 =	sadd.s32 $0x180, s16  }
0x71: {  	[spmem:s3] =	stream.indirect.scatter.add.f32 [tilespmem:s10], [sflag:$0x1], $0x10, s28, s13, $0xb8;
	[tilespmem:$0x5800] =	vst v63  }
0x72: {  	s29 =	sadd.s32 $0x200, s16  }
0x73: {  	[spmem:s3] =	stream.indirect.scatter.add.f32 [tilespmem:s10], [sflag:$0x1], $0x10, s29, s13, $0xb8;
	[tilespmem:$0x5800] =	vst v63  }
0x74: {  	s30 =	sadd.s32 $0x280, s16  }
0x75: {  	[spmem:s3] =	stream.indirect.scatter.add.f32 [tilespmem:s10], [sflag:$0x1], $0x10, s30, s13, $0xb8;
	[tilespmem:$0x5800] =	vst v63  }
0x76: {  	s31 =	sadd.s32 $0x300, s16  }
0x77: {  	[spmem:s3] =	stream.indirect.scatter.add.f32 [tilespmem:s10], [sflag:$0x1], $0x10, s31, s13, $0xb8;
	[tilespmem:$0x5800] =	vst v63  }
0x78: {  	s16 =	sadd.s32 $0x380, s16  }
0x79: {  	[spmem:s3] =	stream.indirect.scatter.add.f32 [tilespmem:s10], [sflag:$0x1], $0x10, s16, s13, $0xb8;
	[tilespmem:$0x5800] =	vst v63  }
0x7a: {  	_ =	swait.ge [sflag:s14], $0x800  }
0x7b: {  	[sflag:s14] =	ssyncset.done $0x0  }
0x7c: {  	[sflag:s14] =	ssyncadd.s32 $0xFFFFF800  }
0x7d: {  	_ =	swait.ge [sflag:s14], $0x800  }
0x7e: {  	[sflag:s14] =	ssyncset.done $0x0  }
0x7f: {  	[sflag:s14] =	ssyncadd.s32 $0xFFFFF800  }
0x80: {  	_ =	swait.ge [sflag:s14], $0x800  }
0x81: {  	[sflag:s14] =	ssyncset.done $0x0  }
0x82: {  	[sflag:s14] =	ssyncadd.s32 $0xFFFFF800  }
0x83: {  	_ =	swait.ge [sflag:s14], $0x800  }
0x84: {  	[sflag:s14] =	ssyncset.done $0x0  }
0x85: {  	[sflag:s14] =	ssyncadd.s32 $0xFFFFF800  }
0x86: {  	_ =	swait.ge [sflag:s14], $0x800  }
0x87: {  	[sflag:s14] =	ssyncset.done $0x0  }
0x88: {  	[sflag:s14] =	ssyncadd.s32 $0xFFFFF800  }
0x89: {  	_ =	swait.ge [sflag:s14], $0x800  }
0x8a: {  	[sflag:s14] =	ssyncset.done $0x0  }
0x8b: {  	[sflag:s14] =	ssyncadd.s32 $0xFFFFF800  }
0x8c: {  	_ =	swait.ge [sflag:s14], $0x800  }
0x8d: {  	[sflag:s14] =	ssyncset.done $0x0  }
0x8e: {  	[sflag:s14] =	ssyncadd.s32 $0xFFFFF800  }
0x8f: {  	_ =	swait.ge [sflag:s14], $0x800  }
0x90: {  	s15 =	sadd.s32 $0x1, s15;
	[sflag:s14] =	ssyncset.done $0x0  }
0x91: {  	p0 =	sne.s32 s15, s8;
	[sflag:s14] =	ssyncadd.s32 $0xFFFFF800  }
.Ltmp1:
0x92: {  	[bflag:$0x0] =	sbarrier.arrive $0xFFFF;
	(pc) =	sbr.rel @p0 .LBB2_1-.Ltmp1, $4  }
0x93: {  	[hbm:s7], [sflag:s11] =	dma.local [spmem:s12], $0x500  }
0x94: {  	_ =	swait.ge [sflag:s9], $0x500  }
0x95: {  	[sflag:s9] =	ssyncset.done $0x0  }
0x96: {  	[sflag:s9] =	ssyncadd.s32 $0xFFFFFB00  }
0x97: {  	_ =	sfence.sel $0x180000  }
0x98: {  	[bflag:$0x0] =	sbarrier.arrive $0xFFFF  }
0x99: {  	p0 =	sne.s32 s0, $0x0;
	_ =	strace $0x90000047  }
0x9a: {  	s0 =	sadd.s32 @!p0 $0x100000, s1;
	[bflag:$0x2] =	sbarrier.arrive $0xFFFF  }
0x9b: {  	[sflag:s0] =	ssyncadd.tile.s32 @!p0 $0x1;
	_ =	shalt  }
.Lfunc_end2:
_tile_overlayer_lowered:
.L_overlay_start_2:
0x9c: {  	(tag) =	ssettag $0x2  }
0x9d: {  	s0 =	rddreg [dreg:$0x0];
	s2 =	stileid.u32  }
0x9e: {  	s1 =	rddreg [dreg:$0x1];
	p0 =	sne.s32 s2, $0x0  }
0x9f: {  	s3 =	rddreg [dreg:$0x2];
	[bflag:$0x3] =	sbarrier.arrive $0xFFFF;
	s2 =	simm.s32 @!p0 $0x1C02  }
0xa0: {  	[timem:s3], [sflag:s2] =	dma.local @!p0 [hbm:s0], s1  }
0xa1: {  	s0 =	simm.s32 @!p0 $0x2  }
0xa2: {  	_ =	swait.ge @!p0 [sflag:s0], s1  }
0xa3: {  	s1 =	ssub.s32 @!p0 $0x0, s1;
	[sflag:s0] =	ssyncset.done @!p0 $0x0  }
0xa4: {  	[sflag:s0] =	ssyncadd.s32 @!p0 s1  }
0xa5: {  	[bflag:$0x3] =	sbarrier.arrive $0xFFFF  }
0xa6: {  	_ =	shalt  }

// kernel: gcn_prop128.3.cloned.1.call-start
scs
__scs_entry_jumppad:
0x0: {  	(pc) =	sbr.rel $0x88, $3  }
0x1: {  	(tag) =	ssettag $0x0;
	lr =	simm.s32 $0x1  }
0x2: {  	[smem:$0x3F9B] =	sst lr;
	_ =	strace $0xD0000000  }
0x3: {  	_ = 	snop  }
0x4: {  	_ = 	snop  }
0x5: {  	_ = 	snop  }
0x6: {  	_ = 	snop  }
0x7: {  	_ = 	snop  }
__scs_overlays_trampoline_lowered:
0x8: {  	[smem:$0x3FAA] =	sst s0  }
0x9: {  	[smem:$0x3FAB] =	sst s1  }
0xa: {  	[smem:$0x3FAC] =	sst s2  }
0xb: {  	[smem:$0x3FAD] =	sst s3  }
0xc: {  	[smem:$0x3FAE] =	sst s4  }
0xd: {  	[smem:$0x3FAF] =	sst s5  }
0xe: {  	[smem:$0x3FB0] =	sst s6  }
0xf: {  	[smem:$0x3FB1] =	sst s7  }
0x10: {  	[smem:$0x3FB2] =	sst s8  }
0x11: {  	[smem:$0x3FB3] =	sst s9;
	s0 =	simm.s32 @!p0 $0x0  }
0x12: {  	s1 =	sld [smem:$0x3F99];
	s0 =	simm.s32 @p0 $0x1  }
0x13: {  	[smem:$0x3FB4] =	sst s0;
	s0 =	simm.s32 @!p1 $0x0  }
0x14: {  	s2 =	sld [smem:$0x3F98];
	s0 =	simm.s32 @p1 $0x1  }
0x15: {  	[smem:$0x3FB5] =	sst s0;
	s0 =	simm.s32 @!p2 $0x0  }
0x16: {  	s3 =	sld [smem:$0x3FDB];
	s0 =	simm.s32 @p2 $0x1  }
0x17: {  	s4 =	simm.s32 $0x1BF5;
	[smem:$0x3FB7] =	sst s0  }
0x18: {  	s0 =	sld [smem:$0x3F9A];
	_ =	swait.ge [sflag:s4], $0x0  }
0x19: {  	s7 =	sld [smem:$0x3F9B]  }
0x1a: {  	s8 =	sadd.s32 $0xFFFFE003, lr  }
0x1b: {  	s9 =	sadd.s32 $0xFFFFFEF7, lr;
	s5 =	simm.s32 $0xFFFFFFFF;
	p2 =	slt.u32 s8, $0xFFFFF086  }
0x1c: {  	p1 =	slt.u32 s9, $0xF7A;
	s5 =	simm.s32 @!p2 $0x0  }
0x1d: {  	s5 =	simm.s32 @p1 $0x1;
	p0 =	seq.s32 s7, s2  }
0x1e: {  	s7 =	smul.u32 @!p0 $0xF7A, s2;
	p2 =	seq.s32 @!p0 s5, $0x0  }
0x1f: {  	s9 =	smul.u32 $0xF7A, s1;
	s8 =	simm.s32 @!p0 $0x1BF5;
	p2 =	por !p2, p0  }
0x20: {  	[sflag:s8] =	ssyncset.s32 @!p0 $0xFFFFF086;
	s6 =	sadd.s32 @!p0 s3, s7;
	s7 =	simm.s32 @!p0 $0x108  }
0x21: {  	s3 =	sadd.s32 s3, s9;
	s6 =	sadd.s32 @!p0 $0x88, s6;
	s7 =	simm.s32 @p2 $0x1082  }
0x22: {  	[simem:s7], [sflag:s8] =	dma.local @!p0 [hbm:s6], $0xF7A  }
0x23: {  	s9 =	sor.u32 $0xD0000000, s2;
	s6 =	simm.s32 $0x108;
	_ =	swait.ge @!p0 [sflag:s8], $0x0  }
0x24: {  	s3 =	sadd.s32 $0x88, s3;
	s6 =	simm.s32 @!p1 $0x1082;
	[sflag:s4] =	ssyncset.s32 $0xFFFFF086  }
0x25: {  	[simem:s6], [sflag:s4] =	dma.local [hbm:s3], $0xF7A  }
0x26: {  	[smem:$0x3F9B] =	sst s1;
	(tag) =	ssettag s2;
	_ =	strace s9  }
0x27: {  	s1 =	sld [smem:$0x3FAB]  }
0x28: {  	s2 =	sld [smem:$0x3FAC]  }
0x29: {  	s4 =	sld [smem:$0x3FAE]  }
0x2a: {  	p0 =	seq.s32 s5, $0x0;
	s5 =	sld [smem:$0x3FAF]  }
0x2b: {  	s6 =	sld [smem:$0x3FB0]  }
0x2c: {  	s7 =	sld [smem:$0x3FB1]  }
0x2d: {  	s3 =	simm.s32 $0x108;
	s8 =	sld [smem:$0x3FB2]  }
0x2e: {  	s3 =	simm.s32 @!p0 $0x1082;
	s9 =	sld [smem:$0x3FB3]  }
0x2f: {  	lr =	sadd.s32 s0, s3;
	s0 =	sld [smem:$0x3FAA]  }
0x30: {  	s3 =	sld [smem:$0x3FAD]  }
0x31: {  	[smem:$0x3FB6] =	sst s10  }
0x32: {  	s10 =	sld [smem:$0x3FB4];
	_ =	sdelay $0x3  }
0x33: {  	p0 =	seq.s32 s10, $0x1;
	s10 =	sld [smem:$0x3FB6];
	_ =	sdelay $0x3  }
0x34: {  	[smem:$0x3FB6] =	sst s10  }
0x35: {  	s10 =	sld [smem:$0x3FB5];
	_ =	sdelay $0x3  }
0x36: {  	p1 =	seq.s32 s10, $0x1;
	s10 =	sld [smem:$0x3FB6];
	_ =	sdelay $0x3  }
0x37: {  	[smem:$0x3FB6] =	sst s10  }
0x38: {  	s10 =	sld [smem:$0x3FB7]  }
0x39: {  	_ = 	snop;
	(pc) =	sbr.ind lr, $3  }
0x3a: {  	_ = 	snop  }
0x3b: {  	_ = 	snop  }
0x3c: {  	p2 =	seq.s32 s10, $0x1;
	s10 =	sld [smem:$0x3FB6]  }
0x3d: {  	_ =	shalt  }
0x3e: {  	_ =	shalt  }
0x3f: {  	_ =	shalt  }
0x40: {  	_ =	shalt  }
0x41: {  	_ =	shalt  }
0x42: {  	_ =	shalt  }
0x43: {  	_ =	shalt  }
0x44: {  	_ =	shalt  }
0x45: {  	_ =	shalt  }
0x46: {  	_ =	shalt  }
0x47: {  	_ =	shalt  }
0x48: {  	_ =	shalt  }
0x49: {  	_ =	shalt  }
0x4a: {  	_ =	shalt  }
0x4b: {  	_ =	shalt  }
0x4c: {  	_ =	shalt  }
0x4d: {  	_ =	shalt  }
0x4e: {  	_ =	shalt  }
0x4f: {  	_ =	shalt  }
0x50: {  	_ =	shalt  }
0x51: {  	_ =	shalt  }
0x52: {  	_ =	shalt  }
0x53: {  	_ =	shalt  }
0x54: {  	_ =	shalt  }
0x55: {  	_ =	shalt  }
0x56: {  	_ =	shalt  }
0x57: {  	_ =	shalt  }
0x58: {  	_ =	shalt  }
0x59: {  	_ =	shalt  }
0x5a: {  	_ =	shalt  }
0x5b: {  	_ =	shalt  }
0x5c: {  	_ =	shalt  }
0x5d: {  	_ =	shalt  }
0x5e: {  	_ =	shalt  }
0x5f: {  	_ =	shalt  }
0x60: {  	_ =	shalt  }
0x61: {  	_ =	shalt  }
0x62: {  	_ =	shalt  }
0x63: {  	_ =	shalt  }
0x64: {  	_ =	shalt  }
0x65: {  	_ =	shalt  }
0x66: {  	_ =	shalt  }
0x67: {  	_ =	shalt  }
0x68: {  	_ =	shalt  }
0x69: {  	_ =	shalt  }
0x6a: {  	_ =	shalt  }
0x6b: {  	_ =	shalt  }
0x6c: {  	_ =	shalt  }
0x6d: {  	_ =	shalt  }
0x6e: {  	_ =	shalt  }
0x6f: {  	_ =	shalt  }
0x70: {  	_ =	shalt  }
0x71: {  	_ =	shalt  }
0x72: {  	_ =	shalt  }
0x73: {  	_ =	shalt  }
0x74: {  	_ =	shalt  }
0x75: {  	_ =	shalt  }
0x76: {  	_ =	shalt  }
0x77: {  	_ =	shalt  }
0x78: {  	_ =	shalt  }
0x79: {  	_ =	shalt  }
0x7a: {  	_ =	shalt  }
0x7b: {  	_ =	shalt  }
0x7c: {  	_ =	shalt  }
0x7d: {  	_ =	shalt  }
0x7e: {  	_ =	shalt  }
0x7f: {  	_ =	shalt  }
0x80: {  	_ =	shalt  }
0x81: {  	_ =	shalt  }
0x82: {  	_ =	shalt  }
0x83: {  	_ =	shalt  }
0x84: {  	_ =	shalt  }
0x85: {  	_ =	shalt  }
0x86: {  	_ =	shalt  }
0x87: {  	_ =	shalt  }
.Lfunc_end0:
.L_simem_size_0:
called_computation.1_lowered:
.L_overlay_start_0:
0x88: {  	s2 =	sld [smem:$0x3FD9]  }
0x89: {  	s3 =	sld [smem:$0x3FFE];
	_ =	sdelay $0x1  }
0x8a: {  	s1 =	srdreg.scid  }
0x8b: {  	s0 =	sand.u32 $0x1, s1  }
0x8c: {  	s16 =	sshll.u32 s0, $0xA;
	s2 =	sadd.s32 s3, s2  }
0x8d: {  	s2 =	sadd.s32 s2, s16  }
0x8e: {  	[smem:$0x3FC2] =	sst s2  }
0x8f: {  	_ = 	snop  }
0x90: {  	(tm) =	ssettm $0x1  }
0x91: {  	s17 =	sld [smem:$0x3FFB];
	_ =	sdelay $0x3  }
0x92: {  	_ =	strace s17  }
0x93: {  	s2 =	sld [smem:$0x3FFC];
	_ =	sdelay $0x3  }
0x94: {  	_ =	strace s2  }
0x95: {  	s2 =	sld [smem:$0x3FFD];
	_ =	sdelay $0x3  }
0x96: {  	_ =	strace s2  }
0x97: {  	_ =	strace $0x8FFFFFFF  }
0x98: {  	s18 =	sld [smem:$0x3FDB];
	_ =	sdelay $0x1  }
0x99: {  	s19 =	simm.s32 $_scs_section_size  }
0x9a: {  	s4 =	simm.s32 $_size__tile_overlayer_lowered;
	s5 =	simm.s32 $_tile_overlayer_lowered  }
0x9b: {  	s22 =	simm.s32 $0x1BFF;
	s21 =	sshll.u32 s5, $0x1;
	s2 =	sadd.s32 s19, s18  }
0x9c: {  	s6 =	simm.s32 $0x0;
	s20 =	sshll.u32 s4, $0x1;
	s4 =	sadd.s32 s21, s2  }
0x9d: {  	[timem:s6], [sflag:s22] =	dma.local [hbm:s4], s20  }
0x9e: {  	_ =	swait.ge [sflag:s22], s20  }
0x9f: {  	s3 =	ssub.s32 $0x0, s20;
	[sflag:s22] =	ssyncset.done $0x0  }
0xa0: {  	[sflag:s22] =	ssyncadd.s32 s3;
	_ =	sdelay $0x1  }
0xa1: {  	s23 =	simm.s32 $0x1B8B  }
0xa2: {  	_ =	swait.ge [sflag:s23], $0x1  }
0xa3: {  	[sflag:s23] =	ssyncset.done $0x0  }
0xa4: {  	s25 =	simm.s32 $0x1B8E;
	s24 =	sld [smem:$0x3FFE];
	[sflag:s23] =	ssyncadd.s32 $0xFFFFFFFF  }
0xa5: {  	s26 =	simm.s32 $execute0_lowered;
	[smem:$0x3FD2] =	sst s25  }
0xa6: {  	s4 =	sshll.u32 s26, $0x1;
	_ =	strace $0x80000049;
	[dreg:$0x1] =	wrdreg $0xFFFFFFFF  }
0xa7: {  	s28 =	simm.s32 $_size_execute0_lowered;
	s2 =	sadd.s32 s2, s4;
	[dreg:$0x0] =	wrdreg $0x0  }
0xa8: {  	s4 =	sshll.u32 s28, $0x1;
	[dreg:$0x2] =	wrdreg s2  }
0xa9: {  	[dreg:$0x3] =	wrdreg s4  }
0xaa: {  	[dreg:$0x4] =	wrdreg $0xC0  }
0xab: {  	_ =	task [dreg:s6], $0x5FFFF  }
0xac: {  	[dreg:$0x1] =	wrdreg $0xFFFFFFFF  }
0xad: {  	[dreg:$0x0] =	wrdreg $0x60  }
0xae: {  	[dreg:$0x2] =	wrdreg s24  }
0xaf: {  	[dreg:$0x3] =	wrdreg $0x90000  }
0xb0: {  	[dreg:$0x4] =	wrdreg $0x130000  }
0xb1: {  	[dreg:$0x5] =	wrdreg $0x9  }
0xb2: {  	_ =	task.clear_ibuf [dreg:s6], $0x6FFFF;
	_ =	strace $0x90000049  }
0xb3: {  	s29 =	simm.s32 $0x9;
	_ =	strace $0x8000004B  }
0xb4: {  	_ =	swait.ge [sflag:s29], $0x1  }
0xb5: {  	[sflag:s29] =	ssyncadd.s32 $0xFFFFFFFF  }
0xb6: {  	_ =	strace $0x9000004B  }
0xb7: {  	_ =	sfence  }
0xb8: {  	s30 =	sld [smem:$0x0];
	_ =	sdelay $0x2  }
0xb9: {  	s31 =	sshll.u32 s1, $0xD;
	s1 =	sshrl.u32 s1, $0x2  }
0xba: {  	s3 =	sand.u32 $0x4000, s31;
	s1 =	sadd.s32 s1, s30  }
0xbb: {  	s0 =	sor.u32 s3, s0;
	s1 =	sshll.u32 s1, $0x11  }
0xbc: {  	s0 =	sor.u32 s1, s0  }
0xbd: {  	s0 =	sadd.s32 $0x8F2B, s0  }
0xbe: {  	[sflag:s0] =	ssyncadd.remote.s32 $0x1  }
0xbf: {  	_ =	sfence.sel $0xFFFF  }
0xc0: {  	[dreg:$0x0] =	wrdreg $0xFFFFFFFF;
	(pc) =	sbr.abs _section_cstart, $3  }
0xc1: {  	[dreg:$0x1] =	wrdreg $0xFFFFFFFF  }
0xc2: {  	_ =	task.clear_ibuf [dreg:s6], $0x2FFFF;
	_ =	strace $0x9FFFFFFF  }
0xc3: {  	(tm) =	ssettm $0x7FFFFFFF  }
tec
execute0_lowered:
.L_overlay_start_1:
0x0: {  	(tag) =	ssettag $0x1  }
0x1: {  	s0 =	rddreg [dreg:$0x0]  }
0x2: {  	s2 =	rddreg [dreg:$0x1]  }
0x3: {  	s3 =	rddreg [dreg:$0x2]  }
0x4: {  	s9 =	stileid.u32;
	s1 =	srdreg.scid;
	s4 =	simm.s32 $0x0  }
0x5: {  	s15 =	simm.s32 $0x5;
	s17 =	simm.s32 $0x2800;
	s18 =	simm.s32 $0x80  }
0x6: {  	s19 =	simm.s32 $0x5000;
	s20 =	simm.s32 $0x7000;
	s21 =	simm.s32 $0x1  }
0x7: {  	s22 =	simm.s32 $0x3;
	s23 =	simm.s32 $0x100;
	s28 =	simm.s32 $0x2780  }
0x8: {  	s29 =	simm.s32 $0x4F00;
	s30 =	simm.s32 $0x4F80;
	s31 =	simm.s32 $0x0  }
0x9: {  	s7 =	smul.u32 $0xA000, s9;
	s1 =	sand.u32 $0x1, s1;
	[smem:$0x7FF] =	sst s4  }
0xa: {  	s10 =	sadd.s32 $0x1A600, s0;
	s25 =	sshll.u32 s9, $0x6;
	s9 =	smul.u32 $0x5000, s9  }
0xb: {  	s11 =	sadd.s32 $0x1600, s0;
	s5 =	smul.u32 $0xA0000, s1;
	s1 =	ssub.s32 $0x2, s1  }
0xc: {  	_ =	strace $0x8000004A;
	s6 =	sshrl.u32 s7, $0x3;
	s24 =	sshrl.u32 s1, $0x1  }
0xd: {  	s14 =	sadd.s32 s7, s2;
	s16 =	sadd.s32 s7, s3;
	s12 =	sshrl.u32 s9, $0x3  }
0xe: {  	s5 =	sadd.s32 s7, s5;
	s8 =	sadd.s32 s6, s0;
	s1 =	ssub.s32 s1, s24  }
0xf: {  	s6 =	sor.u32 $0x1C05, s25;
	s9 =	sadd.s32 s11, s12;
	s14 =	sshrl.u32 s14, $0x3  }
0x10: {  	s16 =	sshrl.u32 s16, $0x3;
	s24 =	simm.s32 $0x2;
	s25 =	simm.s32 $0x2880  }
0x11: {  	s5 =	sshrl.u32 s5, $0x3;
	s7 =	sadd.s32 $0xEC600, s8;
	s8 =	sadd.s32 s10, s12  }
0x12: {  	s12 =	sadd.s32 $0x500, s12;
	s13 =	smax.u32 s1, $0x1;
	s0 =	sadd.s32 s5, s0  }
0x13: {  	s10 =	sadd.s32 s10, s12;
	s11 =	sadd.s32 s11, s12;
	s26 =	sadd.s32 $0xC4600, s0  }
0x14: {  	s12 =	sadd.s32 $0x100600, s0;
	[dreg:$0x4] =	wrdreg s26;
	s26 =	simm.s32 $0x4  }
.LBB2_1:
0x15: {  	s0 =	rddreg [dreg:$0x4]  }
0x16: {  	[spmem:s14], [sflag:s6] =	dma.local [hbm:s0], $0x1400  }
0x17: {  	_ =	swait.ge [sflag:s15], $0x1400  }
0x18: {  	[sflag:s15] =	ssyncset.done $0x0  }
0x19: {  	[sflag:s15] =	ssyncadd.s32 $0xFFFFEC00  }
0x1a: {  	[spmem:s16], [sflag:s6] =	dma.local [hbm:s7], $0x1400  }
0x1b: {  	_ =	swait.ge [sflag:s15], $0x1400  }
0x1c: {  	[sflag:s15] =	ssyncset.done $0x0  }
0x1d: {  	[sflag:s15] =	ssyncadd.s32 $0xFFFFEC00  }
0x1e: {  	[bflag:$0x0] =	sbarrier.arrive $0xFFFF  }
0x1f: {  	[tilespmem:s4], [sflag:$0x5] =	stream.linear.gather [hbm4b:s8+s4], $0x2800, $0x38;
	[tilespmem:$0x1D000] =	vst v63  }
0x20: {  	_ =	swait.ge [sflag:s15], $0x2800  }
0x21: {  	[sflag:s15] =	ssyncset.done $0x0  }
0x22: {  	[sflag:s15] =	ssyncadd.s32 $0xFFFFD800  }
0x23: {  	[tilespmem:s17], [sflag:$0x5] =	stream.linear.gather [hbm4b:s9+s4], $0x2800, $0x38;
	[tilespmem:$0x1D000] =	vst v63  }
0x24: {  	_ =	swait.ge [sflag:s15], $0x2800  }
0x25: {  	[sflag:s15] =	ssyncset.done $0x0  }
0x26: {  	[sflag:s15] =	ssyncadd.s32 $0xFFFFD800  }
0x27: {  	[tilespmem:s19], [sflag:$0x1] =	stream.indirect.gather [spmem:s2], $0x40, s4, s18, $0xb8;
	[tilespmem:$0x1D000] =	vst v63  }
0x28: {  	_ = 	snop  }
0x29: {  	[tilespmem:s20], [sflag:$0x2] =	stream.indirect.gather [spmem:s2], $0x40, s18, s18, $0xb8;
	[tilespmem:$0x1D000] =	vst v63  }
0x2a: {  	_ =	swait.ge [sflag:s21], $0x2000  }
0x2b: {  	[sflag:s21] =	ssyncset.done $0x0  }
0x2c: {  	[sflag:s21] =	ssyncadd.s32 $0xFFFFE000  }
0x2d: {  	[spmem:s3] =	stream.indirect.scatter.add.f32 [tilespmem:s19], [sflag:$0x3], $0x40, s17, s18, $0xb8;
	[tilespmem:$0x1D000] =	vst v63  }
0x2e: {  	_ =	swait.ge [sflag:s22], $0x2000  }
0x2f: {  	[sflag:s22] =	ssyncset.done $0x0  }
0x30: {  	[sflag:s22] =	ssyncadd.s32 $0xFFFFE000  }
0x31: {  	[tilespmem:s19], [sflag:$0x1] =	stream.indirect.gather [spmem:s2], $0x40, s23, s18, $0xb8;
	[tilespmem:$0x1D000] =	vst v63  }
0x32: {  	_ =	swait.ge [sflag:s24], $0x2000  }
0x33: {  	[sflag:s24] =	ssyncset.done $0x0  }
0x34: {  	[sflag:s24] =	ssyncadd.s32 $0xFFFFE000  }
0x35: {  	[spmem:s3] =	stream.indirect.scatter.add.f32 [tilespmem:s20], [sflag:$0x4], $0x40, s25, s18, $0xb8;
	[tilespmem:$0x1D000] =	vst v63  }
0x36: {  	_ =	swait.ge [sflag:s26], $0x2000  }
0x37: {  	[sflag:s26] =	ssyncset.done $0x0  }
0x38: {  	s5 =	simm.s32 $0x180;
	[sflag:s26] =	ssyncadd.s32 $0xFFFFE000  }
0x39: {  	[tilespmem:s20], [sflag:$0x2] =	stream.indirect.gather [spmem:s2], $0x40, s5, s18, $0xb8;
	[tilespmem:$0x1D000] =	vst v63  }
0x3a: {  	_ =	swait.ge [sflag:s21], $0x2000  }
0x3b: {  	[sflag:s21] =	ssyncset.done $0x0  }
0x3c: {  	s1 =	simm.s32 $0x2900;
	[sflag:s21] =	ssyncadd.s32 $0xFFFFE000  }
0x3d: {  	[spmem:s3] =	stream.indirect.scatter.add.f32 [tilespmem:s19], [sflag:$0x3], $0x40, s1, s18, $0xb8;
	[tilespmem:$0x1D000] =	vst v63  }
0x3e: {  	_ =	swait.ge [sflag:s22], $0x2000  }
0x3f: {  	[sflag:s22] =	ssyncset.done $0x0  }
0x40: {  	s5 =	simm.s32 $0x200;
	[sflag:s22] =	ssyncadd.s32 $0xFFFFE000  }
0x41: {  	[tilespmem:s19], [sflag:$0x1] =	stream.indirect.gather [spmem:s2], $0x40, s5, s18, $0xb8;
	[tilespmem:$0x1D000] =	vst v63  }
0x42: {  	_ =	swait.ge [sflag:s24], $0x2000  }
0x43: {  	[sflag:s24] =	ssyncset.done $0x0  }
0x44: {  	s0 =	simm.s32 $0xFFFF6C00;
	s1 =	simm.s32 $0x2980;
	[sflag:s24] =	ssyncadd.s32 $0xFFFFE000  }
.LBB2_2:
0x45: {  	[spmem:s3] =	stream.indirect.scatter.add.f32 [tilespmem:s20], [sflag:$0x4], $0x40, s1, s18, $0xb8;
	[tilespmem:$0x1D000] =	vst v63  }
0x46: {  	s1 =	smov.u32 s0  }
0x47: {  	p0 =	sne.s32 s0, $0xFFFFFC00;
	s0 =	sadd.s32 $0x400, s0;
	_ =	swait.ge [sflag:s26], $0x2000  }
0x48: {  	s1 =	sshra.s32 s1, $0x2;
	[sflag:s26] =	ssyncset.done $0x0  }
0x49: {  	s5 =	sadd.s32 $0x2780, s1;
	[sflag:s26] =	ssyncadd.s32 $0xFFFFE000  }
0x4a: {  	[tilespmem:s20], [sflag:$0x2] =	stream.indirect.gather [spmem:s2], $0x40, s5, s18, $0xb8;
	[tilespmem:$0x1D000] =	vst v63  }
0x4b: {  	_ =	swait.ge [sflag:s21], $0x2000  }
0x4c: {  	[sflag:s21] =	ssyncset.done $0x0  }
0x4d: {  	s5 =	sadd.s32 $0x4F00, s1;
	[sflag:s21] =	ssyncadd.s32 $0xFFFFE000  }
0x4e: {  	[spmem:s3] =	stream.indirect.scatter.add.f32 [tilespmem:s19], [sflag:$0x3], $0x40, s5, s18, $0xb8;
	[tilespmem:$0x1D000] =	vst v63  }
0x4f: {  	_ =	swait.ge [sflag:s22], $0x2000  }
0x50: {  	[sflag:s22] =	ssyncset.done $0x0  }
.Ltmp0:
0x51: {  	s5 =	sadd.s32 $0x2800, s1;
	[sflag:s22] =	ssyncadd.s32 $0xFFFFE000;
	(pc) =	sbr.rel @p0 .LBB2_2-.Ltmp0, $4  }
0x52: {  	[tilespmem:s19], [sflag:$0x1] =	stream.indirect.gather [spmem:s2], $0x40, s5, s18, $0xb8;
	[tilespmem:$0x1D000] =	vst v63  }
0x53: {  	_ =	swait.ge [sflag:s24], $0x2000  }
0x54: {  	[sflag:s24] =	ssyncset.done $0x0  }
0x55: {  	s1 =	sadd.s32 $0x4F80, s1;
	[sflag:s24] =	ssyncadd.s32 $0xFFFFE000  }
0x56: {  	[spmem:s3] =	stream.indirect.scatter.add.f32 [tilespmem:s20], [sflag:$0x4], $0x40, s1, s18, $0xb8;
	[tilespmem:$0x1D000] =	vst v63  }
0x57: {  	_ =	swait.ge [sflag:s26], $0x2000  }
0x58: {  	[sflag:s26] =	ssyncset.done $0x0  }
0x59: {  	[sflag:s26] =	ssyncadd.s32 $0xFFFFE000  }
0x5a: {  	[tilespmem:s20], [sflag:$0x2] =	stream.indirect.gather [spmem:s2], $0x40, s28, s18, $0xb8;
	[tilespmem:$0x1D000] =	vst v63  }
0x5b: {  	_ =	swait.ge [sflag:s21], $0x2000  }
0x5c: {  	[sflag:s21] =	ssyncset.done $0x0  }
0x5d: {  	[sflag:s21] =	ssyncadd.s32 $0xFFFFE000  }
0x5e: {  	[spmem:s3] =	stream.indirect.scatter.add.f32 [tilespmem:s19], [sflag:$0x3], $0x40, s29, s18, $0xb8;
	[tilespmem:$0x1D000] =	vst v63  }
0x5f: {  	_ =	swait.ge [sflag:s22], $0x2000  }
0x60: {  	[sflag:s22] =	ssyncset.done $0x0  }
0x61: {  	[sflag:s22] =	ssyncadd.s32 $0xFFFFE000  }
0x62: {  	_ =	swait.ge [sflag:s24], $0x2000  }
0x63: {  	[sflag:s24] =	ssyncset.done $0x0  }
0x64: {  	[sflag:s24] =	ssyncadd.s32 $0xFFFFE000  }
0x65: {  	[spmem:s3] =	stream.indirect.scatter.add.f32 [tilespmem:s20], [sflag:$0x4], $0x40, s30, s18, $0xb8;
	[tilespmem:$0x1D000] =	vst v63  }
0x66: {  	_ =	swait.ge [sflag:s26], $0x2000  }
0x67: {  	[sflag:s26] =	ssyncset.done $0x0  }
0x68: {  	[sflag:s26] =	ssyncadd.s32 $0xFFFFE000  }
0x69: {  	[tilespmem:s4], [sflag:$0x5] =	stream.linear.gather [hbm4b:s10+s4], $0x2800, $0x38;
	[tilespmem:$0x1D000] =	vst v63  }
0x6a: {  	_ =	swait.ge [sflag:s15], $0x2800  }
0x6b: {  	[sflag:s15] =	ssyncset.done $0x0  }
0x6c: {  	[sflag:s15] =	ssyncadd.s32 $0xFFFFD800  }
0x6d: {  	[tilespmem:s17], [sflag:$0x5] =	stream.linear.gather [hbm4b:s11+s4], $0x2800, $0x38;
	[tilespmem:$0x1D000] =	vst v63  }
0x6e: {  	_ =	swait.ge [sflag:s15], $0x2800  }
0x6f: {  	[sflag:s15] =	ssyncset.done $0x0  }
0x70: {  	[sflag:s15] =	ssyncadd.s32 $0xFFFFD800  }
0x71: {  	[tilespmem:s19], [sflag:$0x1] =	stream.indirect.gather [spmem:s2], $0x40, s4, s18, $0xb8;
	[tilespmem:$0x1D000] =	vst v63  }
0x72: {  	_ = 	snop  }
0x73: {  	[tilespmem:s20], [sflag:$0x2] =	stream.indirect.gather [spmem:s2], $0x40, s18, s18, $0xb8;
	[tilespmem:$0x1D000] =	vst v63  }
0x74: {  	_ =	swait.ge [sflag:s21], $0x2000  }
0x75: {  	[sflag:s21] =	ssyncset.done $0x0  }
0x76: {  	[sflag:s21] =	ssyncadd.s32 $0xFFFFE000  }
0x77: {  	[spmem:s3] =	stream.indirect.scatter.add.f32 [tilespmem:s19], [sflag:$0x3], $0x40, s17, s18, $0xb8;
	[tilespmem:$0x1D000] =	vst v63  }
0x78: {  	_ =	swait.ge [sflag:s22], $0x2000  }
0x79: {  	[sflag:s22] =	ssyncset.done $0x0  }
0x7a: {  	[sflag:s22] =	ssyncadd.s32 $0xFFFFE000  }
0x7b: {  	[tilespmem:s19], [sflag:$0x1] =	stream.indirect.gather [spmem:s2], $0x40, s23, s18, $0xb8;
	[tilespmem:$0x1D000] =	vst v63  }
0x7c: {  	_ =	swait.ge [sflag:s24], $0x2000  }
0x7d: {  	[sflag:s24] =	ssyncset.done $0x0  }
0x7e: {  	[sflag:s24] =	ssyncadd.s32 $0xFFFFE000  }
0x7f: {  	[spmem:s3] =	stream.indirect.scatter.add.f32 [tilespmem:s20], [sflag:$0x4], $0x40, s25, s18, $0xb8;
	[tilespmem:$0x1D000] =	vst v63  }
0x80: {  	_ =	swait.ge [sflag:s26], $0x2000  }
0x81: {  	[sflag:s26] =	ssyncset.done $0x0  }
0x82: {  	s0 =	simm.s32 $0x180;
	[sflag:s26] =	ssyncadd.s32 $0xFFFFE000  }
0x83: {  	[tilespmem:s20], [sflag:$0x2] =	stream.indirect.gather [spmem:s2], $0x40, s0, s18, $0xb8;
	[tilespmem:$0x1D000] =	vst v63  }
0x84: {  	_ =	swait.ge [sflag:s21], $0x2000  }
0x85: {  	[sflag:s21] =	ssyncset.done $0x0  }
0x86: {  	s1 =	simm.s32 $0x2900;
	[sflag:s21] =	ssyncadd.s32 $0xFFFFE000  }
0x87: {  	[spmem:s3] =	stream.indirect.scatter.add.f32 [tilespmem:s19], [sflag:$0x3], $0x40, s1, s18, $0xb8;
	[tilespmem:$0x1D000] =	vst v63  }
0x88: {  	_ =	swait.ge [sflag:s22], $0x2000  }
0x89: {  	[sflag:s22] =	ssyncset.done $0x0  }
0x8a: {  	s5 =	simm.s32 $0x200;
	[sflag:s22] =	ssyncadd.s32 $0xFFFFE000  }
0x8b: {  	[tilespmem:s19], [sflag:$0x1] =	stream.indirect.gather [spmem:s2], $0x40, s5, s18, $0xb8;
	[tilespmem:$0x1D000] =	vst v63  }
0x8c: {  	_ =	swait.ge [sflag:s24], $0x2000  }
0x8d: {  	[sflag:s24] =	ssyncset.done $0x0  }
0x8e: {  	s0 =	simm.s32 $0xFFFF6C00;
	s1 =	simm.s32 $0x2980;
	[sflag:s24] =	ssyncadd.s32 $0xFFFFE000  }
.LBB2_4:
0x8f: {  	[spmem:s3] =	stream.indirect.scatter.add.f32 [tilespmem:s20], [sflag:$0x4], $0x40, s1, s18, $0xb8;
	[tilespmem:$0x1D000] =	vst v63  }
0x90: {  	s1 =	smov.u32 s0  }
0x91: {  	p0 =	sne.s32 s0, $0xFFFFFC00;
	s0 =	sadd.s32 $0x400, s0;
	_ =	swait.ge [sflag:s26], $0x2000  }
0x92: {  	s1 =	sshra.s32 s1, $0x2;
	[sflag:s26] =	ssyncset.done $0x0  }
0x93: {  	s5 =	sadd.s32 $0x2780, s1;
	[sflag:s26] =	ssyncadd.s32 $0xFFFFE000  }
0x94: {  	[tilespmem:s20], [sflag:$0x2] =	stream.indirect.gather [spmem:s2], $0x40, s5, s18, $0xb8;
	[tilespmem:$0x1D000] =	vst v63  }
0x95: {  	_ =	swait.ge [sflag:s21], $0x2000  }
0x96: {  	[sflag:s21] =	ssyncset.done $0x0  }
0x97: {  	s5 =	sadd.s32 $0x4F00, s1;
	[sflag:s21] =	ssyncadd.s32 $0xFFFFE000  }
0x98: {  	[spmem:s3] =	stream.indirect.scatter.add.f32 [tilespmem:s19], [sflag:$0x3], $0x40, s5, s18, $0xb8;
	[tilespmem:$0x1D000] =	vst v63  }
0x99: {  	_ =	swait.ge [sflag:s22], $0x2000  }
0x9a: {  	[sflag:s22] =	ssyncset.done $0x0  }
.Ltmp1:
0x9b: {  	s5 =	sadd.s32 $0x2800, s1;
	[sflag:s22] =	ssyncadd.s32 $0xFFFFE000;
	(pc) =	sbr.rel @p0 .LBB2_4-.Ltmp1, $4  }
0x9c: {  	[tilespmem:s19], [sflag:$0x1] =	stream.indirect.gather [spmem:s2], $0x40, s5, s18, $0xb8;
	[tilespmem:$0x1D000] =	vst v63  }
0x9d: {  	_ =	swait.ge [sflag:s24], $0x2000  }
0x9e: {  	[sflag:s24] =	ssyncset.done $0x0  }
0x9f: {  	s1 =	sadd.s32 $0x4F80, s1;
	[sflag:s24] =	ssyncadd.s32 $0xFFFFE000  }
0xa0: {  	[spmem:s3] =	stream.indirect.scatter.add.f32 [tilespmem:s20], [sflag:$0x4], $0x40, s1, s18, $0xb8;
	[tilespmem:$0x1D000] =	vst v63  }
0xa1: {  	_ =	swait.ge [sflag:s26], $0x2000  }
0xa2: {  	[sflag:s26] =	ssyncset.done $0x0  }
0xa3: {  	[sflag:s26] =	ssyncadd.s32 $0xFFFFE000  }
0xa4: {  	[tilespmem:s20], [sflag:$0x2] =	stream.indirect.gather [spmem:s2], $0x40, s28, s18, $0xb8;
	[tilespmem:$0x1D000] =	vst v63  }
0xa5: {  	_ =	swait.ge [sflag:s21], $0x2000  }
0xa6: {  	[sflag:s21] =	ssyncset.done $0x0  }
0xa7: {  	[sflag:s21] =	ssyncadd.s32 $0xFFFFE000  }
0xa8: {  	[spmem:s3] =	stream.indirect.scatter.add.f32 [tilespmem:s19], [sflag:$0x3], $0x40, s29, s18, $0xb8;
	[tilespmem:$0x1D000] =	vst v63  }
0xa9: {  	_ =	swait.ge [sflag:s22], $0x2000  }
0xaa: {  	[sflag:s22] =	ssyncset.done $0x0  }
0xab: {  	[sflag:s22] =	ssyncadd.s32 $0xFFFFE000  }
0xac: {  	_ =	swait.ge [sflag:s24], $0x2000  }
0xad: {  	[sflag:s24] =	ssyncset.done $0x0  }
0xae: {  	[sflag:s24] =	ssyncadd.s32 $0xFFFFE000  }
0xaf: {  	[spmem:s3] =	stream.indirect.scatter.add.f32 [tilespmem:s20], [sflag:$0x4], $0x40, s30, s18, $0xb8;
	[tilespmem:$0x1D000] =	vst v63  }
0xb0: {  	_ =	swait.ge [sflag:s26], $0x2000  }
0xb1: {  	s31 =	sadd.s32 $0x1, s31;
	[sflag:s26] =	ssyncset.done $0x0  }
0xb2: {  	p0 =	sne.s32 s31, s13;
	[sflag:s26] =	ssyncadd.s32 $0xFFFFE000  }
.Ltmp2:
0xb3: {  	[bflag:$0x0] =	sbarrier.arrive $0xFFFF;
	(pc) =	sbr.rel @p0 .LBB2_1-.Ltmp2, $4  }
0xb4: {  	[hbm:s12], [sflag:s6] =	dma.local [spmem:s16], $0x1400  }
0xb5: {  	_ =	swait.ge [sflag:s15], $0x1400  }
0xb6: {  	[sflag:s15] =	ssyncset.done $0x0  }
0xb7: {  	[sflag:s15] =	ssyncadd.s32 $0xFFFFEC00  }
0xb8: {  	_ =	sfence.sel $0x180000  }
0xb9: {  	[bflag:$0x0] =	sbarrier.arrive $0xFFFF  }
0xba: {  	_ =	strace $0x9000004A  }
0xbb: {  	s0 =	stileid.u32;
	[bflag:$0x2] =	sbarrier.arrive $0xFFFF  }
0xbc: {  	p0 =	sne.s32 s0, $0x0;
	s0 =	rddreg [dreg:$0x3]  }
0xbd: {  	s0 =	sadd.s32 @!p0 $0x100000, s0  }
0xbe: {  	[sflag:s0] =	ssyncadd.tile.s32 @!p0 $0x1;
	_ =	shalt  }
.Lfunc_end2:
_tile_overlayer_lowered:
.L_overlay_start_2:
0xbf: {  	(tag) =	ssettag $0x2  }
0xc0: {  	s0 =	rddreg [dreg:$0x0];
	s2 =	stileid.u32  }
0xc1: {  	s1 =	rddreg [dreg:$0x1];
	p0 =	sne.s32 s2, $0x0  }
0xc2: {  	s3 =	rddreg [dreg:$0x2];
	[bflag:$0x3] =	sbarrier.arrive $0xFFFF;
	s2 =	simm.s32 @!p0 $0x1C05  }
0xc3: {  	[timem:s3], [sflag:s2] =	dma.local @!p0 [hbm:s0], s1  }
0xc4: {  	s0 =	simm.s32 @!p0 $0x5  }
0xc5: {  	_ =	swait.ge @!p0 [sflag:s0], s1  }
0xc6: {  	s1 =	ssub.s32 @!p0 $0x0, s1;
	[sflag:s0] =	ssyncset.done @!p0 $0x0  }
0xc7: {  	[sflag:s0] =	ssyncadd.s32 @!p0 s1  }
0xc8: {  	[bflag:$0x3] =	sbarrier.arrive $0xFFFF  }
0xc9: {  	_ =	shalt  }

// kernel: gcn_prop16.3.cloned.1.call-start
scs
__scs_entry_jumppad:
0x0: {  	(pc) =	sbr.rel $0x88, $3  }
0x1: {  	(tag) =	ssettag $0x0;
	lr =	simm.s32 $0x1  }
0x2: {  	[smem:$0x3F9B] =	sst lr;
	_ =	strace $0xD0000000  }
0x3: {  	_ = 	snop  }
0x4: {  	_ = 	snop  }
0x5: {  	_ = 	snop  }
0x6: {  	_ = 	snop  }
0x7: {  	_ = 	snop  }
__scs_overlays_trampoline_lowered:
0x8: {  	[smem:$0x3FAA] =	sst s0  }
0x9: {  	[smem:$0x3FAB] =	sst s1  }
0xa: {  	[smem:$0x3FAC] =	sst s2  }
0xb: {  	[smem:$0x3FAD] =	sst s3  }
0xc: {  	[smem:$0x3FAE] =	sst s4  }
0xd: {  	[smem:$0x3FAF] =	sst s5  }
0xe: {  	[smem:$0x3FB0] =	sst s6  }
0xf: {  	[smem:$0x3FB1] =	sst s7  }
0x10: {  	[smem:$0x3FB2] =	sst s8  }
0x11: {  	[smem:$0x3FB3] =	sst s9;
	s0 =	simm.s32 @!p0 $0x0  }
0x12: {  	s1 =	sld [smem:$0x3F99];
	s0 =	simm.s32 @p0 $0x1  }
0x13: {  	[smem:$0x3FB4] =	sst s0;
	s0 =	simm.s32 @!p1 $0x0  }
0x14: {  	s2 =	sld [smem:$0x3F98];
	s0 =	simm.s32 @p1 $0x1  }
0x15: {  	[smem:$0x3FB5] =	sst s0;
	s0 =	simm.s32 @!p2 $0x0  }
0x16: {  	s3 =	sld [smem:$0x3FDB];
	s0 =	simm.s32 @p2 $0x1  }
0x17: {  	s4 =	simm.s32 $0x1BF5;
	[smem:$0x3FB7] =	sst s0  }
0x18: {  	s0 =	sld [smem:$0x3F9A];
	_ =	swait.ge [sflag:s4], $0x0  }
0x19: {  	s7 =	sld [smem:$0x3F9B]  }
0x1a: {  	s8 =	sadd.s32 $0xFFFFE003, lr  }
0x1b: {  	s9 =	sadd.s32 $0xFFFFFEF7, lr;
	s5 =	simm.s32 $0xFFFFFFFF;
	p2 =	slt.u32 s8, $0xFFFFF086  }
0x1c: {  	p1 =	slt.u32 s9, $0xF7A;
	s5 =	simm.s32 @!p2 $0x0  }
0x1d: {  	s5 =	simm.s32 @p1 $0x1;
	p0 =	seq.s32 s7, s2  }
0x1e: {  	s7 =	smul.u32 @!p0 $0xF7A, s2;
	p2 =	seq.s32 @!p0 s5, $0x0  }
0x1f: {  	s9 =	smul.u32 $0xF7A, s1;
	s8 =	simm.s32 @!p0 $0x1BF5;
	p2 =	por !p2, p0  }
0x20: {  	[sflag:s8] =	ssyncset.s32 @!p0 $0xFFFFF086;
	s6 =	sadd.s32 @!p0 s3, s7;
	s7 =	simm.s32 @!p0 $0x108  }
0x21: {  	s3 =	sadd.s32 s3, s9;
	s6 =	sadd.s32 @!p0 $0x88, s6;
	s7 =	simm.s32 @p2 $0x1082  }
0x22: {  	[simem:s7], [sflag:s8] =	dma.local @!p0 [hbm:s6], $0xF7A  }
0x23: {  	s9 =	sor.u32 $0xD0000000, s2;
	s6 =	simm.s32 $0x108;
	_ =	swait.ge @!p0 [sflag:s8], $0x0  }
0x24: {  	s3 =	sadd.s32 $0x88, s3;
	s6 =	simm.s32 @!p1 $0x1082;
	[sflag:s4] =	ssyncset.s32 $0xFFFFF086  }
0x25: {  	[simem:s6], [sflag:s4] =	dma.local [hbm:s3], $0xF7A  }
0x26: {  	[smem:$0x3F9B] =	sst s1;
	(tag) =	ssettag s2;
	_ =	strace s9  }
0x27: {  	s1 =	sld [smem:$0x3FAB]  }
0x28: {  	s2 =	sld [smem:$0x3FAC]  }
0x29: {  	s4 =	sld [smem:$0x3FAE]  }
0x2a: {  	p0 =	seq.s32 s5, $0x0;
	s5 =	sld [smem:$0x3FAF]  }
0x2b: {  	s6 =	sld [smem:$0x3FB0]  }
0x2c: {  	s7 =	sld [smem:$0x3FB1]  }
0x2d: {  	s3 =	simm.s32 $0x108;
	s8 =	sld [smem:$0x3FB2]  }
0x2e: {  	s3 =	simm.s32 @!p0 $0x1082;
	s9 =	sld [smem:$0x3FB3]  }
0x2f: {  	lr =	sadd.s32 s0, s3;
	s0 =	sld [smem:$0x3FAA]  }
0x30: {  	s3 =	sld [smem:$0x3FAD]  }
0x31: {  	[smem:$0x3FB6] =	sst s10  }
0x32: {  	s10 =	sld [smem:$0x3FB4];
	_ =	sdelay $0x3  }
0x33: {  	p0 =	seq.s32 s10, $0x1;
	s10 =	sld [smem:$0x3FB6];
	_ =	sdelay $0x3  }
0x34: {  	[smem:$0x3FB6] =	sst s10  }
0x35: {  	s10 =	sld [smem:$0x3FB5];
	_ =	sdelay $0x3  }
0x36: {  	p1 =	seq.s32 s10, $0x1;
	s10 =	sld [smem:$0x3FB6];
	_ =	sdelay $0x3  }
0x37: {  	[smem:$0x3FB6] =	sst s10  }
0x38: {  	s10 =	sld [smem:$0x3FB7]  }
0x39: {  	_ = 	snop;
	(pc) =	sbr.ind lr, $3  }
0x3a: {  	_ = 	snop  }
0x3b: {  	_ = 	snop  }
0x3c: {  	p2 =	seq.s32 s10, $0x1;
	s10 =	sld [smem:$0x3FB6]  }
0x3d: {  	_ =	shalt  }
0x3e: {  	_ =	shalt  }
0x3f: {  	_ =	shalt  }
0x40: {  	_ =	shalt  }
0x41: {  	_ =	shalt  }
0x42: {  	_ =	shalt  }
0x43: {  	_ =	shalt  }
0x44: {  	_ =	shalt  }
0x45: {  	_ =	shalt  }
0x46: {  	_ =	shalt  }
0x47: {  	_ =	shalt  }
0x48: {  	_ =	shalt  }
0x49: {  	_ =	shalt  }
0x4a: {  	_ =	shalt  }
0x4b: {  	_ =	shalt  }
0x4c: {  	_ =	shalt  }
0x4d: {  	_ =	shalt  }
0x4e: {  	_ =	shalt  }
0x4f: {  	_ =	shalt  }
0x50: {  	_ =	shalt  }
0x51: {  	_ =	shalt  }
0x52: {  	_ =	shalt  }
0x53: {  	_ =	shalt  }
0x54: {  	_ =	shalt  }
0x55: {  	_ =	shalt  }
0x56: {  	_ =	shalt  }
0x57: {  	_ =	shalt  }
0x58: {  	_ =	shalt  }
0x59: {  	_ =	shalt  }
0x5a: {  	_ =	shalt  }
0x5b: {  	_ =	shalt  }
0x5c: {  	_ =	shalt  }
0x5d: {  	_ =	shalt  }
0x5e: {  	_ =	shalt  }
0x5f: {  	_ =	shalt  }
0x60: {  	_ =	shalt  }
0x61: {  	_ =	shalt  }
0x62: {  	_ =	shalt  }
0x63: {  	_ =	shalt  }
0x64: {  	_ =	shalt  }
0x65: {  	_ =	shalt  }
0x66: {  	_ =	shalt  }
0x67: {  	_ =	shalt  }
0x68: {  	_ =	shalt  }
0x69: {  	_ =	shalt  }
0x6a: {  	_ =	shalt  }
0x6b: {  	_ =	shalt  }
0x6c: {  	_ =	shalt  }
0x6d: {  	_ =	shalt  }
0x6e: {  	_ =	shalt  }
0x6f: {  	_ =	shalt  }
0x70: {  	_ =	shalt  }
0x71: {  	_ =	shalt  }
0x72: {  	_ =	shalt  }
0x73: {  	_ =	shalt  }
0x74: {  	_ =	shalt  }
0x75: {  	_ =	shalt  }
0x76: {  	_ =	shalt  }
0x77: {  	_ =	shalt  }
0x78: {  	_ =	shalt  }
0x79: {  	_ =	shalt  }
0x7a: {  	_ =	shalt  }
0x7b: {  	_ =	shalt  }
0x7c: {  	_ =	shalt  }
0x7d: {  	_ =	shalt  }
0x7e: {  	_ =	shalt  }
0x7f: {  	_ =	shalt  }
0x80: {  	_ =	shalt  }
0x81: {  	_ =	shalt  }
0x82: {  	_ =	shalt  }
0x83: {  	_ =	shalt  }
0x84: {  	_ =	shalt  }
0x85: {  	_ =	shalt  }
0x86: {  	_ =	shalt  }
0x87: {  	_ =	shalt  }
.Lfunc_end0:
.L_simem_size_0:
called_computation.2_lowered:
.L_overlay_start_0:
0x88: {  	s2 =	sld [smem:$0x3FD9]  }
0x89: {  	s3 =	sld [smem:$0x3FFE];
	_ =	sdelay $0x1  }
0x8a: {  	s1 =	srdreg.scid  }
0x8b: {  	s0 =	sand.u32 $0x1, s1  }
0x8c: {  	s16 =	sshll.u32 s0, $0xA;
	s2 =	sadd.s32 s3, s2  }
0x8d: {  	s2 =	sadd.s32 s2, s16  }
0x8e: {  	[smem:$0x3FC2] =	sst s2  }
0x8f: {  	_ = 	snop  }
0x90: {  	(tm) =	ssettm $0x1  }
0x91: {  	s17 =	sld [smem:$0x3FFB];
	_ =	sdelay $0x3  }
0x92: {  	_ =	strace s17  }
0x93: {  	s2 =	sld [smem:$0x3FFC];
	_ =	sdelay $0x3  }
0x94: {  	_ =	strace s2  }
0x95: {  	s2 =	sld [smem:$0x3FFD];
	_ =	sdelay $0x3  }
0x96: {  	_ =	strace s2  }
0x97: {  	_ =	strace $0x8FFFFFFF  }
0x98: {  	s18 =	sld [smem:$0x3FDB];
	_ =	sdelay $0x1  }
0x99: {  	s19 =	simm.s32 $_scs_section_size  }
0x9a: {  	s4 =	simm.s32 $_size__tile_overlayer_lowered;
	s5 =	simm.s32 $_tile_overlayer_lowered  }
0x9b: {  	s22 =	simm.s32 $0x1BFF;
	s21 =	sshll.u32 s5, $0x1;
	s2 =	sadd.s32 s19, s18  }
0x9c: {  	s6 =	simm.s32 $0x0;
	s20 =	sshll.u32 s4, $0x1;
	s4 =	sadd.s32 s21, s2  }
0x9d: {  	[timem:s6], [sflag:s22] =	dma.local [hbm:s4], s20  }
0x9e: {  	_ =	swait.ge [sflag:s22], s20  }
0x9f: {  	s3 =	ssub.s32 $0x0, s20;
	[sflag:s22] =	ssyncset.done $0x0  }
0xa0: {  	[sflag:s22] =	ssyncadd.s32 s3;
	_ =	sdelay $0x1  }
0xa1: {  	s23 =	simm.s32 $0x1B8B  }
0xa2: {  	_ =	swait.ge [sflag:s23], $0x1  }
0xa3: {  	[sflag:s23] =	ssyncset.done $0x0  }
0xa4: {  	s25 =	simm.s32 $0x1B8E;
	s24 =	sld [smem:$0x3FFE];
	[sflag:s23] =	ssyncadd.s32 $0xFFFFFFFF  }
0xa5: {  	s26 =	simm.s32 $execute0_lowered;
	[smem:$0x3FD2] =	sst s25  }
0xa6: {  	s4 =	sshll.u32 s26, $0x1;
	_ =	strace $0x8000004C;
	[dreg:$0x1] =	wrdreg $0xFFFFFFFF  }
0xa7: {  	s28 =	simm.s32 $_size_execute0_lowered;
	s2 =	sadd.s32 s2, s4;
	[dreg:$0x0] =	wrdreg $0x0  }
0xa8: {  	s4 =	sshll.u32 s28, $0x1;
	[dreg:$0x2] =	wrdreg s2  }
0xa9: {  	[dreg:$0x3] =	wrdreg s4  }
0xaa: {  	[dreg:$0x4] =	wrdreg $0xC0  }
0xab: {  	_ =	task [dreg:s6], $0x5FFFF  }
0xac: {  	[dreg:$0x1] =	wrdreg $0xFFFFFFFF  }
0xad: {  	[dreg:$0x0] =	wrdreg $0x60  }
0xae: {  	[dreg:$0x2] =	wrdreg s24  }
0xaf: {  	[dreg:$0x3] =	wrdreg $0x60000  }
0xb0: {  	[dreg:$0x4] =	wrdreg $0x88000  }
0xb1: {  	[dreg:$0x5] =	wrdreg $0x9  }
0xb2: {  	_ =	task.clear_ibuf [dreg:s6], $0x6FFFF;
	_ =	strace $0x9000004C  }
0xb3: {  	s29 =	simm.s32 $0x9;
	_ =	strace $0x8000004E  }
0xb4: {  	_ =	swait.ge [sflag:s29], $0x1  }
0xb5: {  	[sflag:s29] =	ssyncadd.s32 $0xFFFFFFFF  }
0xb6: {  	_ =	strace $0x9000004E  }
0xb7: {  	_ =	sfence  }
0xb8: {  	s30 =	sld [smem:$0x0];
	_ =	sdelay $0x2  }
0xb9: {  	s31 =	sshll.u32 s1, $0xD;
	s1 =	sshrl.u32 s1, $0x2  }
0xba: {  	s3 =	sand.u32 $0x4000, s31;
	s1 =	sadd.s32 s1, s30  }
0xbb: {  	s0 =	sor.u32 s3, s0;
	s1 =	sshll.u32 s1, $0x11  }
0xbc: {  	s0 =	sor.u32 s1, s0  }
0xbd: {  	s0 =	sadd.s32 $0x8F2B, s0  }
0xbe: {  	[sflag:s0] =	ssyncadd.remote.s32 $0x1  }
0xbf: {  	_ =	sfence.sel $0xFFFF  }
0xc0: {  	[dreg:$0x0] =	wrdreg $0xFFFFFFFF;
	(pc) =	sbr.abs _section_cstart, $3  }
0xc1: {  	[dreg:$0x1] =	wrdreg $0xFFFFFFFF  }
0xc2: {  	_ =	task.clear_ibuf [dreg:s6], $0x2FFFF;
	_ =	strace $0x9FFFFFFF  }
0xc3: {  	(tm) =	ssettm $0x7FFFFFFF  }
tec
execute0_lowered:
.L_overlay_start_1:
0x0: {  	(tag) =	ssettag $0x1  }
0x1: {  	s6 =	rddreg [dreg:$0x0]  }
0x2: {  	s2 =	rddreg [dreg:$0x1]  }
0x3: {  	s0 =	srdreg.scid;
	s3 =	rddreg [dreg:$0x2];
	s4 =	simm.s32 $0x0  }
0x4: {  	s15 =	simm.s32 $0x2800;
	s16 =	simm.s32 $0x80;
	s17 =	simm.s32 $0x5000  }
0x5: {  	s18 =	simm.s32 $0x5800;
	s19 =	simm.s32 $0x1;
	s20 =	simm.s32 $0x3  }
0x6: {  	s21 =	simm.s32 $0x100;
	s22 =	simm.s32 $0x2;
	s23 =	simm.s32 $0x2880  }
0x7: {  	s24 =	simm.s32 $0x4;
	s25 =	simm.s32 $0x2780;
	s28 =	simm.s32 $0x4F80  }
0x8: {  	s29 =	simm.s32 $0x0;
	s5 =	sand.u32 $0x1, s0;
	s0 =	stileid.u32  }
0x9: {  	[smem:$0x7FF] =	sst s4;
	s1 =	sshll.u32 s5, $0x4;
	s8 =	smul.u32 $0x2800, s0  }
0xa: {  	s9 =	smul.u32 $0x28000, s5;
	_ =	strace $0x8000004D;
	s5 =	ssub.s32 $0x2, s5  }
0xb: {  	s31 =	sshll.u32 s0, $0x6;
	s1 =	sor.u32 s0, s1;
	s11 =	sshrl.u32 s5, $0x1  }
0xc: {  	s7 =	smul.u32 $0x500, s1;
	s26 =	sadd.s32 s8, s9;
	s30 =	sshrl.u32 s8, $0x3  }
0xd: {  	s11 =	ssub.s32 s5, s11;
	s13 =	sadd.s32 s8, s2;
	s14 =	sadd.s32 s8, s3  }
0xe: {  	s9 =	sadd.s32 s30, s6;
	s11 =	smax.u32 s11, $0x1;
	s14 =	sshrl.u32 s14, $0x3  }
0xf: {  	s10 =	sadd.s32 s7, s6;
	s7 =	sshrl.u32 s26, $0x3;
	s5 =	sadd.s32 $0x10600, s9  }
0x10: {  	s26 =	simm.s32 $0x4F00;
	s12 =	sadd.s32 s7, s6;
	s6 =	sor.u32 $0x1C05, s31  }
0x11: {  	s7 =	sadd.s32 $0xB600, s9;
	s8 =	sadd.s32 $0x1A600, s10;
	s9 =	sadd.s32 $0x1600, s10  }
0x12: {  	s10 =	sadd.s32 $0x74600, s12;
	s12 =	sshrl.u32 s13, $0x3;
	s13 =	simm.s32 $0x5  }
.LBB2_1:
0x13: {  	[spmem:s12], [sflag:s6] =	dma.local [hbm:s5], $0x500  }
0x14: {  	_ =	swait.ge [sflag:s13], $0x500  }
0x15: {  	[sflag:s13] =	ssyncset.done $0x0  }
0x16: {  	[sflag:s13] =	ssyncadd.s32 $0xFFFFFB00  }
0x17: {  	[spmem:s14], [sflag:s6] =	dma.local [hbm:s7], $0x500  }
0x18: {  	_ =	swait.ge [sflag:s13], $0x500  }
0x19: {  	[sflag:s13] =	ssyncset.done $0x0  }
0x1a: {  	[sflag:s13] =	ssyncadd.s32 $0xFFFFFB00  }
0x1b: {  	[bflag:$0x0] =	sbarrier.arrive $0xFFFF  }
0x1c: {  	[tilespmem:s4], [sflag:$0x5] =	stream.linear.gather [hbm4b:s8+s4], $0x2800, $0x38;
	[tilespmem:$0xB000] =	vst v63  }
0x1d: {  	_ =	swait.ge [sflag:s13], $0x2800  }
0x1e: {  	[sflag:s13] =	ssyncset.done $0x0  }
0x1f: {  	[sflag:s13] =	ssyncadd.s32 $0xFFFFD800  }
0x20: {  	[tilespmem:s15], [sflag:$0x5] =	stream.linear.gather [hbm4b:s9+s4], $0x2800, $0x38;
	[tilespmem:$0xB000] =	vst v63  }
0x21: {  	_ =	swait.ge [sflag:s13], $0x2800  }
0x22: {  	[sflag:s13] =	ssyncset.done $0x0  }
0x23: {  	[sflag:s13] =	ssyncadd.s32 $0xFFFFD800  }
0x24: {  	[tilespmem:s17], [sflag:$0x1] =	stream.indirect.gather [spmem:s2], $0x10, s4, s16, $0xb8;
	[tilespmem:$0xB000] =	vst v63  }
0x25: {  	_ = 	snop  }
0x26: {  	[tilespmem:s18], [sflag:$0x2] =	stream.indirect.gather [spmem:s2], $0x10, s16, s16, $0xb8;
	[tilespmem:$0xB000] =	vst v63  }
0x27: {  	_ =	swait.ge [sflag:s19], $0x800  }
0x28: {  	[sflag:s19] =	ssyncset.done $0x0  }
0x29: {  	[sflag:s19] =	ssyncadd.s32 $0xFFFFF800  }
0x2a: {  	[spmem:s3] =	stream.indirect.scatter.add.f32 [tilespmem:s17], [sflag:$0x3], $0x10, s15, s16, $0xb8;
	[tilespmem:$0xB000] =	vst v63  }
0x2b: {  	_ =	swait.ge [sflag:s20], $0x800  }
0x2c: {  	[sflag:s20] =	ssyncset.done $0x0  }
0x2d: {  	[sflag:s20] =	ssyncadd.s32 $0xFFFFF800  }
0x2e: {  	[tilespmem:s17], [sflag:$0x1] =	stream.indirect.gather [spmem:s2], $0x10, s21, s16, $0xb8;
	[tilespmem:$0xB000] =	vst v63  }
0x2f: {  	_ =	swait.ge [sflag:s22], $0x800  }
0x30: {  	[sflag:s22] =	ssyncset.done $0x0  }
0x31: {  	[sflag:s22] =	ssyncadd.s32 $0xFFFFF800  }
0x32: {  	[spmem:s3] =	stream.indirect.scatter.add.f32 [tilespmem:s18], [sflag:$0x4], $0x10, s23, s16, $0xb8;
	[tilespmem:$0xB000] =	vst v63  }
0x33: {  	_ =	swait.ge [sflag:s24], $0x800  }
0x34: {  	[sflag:s24] =	ssyncset.done $0x0  }
0x35: {  	s30 =	simm.s32 $0x180;
	[sflag:s24] =	ssyncadd.s32 $0xFFFFF800  }
0x36: {  	[tilespmem:s18], [sflag:$0x2] =	stream.indirect.gather [spmem:s2], $0x10, s30, s16, $0xb8;
	[tilespmem:$0xB000] =	vst v63  }
0x37: {  	_ =	swait.ge [sflag:s19], $0x800  }
0x38: {  	[sflag:s19] =	ssyncset.done $0x0  }
0x39: {  	s30 =	simm.s32 $0x2900;
	[sflag:s19] =	ssyncadd.s32 $0xFFFFF800  }
0x3a: {  	[spmem:s3] =	stream.indirect.scatter.add.f32 [tilespmem:s17], [sflag:$0x3], $0x10, s30, s16, $0xb8;
	[tilespmem:$0xB000] =	vst v63  }
0x3b: {  	_ =	swait.ge [sflag:s20], $0x800  }
0x3c: {  	[sflag:s20] =	ssyncset.done $0x0  }
0x3d: {  	s30 =	simm.s32 $0x200;
	[sflag:s20] =	ssyncadd.s32 $0xFFFFF800  }
0x3e: {  	[tilespmem:s17], [sflag:$0x1] =	stream.indirect.gather [spmem:s2], $0x10, s30, s16, $0xb8;
	[tilespmem:$0xB000] =	vst v63  }
0x3f: {  	_ =	swait.ge [sflag:s22], $0x800  }
0x40: {  	[sflag:s22] =	ssyncset.done $0x0  }
0x41: {  	s31 =	simm.s32 $0x2980;
	s30 =	simm.s32 $0xFFFF6C00;
	[sflag:s22] =	ssyncadd.s32 $0xFFFFF800  }
.LBB2_2:
0x42: {  	[spmem:s3] =	stream.indirect.scatter.add.f32 [tilespmem:s18], [sflag:$0x4], $0x10, s31, s16, $0xb8;
	[tilespmem:$0xB000] =	vst v63  }
0x43: {  	s31 =	smov.u32 s30  }
0x44: {  	p0 =	sne.s32 s30, $0xFFFFFC00;
	s30 =	sadd.s32 $0x400, s30;
	_ =	swait.ge [sflag:s24], $0x800  }
0x45: {  	s31 =	sshra.s32 s31, $0x2;
	[sflag:s24] =	ssyncset.done $0x0  }
0x46: {  	s1 =	sadd.s32 $0x2780, s31;
	[sflag:s24] =	ssyncadd.s32 $0xFFFFF800  }
0x47: {  	[tilespmem:s18], [sflag:$0x2] =	stream.indirect.gather [spmem:s2], $0x10, s1, s16, $0xb8;
	[tilespmem:$0xB000] =	vst v63  }
0x48: {  	_ =	swait.ge [sflag:s19], $0x800  }
0x49: {  	[sflag:s19] =	ssyncset.done $0x0  }
0x4a: {  	s1 =	sadd.s32 $0x4F00, s31;
	[sflag:s19] =	ssyncadd.s32 $0xFFFFF800  }
0x4b: {  	[spmem:s3] =	stream.indirect.scatter.add.f32 [tilespmem:s17], [sflag:$0x3], $0x10, s1, s16, $0xb8;
	[tilespmem:$0xB000] =	vst v63  }
0x4c: {  	_ =	swait.ge [sflag:s20], $0x800  }
0x4d: {  	[sflag:s20] =	ssyncset.done $0x0  }
.Ltmp0:
0x4e: {  	s1 =	sadd.s32 $0x2800, s31;
	[sflag:s20] =	ssyncadd.s32 $0xFFFFF800;
	(pc) =	sbr.rel @p0 .LBB2_2-.Ltmp0, $4  }
0x4f: {  	[tilespmem:s17], [sflag:$0x1] =	stream.indirect.gather [spmem:s2], $0x10, s1, s16, $0xb8;
	[tilespmem:$0xB000] =	vst v63  }
0x50: {  	_ =	swait.ge [sflag:s22], $0x800  }
0x51: {  	[sflag:s22] =	ssyncset.done $0x0  }
0x52: {  	s31 =	sadd.s32 $0x4F80, s31;
	[sflag:s22] =	ssyncadd.s32 $0xFFFFF800  }
0x53: {  	[spmem:s3] =	stream.indirect.scatter.add.f32 [tilespmem:s18], [sflag:$0x4], $0x10, s31, s16, $0xb8;
	[tilespmem:$0xB000] =	vst v63  }
0x54: {  	_ =	swait.ge [sflag:s24], $0x800  }
0x55: {  	[sflag:s24] =	ssyncset.done $0x0  }
0x56: {  	[sflag:s24] =	ssyncadd.s32 $0xFFFFF800  }
0x57: {  	[tilespmem:s18], [sflag:$0x2] =	stream.indirect.gather [spmem:s2], $0x10, s25, s16, $0xb8;
	[tilespmem:$0xB000] =	vst v63  }
0x58: {  	_ =	swait.ge [sflag:s19], $0x800  }
0x59: {  	[sflag:s19] =	ssyncset.done $0x0  }
0x5a: {  	[sflag:s19] =	ssyncadd.s32 $0xFFFFF800  }
0x5b: {  	[spmem:s3] =	stream.indirect.scatter.add.f32 [tilespmem:s17], [sflag:$0x3], $0x10, s26, s16, $0xb8;
	[tilespmem:$0xB000] =	vst v63  }
0x5c: {  	_ =	swait.ge [sflag:s20], $0x800  }
0x5d: {  	[sflag:s20] =	ssyncset.done $0x0  }
0x5e: {  	[sflag:s20] =	ssyncadd.s32 $0xFFFFF800  }
0x5f: {  	_ =	swait.ge [sflag:s22], $0x800  }
0x60: {  	[sflag:s22] =	ssyncset.done $0x0  }
0x61: {  	[sflag:s22] =	ssyncadd.s32 $0xFFFFF800  }
0x62: {  	[spmem:s3] =	stream.indirect.scatter.add.f32 [tilespmem:s18], [sflag:$0x4], $0x10, s28, s16, $0xb8;
	[tilespmem:$0xB000] =	vst v63  }
0x63: {  	_ =	swait.ge [sflag:s24], $0x800  }
0x64: {  	s29 =	sadd.s32 $0x1, s29;
	[sflag:s24] =	ssyncset.done $0x0  }
0x65: {  	p0 =	sne.s32 s29, s11;
	[sflag:s24] =	ssyncadd.s32 $0xFFFFF800  }
.Ltmp1:
0x66: {  	[bflag:$0x0] =	sbarrier.arrive $0xFFFF;
	(pc) =	sbr.rel @p0 .LBB2_1-.Ltmp1, $4  }
0x67: {  	[hbm:s10], [sflag:s6] =	dma.local [spmem:s14], $0x500  }
0x68: {  	_ =	swait.ge [sflag:s13], $0x500  }
0x69: {  	[sflag:s13] =	ssyncset.done $0x0  }
0x6a: {  	[sflag:s13] =	ssyncadd.s32 $0xFFFFFB00  }
0x6b: {  	_ =	sfence.sel $0x180000  }
0x6c: {  	[bflag:$0x0] =	sbarrier.arrive $0xFFFF  }
0x6d: {  	_ =	strace $0x9000004D  }
0x6e: {  	[bflag:$0x2] =	sbarrier.arrive $0xFFFF  }
0x6f: {  	p0 =	sne.s32 s0, $0x0;
	s0 =	rddreg [dreg:$0x3]  }
0x70: {  	s0 =	sadd.s32 @!p0 $0x100000, s0  }
0x71: {  	[sflag:s0] =	ssyncadd.tile.s32 @!p0 $0x1;
	_ =	shalt  }
.Lfunc_end2:
_tile_overlayer_lowered:
.L_overlay_start_2:
0x72: {  	(tag) =	ssettag $0x2  }
0x73: {  	s0 =	rddreg [dreg:$0x0];
	s2 =	stileid.u32  }
0x74: {  	s1 =	rddreg [dreg:$0x1];
	p0 =	sne.s32 s2, $0x0  }
0x75: {  	s3 =	rddreg [dreg:$0x2];
	[bflag:$0x3] =	sbarrier.arrive $0xFFFF;
	s2 =	simm.s32 @!p0 $0x1C05  }
0x76: {  	[timem:s3], [sflag:s2] =	dma.local @!p0 [hbm:s0], s1  }
0x77: {  	s0 =	simm.s32 @!p0 $0x5  }
0x78: {  	_ =	swait.ge @!p0 [sflag:s0], s1  }
0x79: {  	s1 =	ssub.s32 @!p0 $0x0, s1;
	[sflag:s0] =	ssyncset.done @!p0 $0x0  }
0x7a: {  	[sflag:s0] =	ssyncadd.s32 @!p0 s1  }
0x7b: {  	[bflag:$0x3] =	sbarrier.arrive $0xFFFF  }
0x7c: {  	_ =	shalt  }

</sc_bundles>
